<compile_context>
chip_gen: v7x
topology: tpu7x:2x2x1
jax: 0.10.2.dev20260603
libtpu: 0.0.44.dev20260713+nightly
codegen_flags: <defaults>
</compile_context>

<pallas_src>
import functools

import jax
import jax.numpy as jnp
from jax import lax
from jax.experimental import pallas as pl
from jax.experimental.pallas import tpu as pltpu
from jax.experimental.pallas import tpu_sc as plsc

B, T, D_MODEL = 4, 8192, 768
N_EXPERTS = 64
TOP_K = 2
N_TOKENS = B * T
TOKEN_BLOCK = 4096
BLOCKS_PER_BATCH = T // TOKEN_BLOCK
N_BLOCKS = N_TOKENS // TOKEN_BLOCK


def _router_kernel(x_ref, wt_ref, idx_ref, scores_ref, probs_ref, imp_ref, load_ref):
    i = pl.program_id(0)

    @pl.when(i == 0)
    def _init():
        imp_ref[...] = jnp.zeros_like(imp_ref)
        load_ref[...] = jnp.zeros_like(load_ref)

    xb = x_ref[0]
    wt = wt_ref[...]
    logits = jax.lax.dot_general(
        wt, xb, (((1,), (1,)), ((), ())), preferred_element_type=jnp.float32
    )

    iota = jax.lax.broadcasted_iota(jnp.int32, logits.shape, 0)

    m1 = jnp.max(logits, axis=0, keepdims=True)
    is1 = logits == m1
    i1 = jnp.min(jnp.where(is1, iota, N_EXPERTS), axis=0, keepdims=True)
    oh1 = iota == i1

    masked = jnp.where(oh1, -jnp.inf, logits)
    m2 = jnp.max(masked, axis=0, keepdims=True)
    is2 = masked == m2
    i2 = jnp.min(jnp.where(is2, iota, N_EXPERTS), axis=0, keepdims=True)
    oh2 = iota == i2

    ex = jnp.exp(logits - m1)
    denom = jnp.sum(ex, axis=0, keepdims=True)
    probs = ex / denom
    probs_ref[0] = probs

    e2 = jnp.exp(m2 - m1)
    s1 = 1.0 / (1.0 + e2)
    s2 = 1.0 - s1
    scores_ref[0] = jnp.concatenate([s1, s2], axis=0)
    idx_ref[0] = jnp.concatenate([i1, i2], axis=0)

    imp_ref[...] += jnp.sum(probs, axis=1)
    load_ref[...] += jnp.sum(oh1.astype(jnp.float32) + oh2.astype(jnp.float32), axis=1)

    @pl.when(i == N_BLOCKS - 1)
    def _finish():
        imp_ref[...] = imp_ref[...] * (1.0 / N_TOKENS)
        load_ref[...] = load_ref[...] * (1.0 / (N_TOKENS * TOP_K))


_NC = 2
_NS = 16
_L = 16
_NW = _NC * _NS
_TOTAL_IDX = N_TOKENS * TOP_K
_CHUNK = _TOTAL_IDX // _NW
_GROUP = 512
_N_GROUPS = _CHUNK // _GROUP


_ROW = 128


def _sc_histogram_kernel(
    idx_hbm, ones_hbm, zeros_hbm, midx_hbm, out_hbm, idx_v, ones_v, acc_v, shared, shared2
):
    cid = lax.axis_index("c")
    sid = lax.axis_index("s")
    wid = sid * _NC + cid

    pltpu.sync_copy(zeros_hbm, acc_v)
    pltpu.sync_copy(acc_v, shared.at[pl.ds(sid * N_EXPERTS, N_EXPERTS)])

    @pl.when(sid == 0)
    def _init2():
        pltpu.sync_copy(acc_v, shared2)

    pltpu.sync_copy(ones_hbm, ones_v)
    plsc.subcore_barrier()

    for g in range(_N_GROUPS):
        pltpu.sync_copy(
            idx_hbm.at[pl.ds(wid * _CHUNK + g * _GROUP, _GROUP)], idx_v
        )
        for c in range(_GROUP // _L):
            sl = pl.ds(c * _L, _L)
            idx_v[sl] = idx_v[sl] + sid * N_EXPERTS
        pltpu.sync_copy(ones_v, shared.at[idx_v], add=True)
    plsc.subcore_barrier()

    @pl.when(sid == 0)
    def _merge():
        for h in range(_NS * N_EXPERTS // _GROUP):
            pltpu.sync_copy(shared.at[pl.ds(h * _GROUP, _GROUP)], ones_v)
            pltpu.sync_copy(midx_hbm.at[pl.ds(h * _GROUP, _GROUP)], idx_v)
            pltpu.sync_copy(ones_v, shared2.at[idx_v], add=True)
        pltpu.sync_copy(shared2, acc_v)
        pltpu.sync_copy(acc_v, out_hbm.at[cid])


@functools.partial(
    pl.kernel,
    mesh=plsc.VectorSubcoreMesh(core_axis_name="c", subcore_axis_name="s"),
    out_type=jax.ShapeDtypeStruct((_NC, N_EXPERTS, _ROW), jnp.float32),
    scratch_types=[
        pltpu.VMEM((_GROUP,), jnp.int32),
        pltpu.VMEM((_GROUP, _ROW), jnp.float32),
        pltpu.VMEM((N_EXPERTS, _ROW), jnp.float32),
        pltpu.VMEM_SHARED((_NS * N_EXPERTS, _ROW), jnp.float32),
        pltpu.VMEM_SHARED((N_EXPERTS, _ROW), jnp.float32),
    ],
)
def _sc_histogram(
    idx_hbm, ones_hbm, zeros_hbm, midx_hbm, out_hbm, idx_v, ones_v, acc_v, shared, shared2
):
    _sc_histogram_kernel(
        idx_hbm, ones_hbm, zeros_hbm, midx_hbm, out_hbm, idx_v, ones_v, acc_v, shared, shared2
    )


@jax.jit
def kernel(x, W_gate):
    out_shapes = (
        jax.ShapeDtypeStruct((B, TOP_K, T), jnp.int32),
        jax.ShapeDtypeStruct((B, TOP_K, T), jnp.float32),
        jax.ShapeDtypeStruct((B, N_EXPERTS, T), jnp.float32),
        jax.ShapeDtypeStruct((N_EXPERTS,), jnp.float32),
        jax.ShapeDtypeStruct((N_EXPERTS,), jnp.float32),
    )
    idx_t, scores_t, probs_t, imp, load = pl.pallas_call(
        _router_kernel,
        grid=(N_BLOCKS,),
        in_specs=[
            pl.BlockSpec(
                (1, TOKEN_BLOCK, D_MODEL),
                lambda i: (i // BLOCKS_PER_BATCH, i % BLOCKS_PER_BATCH, 0),
            ),
            pl.BlockSpec((N_EXPERTS, D_MODEL), lambda i: (0, 0)),
        ],
        out_specs=(
            pl.BlockSpec(
                (1, TOP_K, TOKEN_BLOCK),
                lambda i: (i // BLOCKS_PER_BATCH, 0, i % BLOCKS_PER_BATCH),
            ),
            pl.BlockSpec(
                (1, TOP_K, TOKEN_BLOCK),
                lambda i: (i // BLOCKS_PER_BATCH, 0, i % BLOCKS_PER_BATCH),
            ),
            pl.BlockSpec(
                (1, N_EXPERTS, TOKEN_BLOCK),
                lambda i: (i // BLOCKS_PER_BATCH, 0, i % BLOCKS_PER_BATCH),
            ),
            pl.BlockSpec((N_EXPERTS,), lambda i: (0,)),
            pl.BlockSpec((N_EXPERTS,), lambda i: (0,)),
        ),
        out_shape=out_shapes,
    )(x, W_gate.T)

    hist = _sc_histogram(
        idx_t.reshape(_TOTAL_IDX),
        jnp.ones((_GROUP, _ROW), jnp.float32),
        jnp.zeros((N_EXPERTS, _ROW), jnp.float32),
        jnp.tile(jnp.arange(N_EXPERTS, dtype=jnp.int32), _NS),
    )
    load_sc = (hist[0, :, 0] + hist[1, :, 0]) * (1.0 / _TOTAL_IDX)

    idx = jnp.swapaxes(idx_t, 1, 2)
    scores = jnp.swapaxes(scores_t, 1, 2)
    probs = jnp.swapaxes(probs_t, 1, 2)
    del load
    return (idx, scores, probs, imp, load_sc)

# --- scband reference (transcript-rebuilt; emitter-appended) ---
"""Pipeline reference for scband-interaction-router-52544629899287 (READ-ONLY COPY).

The authoritative reference and input builder live on the scoring server;
editing this copy changes nothing except your own understanding.
"""

import jax, jax.numpy as jnp
import numpy as np

B, T, D_MODEL = 4, 8192, 768
N_EXPERTS = 64
TOP_K = 2
TEMPERATURE = 1.0


def setup_inputs(seed: int = 0) -> dict:
    key = jax.random.key(seed)
    k1, k2 = jax.random.split(key)
    x = jax.random.normal(k1, (B, T, D_MODEL), dtype=jnp.float32)
    W_gate = jax.random.normal(k2, (D_MODEL, N_EXPERTS), dtype=jnp.float32) * (1.0 / np.sqrt(D_MODEL))
    return {"x": x, "W_gate": W_gate}


def reference(x, W_gate):
    # cond is None in this configuration, so h = x (cond_proj path is skipped)
    inv_temp = 1.0 / max(1e-06, TEMPERATURE)
    logits = (x @ W_gate) * inv_temp                      # (B, T, E)
    probs = jax.nn.softmax(logits, axis=-1)               # (B, T, E)
    topk_vals, idx = jax.lax.top_k(logits, TOP_K)         # (B, T, k) each, sorted descending
    scores = jax.nn.softmax(topk_vals, axis=-1)           # (B, T, k)
    # aux stats (no-grad in torch; plain computation here)
    importance = jnp.mean(probs, axis=(0, 1))             # (E,)
    idx_flat = idx.reshape(-1).astype(jnp.int32)          # (B*T*k,)
    oh_counts = jnp.bincount(idx_flat, length=N_EXPERTS).astype(probs.dtype)  # one-hot sum == bincount
    den = jnp.maximum(jnp.sum(oh_counts), 1.0)
    load = oh_counts / den                                # (E,)
    return (idx, scores, probs, importance, load)

if __name__ == "__main__":
    import jax
    _d = setup_inputs()
    print(jax.jit(kernel)(*tuple(_d.values())))

</pallas_src>

<mosaic_0001>
#map = affine_map<(d0, d1) -> (0)>
#map1 = affine_map<(d0, d1) -> (0, 0)>
#map2 = affine_map<(d0, d1) -> (0, 0, 0)>
module attributes {stable_mosaic.version = 14 : i64} {
  func.func @_sc_histogram(%arg0: i32, %arg1: i32, %arg2: memref<65536xi32, #tpu.memory_space<hbm>>, %arg3: memref<512x128xf32, #tpu.memory_space<hbm>>, %arg4: memref<64x128xf32, #tpu.memory_space<hbm>>, %arg5: memref<1024xi32, #tpu.memory_space<hbm>>, %arg6: memref<2x64x128xf32, #tpu.memory_space<hbm>>, %arg7: memref<512xi32, #tpu.memory_space<vmem>>, %arg8: memref<512x128xf32, #tpu.memory_space<vmem>>, %arg9: memref<64x128xf32, #tpu.memory_space<vmem>>, %arg10: memref<1024x128xf32, #tpu.memory_space<vmem_shared>>, %arg11: memref<64x128xf32, #tpu.memory_space<vmem_shared>>) attributes {dimension_semantics = [#tpu.dimension_semantics<core_parallel>, #tpu.dimension_semantics<subcore_parallel>], iteration_bounds = array<i64: 2, 16>, scalar_prefetch = 0 : i64, scratch_operands = 5 : i64, tpu.core_type = #tpu.core_type<sc_vector_subcore>, window_params = [{transform_indices = #map}, {transform_indices = #map1}, {transform_indices = #map1}, {transform_indices = #map}, {transform_indices = #map2}]} {
    %mul3A = arith.constant 2 : i32
    %mul3A_0 = arith.muli %arg1, %mul3A : i32
    %add3A = arith.addi %mul3A_0, %arg0 : i32
    "tpu.region"() ({
      %run_scoped3A = tpu.sem_alloc : memref<!tpu.dma_semaphore, #tpu.memory_space<semaphore_mem>>
      tpu.enqueue_dma source(%arg4 : memref<64x128xf32, #tpu.memory_space<hbm>>) target(%arg9 : memref<64x128xf32, #tpu.memory_space<vmem>>) target_semaphore(%run_scoped3A : memref<!tpu.dma_semaphore, #tpu.memory_space<semaphore_mem>>)
      tpu.wait_dma2 semaphore(%run_scoped3A : memref<!tpu.dma_semaphore, #tpu.memory_space<semaphore_mem>>) src(%arg4 : memref<64x128xf32, #tpu.memory_space<hbm>>) dst(%arg9 : memref<64x128xf32, #tpu.memory_space<vmem>>)
      tpu.yield
    }) : () -> ()
    %mul3A_1 = arith.constant 64 : i32
    %mul3A_2 = arith.muli %arg1, %mul3A_1 : i32
    "tpu.region"() ({
      %run_scoped3A = tpu.sem_alloc : memref<!tpu.dma_semaphore, #tpu.memory_space<semaphore_mem>>
      %dma_start3A = arith.constant 0 : i32
      %dma_start3A_1433 = tpu.memref_slice %arg10[%mul3A_2, %dma_start3A] : memref<1024x128xf32, #tpu.memory_space<vmem_shared>> -> memref<64x128xf32, #tpu.memory_space<vmem_shared>>
      %dma_start3A_1434 = arith.constant 0 : i32
      %dma_start3A_1435 = tpu.memref_slice %arg10[%mul3A_2, %dma_start3A_1434] : memref<1024x128xf32, #tpu.memory_space<vmem_shared>> -> memref<64x128xf32, #tpu.memory_space<vmem_shared>>
      tpu.enqueue_dma source(%arg9 : memref<64x128xf32, #tpu.memory_space<vmem>>) target(%dma_start3A_1435 : memref<64x128xf32, #tpu.memory_space<vmem_shared>>) target_semaphore(%run_scoped3A : memref<!tpu.dma_semaphore, #tpu.memory_space<semaphore_mem>>)
      %dma_wait3A = arith.constant 0 : i32
      %dma_wait3A_1436 = tpu.memref_slice %arg10[%mul3A_2, %dma_wait3A] : memref<1024x128xf32, #tpu.memory_space<vmem_shared>> -> memref<64x128xf32, #tpu.memory_space<vmem_shared>>
      %dma_wait3A_1437 = arith.constant 0 : i32
      %dma_wait3A_1438 = tpu.memref_slice %arg10[%mul3A_2, %dma_wait3A_1437] : memref<1024x128xf32, #tpu.memory_space<vmem_shared>> -> memref<64x128xf32, #tpu.memory_space<vmem_shared>>
      tpu.wait_dma2 semaphore(%run_scoped3A : memref<!tpu.dma_semaphore, #tpu.memory_space<semaphore_mem>>) src(%arg9 : memref<64x128xf32, #tpu.memory_space<vmem>>) dst(%dma_wait3A_1438 : memref<64x128xf32, #tpu.memory_space<vmem_shared>>)
      tpu.yield
    }) : () -> ()
    %eq3A = arith.constant 0 : i32
    %eq3A_3 = arith.cmpi eq, %arg1, %eq3A : i32
    %convert_element_type3A = arith.extui %eq3A_3 : i1 to i32
    %cond3A = arith.constant 0 : i32
    %cond3A_4 = arith.cmpi ne, %convert_element_type3A, %cond3A : i32
    scf.if %cond3A_4 {
      "tpu.region"() ({
        %run_scoped3A = tpu.sem_alloc : memref<!tpu.dma_semaphore, #tpu.memory_space<semaphore_mem>>
        tpu.enqueue_dma source(%arg9 : memref<64x128xf32, #tpu.memory_space<vmem>>) target(%arg11 : memref<64x128xf32, #tpu.memory_space<vmem_shared>>) target_semaphore(%run_scoped3A : memref<!tpu.dma_semaphore, #tpu.memory_space<semaphore_mem>>)
        tpu.wait_dma2 semaphore(%run_scoped3A : memref<!tpu.dma_semaphore, #tpu.memory_space<semaphore_mem>>) src(%arg9 : memref<64x128xf32, #tpu.memory_space<vmem>>) dst(%arg11 : memref<64x128xf32, #tpu.memory_space<vmem_shared>>)
        tpu.yield
      }) : () -> ()
    } else {
    }
    "tpu.region"() ({
      %run_scoped3A = tpu.sem_alloc : memref<!tpu.dma_semaphore, #tpu.memory_space<semaphore_mem>>
      tpu.enqueue_dma source(%arg3 : memref<512x128xf32, #tpu.memory_space<hbm>>) target(%arg8 : memref<512x128xf32, #tpu.memory_space<vmem>>) target_semaphore(%run_scoped3A : memref<!tpu.dma_semaphore, #tpu.memory_space<semaphore_mem>>)
      tpu.wait_dma2 semaphore(%run_scoped3A : memref<!tpu.dma_semaphore, #tpu.memory_space<semaphore_mem>>) src(%arg3 : memref<512x128xf32, #tpu.memory_space<hbm>>) dst(%arg8 : memref<512x128xf32, #tpu.memory_space<vmem>>)
      tpu.yield
    }) : () -> ()
    %barrier3A = arith.constant 0 : index
    tpu.barrier barrier_id(%barrier3A)
    %mul3A_5 = arith.constant 2048 : i32
    %mul3A_6 = arith.muli %add3A, %mul3A_5 : i32
    %add3A_7 = arith.constant 0 : i32
    %add3A_8 = arith.addi %mul3A_6, %add3A_7 : i32
    "tpu.region"() ({
      %run_scoped3A = tpu.sem_alloc : memref<!tpu.dma_semaphore, #tpu.memory_space<semaphore_mem>>
      %dma_start3A = tpu.memref_slice %arg2[%add3A_8] : memref<65536xi32, #tpu.memory_space<hbm>> -> memref<512xi32, #tpu.memory_space<hbm>>
      %dma_start3A_1433 = tpu.memref_slice %arg2[%add3A_8] : memref<65536xi32, #tpu.memory_space<hbm>> -> memref<512xi32, #tpu.memory_space<hbm>>
      tpu.enqueue_dma source(%dma_start3A_1433 : memref<512xi32, #tpu.memory_space<hbm>>) target(%arg7 : memref<512xi32, #tpu.memory_space<vmem>>) target_semaphore(%run_scoped3A : memref<!tpu.dma_semaphore, #tpu.memory_space<semaphore_mem>>)
      %dma_wait3A = tpu.memref_slice %arg2[%add3A_8] : memref<65536xi32, #tpu.memory_space<hbm>> -> memref<512xi32, #tpu.memory_space<hbm>>
      %dma_wait3A_1434 = tpu.memref_slice %arg2[%add3A_8] : memref<65536xi32, #tpu.memory_space<hbm>> -> memref<512xi32, #tpu.memory_space<hbm>>
      tpu.wait_dma2 semaphore(%run_scoped3A : memref<!tpu.dma_semaphore, #tpu.memory_space<semaphore_mem>>) src(%dma_wait3A_1434 : memref<512xi32, #tpu.memory_space<hbm>>) dst(%arg7 : memref<512xi32, #tpu.memory_space<vmem>>)
      tpu.yield
    }) : () -> ()
    %get3A = arith.constant 0 : index
    %get3A_9 = tpu.vector_load %arg7[%get3A] {strides = array<i32>} : memref<512xi32, #tpu.memory_space<vmem>>, vector<16xi32>,
    %get3A_10 = vector.shape_cast %get3A_9 : vector<16xi32> to vector<16xi32>
    %mul3A_11 = arith.constant 64 : i32
    %mul3A_12 = arith.muli %arg1, %mul3A_11 : i32
    %add3A_13 = vector.broadcast %mul3A_12 : i32 to vector<16xi32>
    %add3A_14 = arith.addi %get3A_10, %add3A_13 : vector<16xi32>
    %swap3A = arith.constant 0 : index
    %swap3A_15 = tpu.vector_load %arg7[%swap3A] {strides = array<i32>} : memref<512xi32, #tpu.memory_space<vmem>>, vector<16xi32>,
    %swap3A_16 = vector.shape_cast %swap3A_15 : vector<16xi32> to vector<16xi32>
    %swap3A_17 = vector.shape_cast %add3A_14 : vector<16xi32> to vector<16xi32>
    tpu.vector_store %arg7[%swap3A], %swap3A_17 {strides = array<i32>} : memref<512xi32, #tpu.memory_space<vmem>>, vector<16xi32>,
    %get3A_18 = arith.constant 16 : index
    %get3A_19 = tpu.vector_load %arg7[%get3A_18] {strides = array<i32>} : memref<512xi32, #tpu.memory_space<vmem>>, vector<16xi32>,
    %get3A_20 = vector.shape_cast %get3A_19 : vector<16xi32> to vector<16xi32>
    %mul3A_21 = arith.constant 64 : i32
    %mul3A_22 = arith.muli %arg1, %mul3A_21 : i32
    %add3A_23 = vector.broadcast %mul3A_22 : i32 to vector<16xi32>
    %add3A_24 = arith.addi %get3A_20, %add3A_23 : vector<16xi32>
    %swap3A_25 = arith.constant 16 : index
    %swap3A_26 = tpu.vector_load %arg7[%swap3A_25] {strides = array<i32>} : memref<512xi32, #tpu.memory_space<vmem>>, vector<16xi32>,
    %swap3A_27 = vector.shape_cast %swap3A_26 : vector<16xi32> to vector<16xi32>
    %swap3A_28 = vector.shape_cast %add3A_24 : vector<16xi32> to vector<16xi32>
    tpu.vector_store %arg7[%swap3A_25], %swap3A_28 {strides = array<i32>} : memref<512xi32, #tpu.memory_space<vmem>>, vector<16xi32>,
    %get3A_29 = arith.constant 32 : index
    %get3A_30 = tpu.vector_load %arg7[%get3A_29] {strides = array<i32>} : memref<512xi32, #tpu.memory_space<vmem>>, vector<16xi32>,
    %get3A_31 = vector.shape_cast %get3A_30 : vector<16xi32> to vector<16xi32>
    %mul3A_32 = arith.constant 64 : i32
    %mul3A_33 = arith.muli %arg1, %mul3A_32 : i32
    %add3A_34 = vector.broadcast %mul3A_33 : i32 to vector<16xi32>
    %add3A_35 = arith.addi %get3A_31, %add3A_34 : vector<16xi32>
    %swap3A_36 = arith.constant 32 : index
    %swap3A_37 = tpu.vector_load %arg7[%swap3A_36] {strides = array<i32>} : memref<512xi32, #tpu.memory_space<vmem>>, vector<16xi32>,
    %swap3A_38 = vector.shape_cast %swap3A_37 : vector<16xi32> to vector<16xi32>
    %swap3A_39 = vector.shape_cast %add3A_35 : vector<16xi32> to vector<16xi32>
    tpu.vector_store %arg7[%swap3A_36], %swap3A_39 {strides = array<i32>} : memref<512xi32, #tpu.memory_space<vmem>>, vector<16xi32>,
    %get3A_40 = arith.constant 48 : index
    %get3A_41 = tpu.vector_load %arg7[%get3A_40] {strides = array<i32>} : memref<512xi32, #tpu.memory_space<vmem>>, vector<16xi32>,
    %get3A_42 = vector.shape_cast %get3A_41 : vector<16xi32> to vector<16xi32>
    %mul3A_43 = arith.constant 64 : i32
    %mul3A_44 = arith.muli %arg1, %mul3A_43 : i32
    %add3A_45 = vector.broadcast %mul3A_44 : i32 to vector<16xi32>
    %add3A_46 = arith.addi %get3A_42, %add3A_45 : vector<16xi32>
    %swap3A_47 = arith.constant 48 : index
    %swap3A_48 = tpu.vector_load %arg7[%swap3A_47] {strides = array<i32>} : memref<512xi32, #tpu.memory_space<vmem>>, vector<16xi32>,
    %swap3A_49 = vector.shape_cast %swap3A_48 : vector<16xi32> to vector<16xi32>
    %swap3A_50 = vector.shape_cast %add3A_46 : vector<16xi32> to vector<16xi32>
    tpu.vector_store %arg7[%swap3A_47], %swap3A_50 {strides = array<i32>} : memref<512xi32, #tpu.memory_space<vmem>>, vector<16xi32>,
    %get3A_51 = arith.constant 64 : index
    %get3A_52 = tpu.vector_load %arg7[%get3A_51] {strides = array<i32>} : memref<512xi32, #tpu.memory_space<vmem>>, vector<16xi32>,
    %get3A_53 = vector.shape_cast %get3A_52 : vector<16xi32> to vector<16xi32>
    %mul3A_54 = arith.constant 64 : i32
    %mul3A_55 = arith.muli %arg1, %mul3A_54 : i32
    %add3A_56 = vector.broadcast %mul3A_55 : i32 to vector<16xi32>
    %add3A_57 = arith.addi %get3A_53, %add3A_56 : vector<16xi32>
    %swap3A_58 = arith.constant 64 : index
    %swap3A_59 = tpu.vector_load %arg7[%swap3A_58] {strides = array<i32>} : memref<512xi32, #tpu.memory_space<vmem>>, vector<16xi32>,
    %swap3A_60 = vector.shape_cast %swap3A_59 : vector<16xi32> to vector<16xi32>
    %swap3A_61 = vector.shape_cast %add3A_57 : vector<16xi32> to vector<16xi32>
    tpu.vector_store %arg7[%swap3A_58], %swap3A_61 {strides = array<i32>} : memref<512xi32, #tpu.memory_space<vmem>>, vector<16xi32>,
    %get3A_62 = arith.constant 80 : index
    %get3A_63 = tpu.vector_load %arg7[%get3A_62] {strides = array<i32>} : memref<512xi32, #tpu.memory_space<vmem>>, vector<16xi32>,
    %get3A_64 = vector.shape_cast %get3A_63 : vector<16xi32> to vector<16xi32>
    %mul3A_65 = arith.constant 64 : i32
    %mul3A_66 = arith.muli %arg1, %mul3A_65 : i32
    %add3A_67 = vector.broadcast %mul3A_66 : i32 to vector<16xi32>
    %add3A_68 = arith.addi %get3A_64, %add3A_67 : vector<16xi32>
    %swap3A_69 = arith.constant 80 : index
    %swap3A_70 = tpu.vector_load %arg7[%swap3A_69] {strides = array<i32>} : memref<512xi32, #tpu.memory_space<vmem>>, vector<16xi32>,
    %swap3A_71 = vector.shape_cast %swap3A_70 : vector<16xi32> to vector<16xi32>
    %swap3A_72 = vector.shape_cast %add3A_68 : vector<16xi32> to vector<16xi32>
    tpu.vector_store %arg7[%swap3A_69], %swap3A_72 {strides = array<i32>} : memref<512xi32, #tpu.memory_space<vmem>>, vector<16xi32>,
    %get3A_73 = arith.constant 96 : index
    %get3A_74 = tpu.vector_load %arg7[%get3A_73] {strides = array<i32>} : memref<512xi32, #tpu.memory_space<vmem>>, vector<16xi32>,
    %get3A_75 = vector.shape_cast %get3A_74 : vector<16xi32> to vector<16xi32>
    %mul3A_76 = arith.constant 64 : i32
    %mul3A_77 = arith.muli %arg1, %mul3A_76 : i32
    %add3A_78 = vector.broadcast %mul3A_77 : i32 to vector<16xi32>
    %add3A_79 = arith.addi %get3A_75, %add3A_78 : vector<16xi32>
    %swap3A_80 = arith.constant 96 : index
    %swap3A_81 = tpu.vector_load %arg7[%swap3A_80] {strides = array<i32>} : memref<512xi32, #tpu.memory_space<vmem>>, vector<16xi32>,
    %swap3A_82 = vector.shape_cast %swap3A_81 : vector<16xi32> to vector<16xi32>
    %swap3A_83 = vector.shape_cast %add3A_79 : vector<16xi32> to vector<16xi32>
    tpu.vector_store %arg7[%swap3A_80], %swap3A_83 {strides = array<i32>} : memref<512xi32, #tpu.memory_space<vmem>>, vector<16xi32>,
    %get3A_84 = arith.constant 112 : index
    %get3A_85 = tpu.vector_load %arg7[%get3A_84] {strides = array<i32>} : memref<512xi32, #tpu.memory_space<vmem>>, vector<16xi32>,
    %get3A_86 = vector.shape_cast %get3A_85 : vector<16xi32> to vector<16xi32>
    %mul3A_87 = arith.constant 64 : i32
    %mul3A_88 = arith.muli %arg1, %mul3A_87 : i32
    %add3A_89 = vector.broadcast %mul3A_88 : i32 to vector<16xi32>
    %add3A_90 = arith.addi %get3A_86, %add3A_89 : vector<16xi32>
    %swap3A_91 = arith.constant 112 : index
    %swap3A_92 = tpu.vector_load %arg7[%swap3A_91] {strides = array<i32>} : memref<512xi32, #tpu.memory_space<vmem>>, vector<16xi32>,
    %swap3A_93 = vector.shape_cast %swap3A_92 : vector<16xi32> to vector<16xi32>
    %swap3A_94 = vector.shape_cast %add3A_90 : vector<16xi32> to vector<16xi32>
    tpu.vector_store %arg7[%swap3A_91], %swap3A_94 {strides = array<i32>} : memref<512xi32, #tpu.memory_space<vmem>>, vector<16xi32>,
    %get3A_95 = arith.constant 128 : index
    %get3A_96 = tpu.vector_load %arg7[%get3A_95] {strides = array<i32>} : memref<512xi32, #tpu.memory_space<vmem>>, vector<16xi32>,
    %get3A_97 = vector.shape_cast %get3A_96 : vector<16xi32> to vector<16xi32>
    %mul3A_98 = arith.constant 64 : i32
    %mul3A_99 = arith.muli %arg1, %mul3A_98 : i32
    %add3A_100 = vector.broadcast %mul3A_99 : i32 to vector<16xi32>
    %add3A_101 = arith.addi %get3A_97, %add3A_100 : vector<16xi32>
    %swap3A_102 = arith.constant 128 : index
    %swap3A_103 = tpu.vector_load %arg7[%swap3A_102] {strides = array<i32>} : memref<512xi32, #tpu.memory_space<vmem>>, vector<16xi32>,
    %swap3A_104 = vector.shape_cast %swap3A_103 : vector<16xi32> to vector<16xi32>
    %swap3A_105 = vector.shape_cast %add3A_101 : vector<16xi32> to vector<16xi32>
    tpu.vector_store %arg7[%swap3A_102], %swap3A_105 {strides = array<i32>} : memref<512xi32, #tpu.memory_space<vmem>>, vector<16xi32>,
    %get3A_106 = arith.constant 144 : index
    %get3A_107 = tpu.vector_load %arg7[%get3A_106] {strides = array<i32>} : memref<512xi32, #tpu.memory_space<vmem>>, vector<16xi32>,
    %get3A_108 = vector.shape_cast %get3A_107 : vector<16xi32> to vector<16xi32>
    %mul3A_109 = arith.constant 64 : i32
    %mul3A_110 = arith.muli %arg1, %mul3A_109 : i32
    %add3A_111 = vector.broadcast %mul3A_110 : i32 to vector<16xi32>
    %add3A_112 = arith.addi %get3A_108, %add3A_111 : vector<16xi32>
    %swap3A_113 = arith.constant 144 : index
    %swap3A_114 = tpu.vector_load %arg7[%swap3A_113] {strides = array<i32>} : memref<512xi32, #tpu.memory_space<vmem>>, vector<16xi32>,
    %swap3A_115 = vector.shape_cast %swap3A_114 : vector<16xi32> to vector<16xi32>
    %swap3A_116 = vector.shape_cast %add3A_112 : vector<16xi32> to vector<16xi32>
    tpu.vector_store %arg7[%swap3A_113], %swap3A_116 {strides = array<i32>} : memref<512xi32, #tpu.memory_space<vmem>>, vector<16xi32>,
    %get3A_117 = arith.constant 160 : index
    %get3A_118 = tpu.vector_load %arg7[%get3A_117] {strides = array<i32>} : memref<512xi32, #tpu.memory_space<vmem>>, vector<16xi32>,
    %get3A_119 = vector.shape_cast %get3A_118 : vector<16xi32> to vector<16xi32>
    %mul3A_120 = arith.constant 64 : i32
    %mul3A_121 = arith.muli %arg1, %mul3A_120 : i32
    %add3A_122 = vector.broadcast %mul3A_121 : i32 to vector<16xi32>
    %add3A_123 = arith.addi %get3A_119, %add3A_122 : vector<16xi32>
    %swap3A_124 = arith.constant 160 : index
    %swap3A_125 = tpu.vector_load %arg7[%swap3A_124] {strides = array<i32>} : memref<512xi32, #tpu.memory_space<vmem>>, vector<16xi32>,
    %swap3A_126 = vector.shape_cast %swap3A_125 : vector<16xi32> to vector<16xi32>
    %swap3A_127 = vector.shape_cast %add3A_123 : vector<16xi32> to vector<16xi32>
    tpu.vector_store %arg7[%swap3A_124], %swap3A_127 {strides = array<i32>} : memref<512xi32, #tpu.memory_space<vmem>>, vector<16xi32>,
    %get3A_128 = arith.constant 176 : index
    %get3A_129 = tpu.vector_load %arg7[%get3A_128] {strides = array<i32>} : memref<512xi32, #tpu.memory_space<vmem>>, vector<16xi32>,
    %get3A_130 = vector.shape_cast %get3A_129 : vector<16xi32> to vector<16xi32>
    %mul3A_131 = arith.constant 64 : i32
    %mul3A_132 = arith.muli %arg1, %mul3A_131 : i32
    %add3A_133 = vector.broadcast %mul3A_132 : i32 to vector<16xi32>
    %add3A_134 = arith.addi %get3A_130, %add3A_133 : vector<16xi32>
    %swap3A_135 = arith.constant 176 : index
    %swap3A_136 = tpu.vector_load %arg7[%swap3A_135] {strides = array<i32>} : memref<512xi32, #tpu.memory_space<vmem>>, vector<16xi32>,
    %swap3A_137 = vector.shape_cast %swap3A_136 : vector<16xi32> to vector<16xi32>
    %swap3A_138 = vector.shape_cast %add3A_134 : vector<16xi32> to vector<16xi32>
    tpu.vector_store %arg7[%swap3A_135], %swap3A_138 {strides = array<i32>} : memref<512xi32, #tpu.memory_space<vmem>>, vector<16xi32>,
    %get3A_139 = arith.constant 192 : index
    %get3A_140 = tpu.vector_load %arg7[%get3A_139] {strides = array<i32>} : memref<512xi32, #tpu.memory_space<vmem>>, vector<16xi32>,
    %get3A_141 = vector.shape_cast %get3A_140 : vector<16xi32> to vector<16xi32>
    %mul3A_142 = arith.constant 64 : i32
    %mul3A_143 = arith.muli %arg1, %mul3A_142 : i32
    %add3A_144 = vector.broadcast %mul3A_143 : i32 to vector<16xi32>
    %add3A_145 = arith.addi %get3A_141, %add3A_144 : vector<16xi32>
    %swap3A_146 = arith.constant 192 : index
    %swap3A_147 = tpu.vector_load %arg7[%swap3A_146] {strides = array<i32>} : memref<512xi32, #tpu.memory_space<vmem>>, vector<16xi32>,
    %swap3A_148 = vector.shape_cast %swap3A_147 : vector<16xi32> to vector<16xi32>
    %swap3A_149 = vector.shape_cast %add3A_145 : vector<16xi32> to vector<16xi32>
    tpu.vector_store %arg7[%swap3A_146], %swap3A_149 {strides = array<i32>} : memref<512xi32, #tpu.memory_space<vmem>>, vector<16xi32>,
    %get3A_150 = arith.constant 208 : index
    %get3A_151 = tpu.vector_load %arg7[%get3A_150] {strides = array<i32>} : memref<512xi32, #tpu.memory_space<vmem>>, vector<16xi32>,
    %get3A_152 = vector.shape_cast %get3A_151 : vector<16xi32> to vector<16xi32>
    %mul3A_153 = arith.constant 64 : i32
    %mul3A_154 = arith.muli %arg1, %mul3A_153 : i32
    %add3A_155 = vector.broadcast %mul3A_154 : i32 to vector<16xi32>
    %add3A_156 = arith.addi %get3A_152, %add3A_155 : vector<16xi32>
    %swap3A_157 = arith.constant 208 : index
    %swap3A_158 = tpu.vector_load %arg7[%swap3A_157] {strides = array<i32>} : memref<512xi32, #tpu.memory_space<vmem>>, vector<16xi32>,
    %swap3A_159 = vector.shape_cast %swap3A_158 : vector<16xi32> to vector<16xi32>
    %swap3A_160 = vector.shape_cast %add3A_156 : vector<16xi32> to vector<16xi32>
    tpu.vector_store %arg7[%swap3A_157], %swap3A_160 {strides = array<i32>} : memref<512xi32, #tpu.memory_space<vmem>>, vector<16xi32>,
    %get3A_161 = arith.constant 224 : index
    %get3A_162 = tpu.vector_load %arg7[%get3A_161] {strides = array<i32>} : memref<512xi32, #tpu.memory_space<vmem>>, vector<16xi32>,
    %get3A_163 = vector.shape_cast %get3A_162 : vector<16xi32> to vector<16xi32>
    %mul3A_164 = arith.constant 64 : i32
    %mul3A_165 = arith.muli %arg1, %mul3A_164 : i32
    %add3A_166 = vector.broadcast %mul3A_165 : i32 to vector<16xi32>
    %add3A_167 = arith.addi %get3A_163, %add3A_166 : vector<16xi32>
    %swap3A_168 = arith.constant 224 : index
    %swap3A_169 = tpu.vector_load %arg7[%swap3A_168] {strides = array<i32>} : memref<512xi32, #tpu.memory_space<vmem>>, vector<16xi32>,
    %swap3A_170 = vector.shape_cast %swap3A_169 : vector<16xi32> to vector<16xi32>
    %swap3A_171 = vector.shape_cast %add3A_167 : vector<16xi32> to vector<16xi32>
    tpu.vector_store %arg7[%swap3A_168], %swap3A_171 {strides = array<i32>} : memref<512xi32, #tpu.memory_space<vmem>>, vector<16xi32>,
    %get3A_172 = arith.constant 240 : index
    %get3A_173 = tpu.vector_load %arg7[%get3A_172] {strides = array<i32>} : memref<512xi32, #tpu.memory_space<vmem>>, vector<16xi32>,
    %get3A_174 = vector.shape_cast %get3A_173 : vector<16xi32> to vector<16xi32>
    %mul3A_175 = arith.constant 64 : i32
    %mul3A_176 = arith.muli %arg1, %mul3A_175 : i32
    %add3A_177 = vector.broadcast %mul3A_176 : i32 to vector<16xi32>
    %add3A_178 = arith.addi %get3A_174, %add3A_177 : vector<16xi32>
    %swap3A_179 = arith.constant 240 : index
    %swap3A_180 = tpu.vector_load %arg7[%swap3A_179] {strides = array<i32>} : memref<512xi32, #tpu.memory_space<vmem>>, vector<16xi32>,
    %swap3A_181 = vector.shape_cast %swap3A_180 : vector<16xi32> to vector<16xi32>
    %swap3A_182 = vector.shape_cast %add3A_178 : vector<16xi32> to vector<16xi32>
    tpu.vector_store %arg7[%swap3A_179], %swap3A_182 {strides = array<i32>} : memref<512xi32, #tpu.memory_space<vmem>>, vector<16xi32>,
    %get3A_183 = arith.constant 256 : index
    %get3A_184 = tpu.vector_load %arg7[%get3A_183] {strides = array<i32>} : memref<512xi32, #tpu.memory_space<vmem>>, vector<16xi32>,
    %get3A_185 = vector.shape_cast %get3A_184 : vector<16xi32> to vector<16xi32>
    %mul3A_186 = arith.constant 64 : i32
    %mul3A_187 = arith.muli %arg1, %mul3A_186 : i32
    %add3A_188 = vector.broadcast %mul3A_187 : i32 to vector<16xi32>
    %add3A_189 = arith.addi %get3A_185, %add3A_188 : vector<16xi32>
    %swap3A_190 = arith.constant 256 : index
    %swap3A_191 = tpu.vector_load %arg7[%swap3A_190] {strides = array<i32>} : memref<512xi32, #tpu.memory_space<vmem>>, vector<16xi32>,
    %swap3A_192 = vector.shape_cast %swap3A_191 : vector<16xi32> to vector<16xi32>
    %swap3A_193 = vector.shape_cast %add3A_189 : vector<16xi32> to vector<16xi32>
    tpu.vector_store %arg7[%swap3A_190], %swap3A_193 {strides = array<i32>} : memref<512xi32, #tpu.memory_space<vmem>>, vector<16xi32>,
    %get3A_194 = arith.constant 272 : index
    %get3A_195 = tpu.vector_load %arg7[%get3A_194] {strides = array<i32>} : memref<512xi32, #tpu.memory_space<vmem>>, vector<16xi32>,
    %get3A_196 = vector.shape_cast %get3A_195 : vector<16xi32> to vector<16xi32>
    %mul3A_197 = arith.constant 64 : i32
    %mul3A_198 = arith.muli %arg1, %mul3A_197 : i32
    %add3A_199 = vector.broadcast %mul3A_198 : i32 to vector<16xi32>
    %add3A_200 = arith.addi %get3A_196, %add3A_199 : vector<16xi32>
    %swap3A_201 = arith.constant 272 : index
    %swap3A_202 = tpu.vector_load %arg7[%swap3A_201] {strides = array<i32>} : memref<512xi32, #tpu.memory_space<vmem>>, vector<16xi32>,
    %swap3A_203 = vector.shape_cast %swap3A_202 : vector<16xi32> to vector<16xi32>
    %swap3A_204 = vector.shape_cast %add3A_200 : vector<16xi32> to vector<16xi32>
    tpu.vector_store %arg7[%swap3A_201], %swap3A_204 {strides = array<i32>} : memref<512xi32, #tpu.memory_space<vmem>>, vector<16xi32>,
    %get3A_205 = arith.constant 288 : index
    %get3A_206 = tpu.vector_load %arg7[%get3A_205] {strides = array<i32>} : memref<512xi32, #tpu.memory_space<vmem>>, vector<16xi32>,
    %get3A_207 = vector.shape_cast %get3A_206 : vector<16xi32> to vector<16xi32>
    %mul3A_208 = arith.constant 64 : i32
    %mul3A_209 = arith.muli %arg1, %mul3A_208 : i32
    %add3A_210 = vector.broadcast %mul3A_209 : i32 to vector<16xi32>
    %add3A_211 = arith.addi %get3A_207, %add3A_210 : vector<16xi32>
    %swap3A_212 = arith.constant 288 : index
    %swap3A_213 = tpu.vector_load %arg7[%swap3A_212] {strides = array<i32>} : memref<512xi32, #tpu.memory_space<vmem>>, vector<16xi32>,
    %swap3A_214 = vector.shape_cast %swap3A_213 : vector<16xi32> to vector<16xi32>
    %swap3A_215 = vector.shape_cast %add3A_211 : vector<16xi32> to vector<16xi32>
    tpu.vector_store %arg7[%swap3A_212], %swap3A_215 {strides = array<i32>} : memref<512xi32, #tpu.memory_space<vmem>>, vector<16xi32>,
    %get3A_216 = arith.constant 304 : index
    %get3A_217 = tpu.vector_load %arg7[%get3A_216] {strides = array<i32>} : memref<512xi32, #tpu.memory_space<vmem>>, vector<16xi32>,
    %get3A_218 = vector.shape_cast %get3A_217 : vector<16xi32> to vector<16xi32>
    %mul3A_219 = arith.constant 64 : i32
    %mul3A_220 = arith.muli %arg1, %mul3A_219 : i32
    %add3A_221 = vector.broadcast %mul3A_220 : i32 to vector<16xi32>
    %add3A_222 = arith.addi %get3A_218, %add3A_221 : vector<16xi32>
    %swap3A_223 = arith.constant 304 : index
    %swap3A_224 = tpu.vector_load %arg7[%swap3A_223] {strides = array<i32>} : memref<512xi32, #tpu.memory_space<vmem>>, vector<16xi32>,
    %swap3A_225 = vector.shape_cast %swap3A_224 : vector<16xi32> to vector<16xi32>
    %swap3A_226 = vector.shape_cast %add3A_222 : vector<16xi32> to vector<16xi32>
    tpu.vector_store %arg7[%swap3A_223], %swap3A_226 {strides = array<i32>} : memref<512xi32, #tpu.memory_space<vmem>>, vector<16xi32>,
    %get3A_227 = arith.constant 320 : index
    %get3A_228 = tpu.vector_load %arg7[%get3A_227] {strides = array<i32>} : memref<512xi32, #tpu.memory_space<vmem>>, vector<16xi32>,
    %get3A_229 = vector.shape_cast %get3A_228 : vector<16xi32> to vector<16xi32>
    %mul3A_230 = arith.constant 64 : i32
    %mul3A_231 = arith.muli %arg1, %mul3A_230 : i32
    %add3A_232 = vector.broadcast %mul3A_231 : i32 to vector<16xi32>
    %add3A_233 = arith.addi %get3A_229, %add3A_232 : vector<16xi32>
    %swap3A_234 = arith.constant 320 : index
    %swap3A_235 = tpu.vector_load %arg7[%swap3A_234] {strides = array<i32>} : memref<512xi32, #tpu.memory_space<vmem>>, vector<16xi32>,
    %swap3A_236 = vector.shape_cast %swap3A_235 : vector<16xi32> to vector<16xi32>
    %swap3A_237 = vector.shape_cast %add3A_233 : vector<16xi32> to vector<16xi32>
    tpu.vector_store %arg7[%swap3A_234], %swap3A_237 {strides = array<i32>} : memref<512xi32, #tpu.memory_space<vmem>>, vector<16xi32>,
    %get3A_238 = arith.constant 336 : index
    %get3A_239 = tpu.vector_load %arg7[%get3A_238] {strides = array<i32>} : memref<512xi32, #tpu.memory_space<vmem>>, vector<16xi32>,
    %get3A_240 = vector.shape_cast %get3A_239 : vector<16xi32> to vector<16xi32>
    %mul3A_241 = arith.constant 64 : i32
    %mul3A_242 = arith.muli %arg1, %mul3A_241 : i32
    %add3A_243 = vector.broadcast %mul3A_242 : i32 to vector<16xi32>
    %add3A_244 = arith.addi %get3A_240, %add3A_243 : vector<16xi32>
    %swap3A_245 = arith.constant 336 : index
    %swap3A_246 = tpu.vector_load %arg7[%swap3A_245] {strides = array<i32>} : memref<512xi32, #tpu.memory_space<vmem>>, vector<16xi32>,
    %swap3A_247 = vector.shape_cast %swap3A_246 : vector<16xi32> to vector<16xi32>
    %swap3A_248 = vector.shape_cast %add3A_244 : vector<16xi32> to vector<16xi32>
    tpu.vector_store %arg7[%swap3A_245], %swap3A_248 {strides = array<i32>} : memref<512xi32, #tpu.memory_space<vmem>>, vector<16xi32>,
    %get3A_249 = arith.constant 352 : index
    %get3A_250 = tpu.vector_load %arg7[%get3A_249] {strides = array<i32>} : memref<512xi32, #tpu.memory_space<vmem>>, vector<16xi32>,
    %get3A_251 = vector.shape_cast %get3A_250 : vector<16xi32> to vector<16xi32>
    %mul3A_252 = arith.constant 64 : i32
    %mul3A_253 = arith.muli %arg1, %mul3A_252 : i32
    %add3A_254 = vector.broadcast %mul3A_253 : i32 to vector<16xi32>
    %add3A_255 = arith.addi %get3A_251, %add3A_254 : vector<16xi32>
    %swap3A_256 = arith.constant 352 : index
    %swap3A_257 = tpu.vector_load %arg7[%swap3A_256] {strides = array<i32>} : memref<512xi32, #tpu.memory_space<vmem>>, vector<16xi32>,
    %swap3A_258 = vector.shape_cast %swap3A_257 : vector<16xi32> to vector<16xi32>
    %swap3A_259 = vector.shape_cast %add3A_255 : vector<16xi32> to vector<16xi32>
    tpu.vector_store %arg7[%swap3A_256], %swap3A_259 {strides = array<i32>} : memref<512xi32, #tpu.memory_space<vmem>>, vector<16xi32>,
    %get3A_260 = arith.constant 368 : index
    %get3A_261 = tpu.vector_load %arg7[%get3A_260] {strides = array<i32>} : memref<512xi32, #tpu.memory_space<vmem>>, vector<16xi32>,
    %get3A_262 = vector.shape_cast %get3A_261 : vector<16xi32> to vector<16xi32>
    %mul3A_263 = arith.constant 64 : i32
    %mul3A_264 = arith.muli %arg1, %mul3A_263 : i32
    %add3A_265 = vector.broadcast %mul3A_264 : i32 to vector<16xi32>
    %add3A_266 = arith.addi %get3A_262, %add3A_265 : vector<16xi32>
    %swap3A_267 = arith.constant 368 : index
    %swap3A_268 = tpu.vector_load %arg7[%swap3A_267] {strides = array<i32>} : memref<512xi32, #tpu.memory_space<vmem>>, vector<16xi32>,
    %swap3A_269 = vector.shape_cast %swap3A_268 : vector<16xi32> to vector<16xi32>
    %swap3A_270 = vector.shape_cast %add3A_266 : vector<16xi32> to vector<16xi32>
    tpu.vector_store %arg7[%swap3A_267], %swap3A_270 {strides = array<i32>} : memref<512xi32, #tpu.memory_space<vmem>>, vector<16xi32>,
    %get3A_271 = arith.constant 384 : index
    %get3A_272 = tpu.vector_load %arg7[%get3A_271] {strides = array<i32>} : memref<512xi32, #tpu.memory_space<vmem>>, vector<16xi32>,
    %get3A_273 = vector.shape_cast %get3A_272 : vector<16xi32> to vector<16xi32>
    %mul3A_274 = arith.constant 64 : i32
    %mul3A_275 = arith.muli %arg1, %mul3A_274 : i32
    %add3A_276 = vector.broadcast %mul3A_275 : i32 to vector<16xi32>
    %add3A_277 = arith.addi %get3A_273, %add3A_276 : vector<16xi32>
    %swap3A_278 = arith.constant 384 : index
    %swap3A_279 = tpu.vector_load %arg7[%swap3A_278] {strides = array<i32>} : memref<512xi32, #tpu.memory_space<vmem>>, vector<16xi32>,
    %swap3A_280 = vector.shape_cast %swap3A_279 : vector<16xi32> to vector<16xi32>
    %swap3A_281 = vector.shape_cast %add3A_277 : vector<16xi32> to vector<16xi32>
    tpu.vector_store %arg7[%swap3A_278], %swap3A_281 {strides = array<i32>} : memref<512xi32, #tpu.memory_space<vmem>>, vector<16xi32>,
    %get3A_282 = arith.constant 400 : index
    %get3A_283 = tpu.vector_load %arg7[%get3A_282] {strides = array<i32>} : memref<512xi32, #tpu.memory_space<vmem>>, vector<16xi32>,
    %get3A_284 = vector.shape_cast %get3A_283 : vector<16xi32> to vector<16xi32>
    %mul3A_285 = arith.constant 64 : i32
    %mul3A_286 = arith.muli %arg1, %mul3A_285 : i32
    %add3A_287 = vector.broadcast %mul3A_286 : i32 to vector<16xi32>
    %add3A_288 = arith.addi %get3A_284, %add3A_287 : vector<16xi32>
    %swap3A_289 = arith.constant 400 : index
    %swap3A_290 = tpu.vector_load %arg7[%swap3A_289] {strides = array<i32>} : memref<512xi32, #tpu.memory_space<vmem>>, vector<16xi32>,
    %swap3A_291 = vector.shape_cast %swap3A_290 : vector<16xi32> to vector<16xi32>
    %swap3A_292 = vector.shape_cast %add3A_288 : vector<16xi32> to vector<16xi32>
    tpu.vector_store %arg7[%swap3A_289], %swap3A_292 {strides = array<i32>} : memref<512xi32, #tpu.memory_space<vmem>>, vector<16xi32>,
    %get3A_293 = arith.constant 416 : index
    %get3A_294 = tpu.vector_load %arg7[%get3A_293] {strides = array<i32>} : memref<512xi32, #tpu.memory_space<vmem>>, vector<16xi32>,
    %get3A_295 = vector.shape_cast %get3A_294 : vector<16xi32> to vector<16xi32>
    %mul3A_296 = arith.constant 64 : i32
    %mul3A_297 = arith.muli %arg1, %mul3A_296 : i32
    %add3A_298 = vector.broadcast %mul3A_297 : i32 to vector<16xi32>
    %add3A_299 = arith.addi %get3A_295, %add3A_298 : vector<16xi32>
    %swap3A_300 = arith.constant 416 : index
    %swap3A_301 = tpu.vector_load %arg7[%swap3A_300] {strides = array<i32>} : memref<512xi32, #tpu.memory_space<vmem>>, vector<16xi32>,
    %swap3A_302 = vector.shape_cast %swap3A_301 : vector<16xi32> to vector<16xi32>
    %swap3A_303 = vector.shape_cast %add3A_299 : vector<16xi32> to vector<16xi32>
    tpu.vector_store %arg7[%swap3A_300], %swap3A_303 {strides = array<i32>} : memref<512xi32, #tpu.memory_space<vmem>>, vector<16xi32>,
    %get3A_304 = arith.constant 432 : index
    %get3A_305 = tpu.vector_load %arg7[%get3A_304] {strides = array<i32>} : memref<512xi32, #tpu.memory_space<vmem>>, vector<16xi32>,
    %get3A_306 = vector.shape_cast %get3A_305 : vector<16xi32> to vector<16xi32>
    %mul3A_307 = arith.constant 64 : i32
    %mul3A_308 = arith.muli %arg1, %mul3A_307 : i32
    %add3A_309 = vector.broadcast %mul3A_308 : i32 to vector<16xi32>
    %add3A_310 = arith.addi %get3A_306, %add3A_309 : vector<16xi32>
    %swap3A_311 = arith.constant 432 : index
    %swap3A_312 = tpu.vector_load %arg7[%swap3A_311] {strides = array<i32>} : memref<512xi32, #tpu.memory_space<vmem>>, vector<16xi32>,
    %swap3A_313 = vector.shape_cast %swap3A_312 : vector<16xi32> to vector<16xi32>
    %swap3A_314 = vector.shape_cast %add3A_310 : vector<16xi32> to vector<16xi32>
    tpu.vector_store %arg7[%swap3A_311], %swap3A_314 {strides = array<i32>} : memref<512xi32, #tpu.memory_space<vmem>>, vector<16xi32>,
    %get3A_315 = arith.constant 448 : index
    %get3A_316 = tpu.vector_load %arg7[%get3A_315] {strides = array<i32>} : memref<512xi32, #tpu.memory_space<vmem>>, vector<16xi32>,
    %get3A_317 = vector.shape_cast %get3A_316 : vector<16xi32> to vector<16xi32>
    %mul3A_318 = arith.constant 64 : i32
    %mul3A_319 = arith.muli %arg1, %mul3A_318 : i32
    %add3A_320 = vector.broadcast %mul3A_319 : i32 to vector<16xi32>
    %add3A_321 = arith.addi %get3A_317, %add3A_320 : vector<16xi32>
    %swap3A_322 = arith.constant 448 : index
    %swap3A_323 = tpu.vector_load %arg7[%swap3A_322] {strides = array<i32>} : memref<512xi32, #tpu.memory_space<vmem>>, vector<16xi32>,
    %swap3A_324 = vector.shape_cast %swap3A_323 : vector<16xi32> to vector<16xi32>
    %swap3A_325 = vector.shape_cast %add3A_321 : vector<16xi32> to vector<16xi32>
    tpu.vector_store %arg7[%swap3A_322], %swap3A_325 {strides = array<i32>} : memref<512xi32, #tpu.memory_space<vmem>>, vector<16xi32>,
    %get3A_326 = arith.constant 464 : index
    %get3A_327 = tpu.vector_load %arg7[%get3A_326] {strides = array<i32>} : memref<512xi32, #tpu.memory_space<vmem>>, vector<16xi32>,
    %get3A_328 = vector.shape_cast %get3A_327 : vector<16xi32> to vector<16xi32>
    %mul3A_329 = arith.constant 64 : i32
    %mul3A_330 = arith.muli %arg1, %mul3A_329 : i32
    %add3A_331 = vector.broadcast %mul3A_330 : i32 to vector<16xi32>
    %add3A_332 = arith.addi %get3A_328, %add3A_331 : vector<16xi32>
    %swap3A_333 = arith.constant 464 : index
    %swap3A_334 = tpu.vector_load %arg7[%swap3A_333] {strides = array<i32>} : memref<512xi32, #tpu.memory_space<vmem>>, vector<16xi32>,
    %swap3A_335 = vector.shape_cast %swap3A_334 : vector<16xi32> to vector<16xi32>
    %swap3A_336 = vector.shape_cast %add3A_332 : vector<16xi32> to vector<16xi32>
    tpu.vector_store %arg7[%swap3A_333], %swap3A_336 {strides = array<i32>} : memref<512xi32, #tpu.memory_space<vmem>>, vector<16xi32>,
    %get3A_337 = arith.constant 480 : index
    %get3A_338 = tpu.vector_load %arg7[%get3A_337] {strides = array<i32>} : memref<512xi32, #tpu.memory_space<vmem>>, vector<16xi32>,
    %get3A_339 = vector.shape_cast %get3A_338 : vector<16xi32> to vector<16xi32>
    %mul3A_340 = arith.constant 64 : i32
    %mul3A_341 = arith.muli %arg1, %mul3A_340 : i32
    %add3A_342 = vector.broadcast %mul3A_341 : i32 to vector<16xi32>
    %add3A_343 = arith.addi %get3A_339, %add3A_342 : vector<16xi32>
    %swap3A_344 = arith.constant 480 : index
    %swap3A_345 = tpu.vector_load %arg7[%swap3A_344] {strides = array<i32>} : memref<512xi32, #tpu.memory_space<vmem>>, vector<16xi32>,
    %swap3A_346 = vector.shape_cast %swap3A_345 : vector<16xi32> to vector<16xi32>
    %swap3A_347 = vector.shape_cast %add3A_343 : vector<16xi32> to vector<16xi32>
    tpu.vector_store %arg7[%swap3A_344], %swap3A_347 {strides = array<i32>} : memref<512xi32, #tpu.memory_space<vmem>>, vector<16xi32>,
    %get3A_348 = arith.constant 496 : index
    %get3A_349 = tpu.vector_load %arg7[%get3A_348] {strides = array<i32>} : memref<512xi32, #tpu.memory_space<vmem>>, vector<16xi32>,
    %get3A_350 = vector.shape_cast %get3A_349 : vector<16xi32> to vector<16xi32>
    %mul3A_351 = arith.constant 64 : i32
    %mul3A_352 = arith.muli %arg1, %mul3A_351 : i32
    %add3A_353 = vector.broadcast %mul3A_352 : i32 to vector<16xi32>
    %add3A_354 = arith.addi %get3A_350, %add3A_353 : vector<16xi32>
    %swap3A_355 = arith.constant 496 : index
    %swap3A_356 = tpu.vector_load %arg7[%swap3A_355] {strides = array<i32>} : memref<512xi32, #tpu.memory_space<vmem>>, vector<16xi32>,
    %swap3A_357 = vector.shape_cast %swap3A_356 : vector<16xi32> to vector<16xi32>
    %swap3A_358 = vector.shape_cast %add3A_354 : vector<16xi32> to vector<16xi32>
    tpu.vector_store %arg7[%swap3A_355], %swap3A_358 {strides = array<i32>} : memref<512xi32, #tpu.memory_space<vmem>>, vector<16xi32>,
    "tpu.region"() ({
      %run_scoped3A = tpu.sem_alloc : memref<!tpu.dma_semaphore, #tpu.memory_space<semaphore_mem>>
      %dma_start3A = arith.constant 0 : i32
      %dma_start3A_1433 = arith.constant 0 : i32
      %dma_start3A_1434 = tpu.memref_slice %arg10[%dma_start3A, %dma_start3A_1433] : memref<1024x128xf32, #tpu.memory_space<vmem_shared>> -> memref<1024x128xf32, #tpu.memory_space<vmem_shared>>
      tpu.enqueue_indirect_dma source(%arg8 : memref<512x128xf32, #tpu.memory_space<vmem>>) target(%dma_start3A_1434 : memref<1024x128xf32, #tpu.memory_space<vmem_shared>>) offsets(%arg7 : memref<512xi32, #tpu.memory_space<vmem>>) semaphore(%run_scoped3A : memref<!tpu.dma_semaphore, #tpu.memory_space<semaphore_mem>>) {add = true}
      %dma_wait3A = arith.constant 0 : i32
      %dma_wait3A_1435 = arith.constant 0 : i32
      %dma_wait3A_1436 = tpu.memref_slice %arg10[%dma_wait3A, %dma_wait3A_1435] : memref<1024x128xf32, #tpu.memory_space<vmem_shared>> -> memref<1024x128xf32, #tpu.memory_space<vmem_shared>>
      tpu.wait_indirect_dma semaphore(%run_scoped3A : memref<!tpu.dma_semaphore, #tpu.memory_space<semaphore_mem>>) src(%arg8 : memref<512x128xf32, #tpu.memory_space<vmem>>) dst(%dma_wait3A_1436 : memref<1024x128xf32, #tpu.memory_space<vmem_shared>>)
      tpu.yield
    }) : () -> ()
    %mul3A_359 = arith.constant 2048 : i32
    %mul3A_360 = arith.muli %add3A, %mul3A_359 : i32
    %add3A_361 = arith.constant 512 : i32
    %add3A_362 = arith.addi %mul3A_360, %add3A_361 : i32
    "tpu.region"() ({
      %run_scoped3A = tpu.sem_alloc : memref<!tpu.dma_semaphore, #tpu.memory_space<semaphore_mem>>
      %dma_start3A = tpu.memref_slice %arg2[%add3A_362] : memref<65536xi32, #tpu.memory_space<hbm>> -> memref<512xi32, #tpu.memory_space<hbm>>
      %dma_start3A_1433 = tpu.memref_slice %arg2[%add3A_362] : memref<65536xi32, #tpu.memory_space<hbm>> -> memref<512xi32, #tpu.memory_space<hbm>>
      tpu.enqueue_dma source(%dma_start3A_1433 : memref<512xi32, #tpu.memory_space<hbm>>) target(%arg7 : memref<512xi32, #tpu.memory_space<vmem>>) target_semaphore(%run_scoped3A : memref<!tpu.dma_semaphore, #tpu.memory_space<semaphore_mem>>)
      %dma_wait3A = tpu.memref_slice %arg2[%add3A_362] : memref<65536xi32, #tpu.memory_space<hbm>> -> memref<512xi32, #tpu.memory_space<hbm>>
      %dma_wait3A_1434 = tpu.memref_slice %arg2[%add3A_362] : memref<65536xi32, #tpu.memory_space<hbm>> -> memref<512xi32, #tpu.memory_space<hbm>>
      tpu.wait_dma2 semaphore(%run_scoped3A : memref<!tpu.dma_semaphore, #tpu.memory_space<semaphore_mem>>) src(%dma_wait3A_1434 : memref<512xi32, #tpu.memory_space<hbm>>) dst(%arg7 : memref<512xi32, #tpu.memory_space<vmem>>)
      tpu.yield
    }) : () -> ()
    %get3A_363 = arith.constant 0 : index
    %get3A_364 = tpu.vector_load %arg7[%get3A_363] {strides = array<i32>} : memref<512xi32, #tpu.memory_space<vmem>>, vector<16xi32>,
    %get3A_365 = vector.shape_cast %get3A_364 : vector<16xi32> to vector<16xi32>
    %mul3A_366 = arith.constant 64 : i32
    %mul3A_367 = arith.muli %arg1, %mul3A_366 : i32
    %add3A_368 = vector.broadcast %mul3A_367 : i32 to vector<16xi32>
    %add3A_369 = arith.addi %get3A_365, %add3A_368 : vector<16xi32>
    %swap3A_370 = arith.constant 0 : index
    %swap3A_371 = tpu.vector_load %arg7[%swap3A_370] {strides = array<i32>} : memref<512xi32, #tpu.memory_space<vmem>>, vector<16xi32>,
    %swap3A_372 = vector.shape_cast %swap3A_371 : vector<16xi32> to vector<16xi32>
    %swap3A_373 = vector.shape_cast %add3A_369 : vector<16xi32> to vector<16xi32>
    tpu.vector_store %arg7[%swap3A_370], %swap3A_373 {strides = array<i32>} : memref<512xi32, #tpu.memory_space<vmem>>, vector<16xi32>,
    %get3A_374 = arith.constant 16 : index
    %get3A_375 = tpu.vector_load %arg7[%get3A_374] {strides = array<i32>} : memref<512xi32, #tpu.memory_space<vmem>>, vector<16xi32>,
    %get3A_376 = vector.shape_cast %get3A_375 : vector<16xi32> to vector<16xi32>
    %mul3A_377 = arith.constant 64 : i32
    %mul3A_378 = arith.muli %arg1, %mul3A_377 : i32
    %add3A_379 = vector.broadcast %mul3A_378 : i32 to vector<16xi32>
    %add3A_380 = arith.addi %get3A_376, %add3A_379 : vector<16xi32>
    %swap3A_381 = arith.constant 16 : index
    %swap3A_382 = tpu.vector_load %arg7[%swap3A_381] {strides = array<i32>} : memref<512xi32, #tpu.memory_space<vmem>>, vector<16xi32>,
    %swap3A_383 = vector.shape_cast %swap3A_382 : vector<16xi32> to vector<16xi32>
    %swap3A_384 = vector.shape_cast %add3A_380 : vector<16xi32> to vector<16xi32>
    tpu.vector_store %arg7[%swap3A_381], %swap3A_384 {strides = array<i32>} : memref<512xi32, #tpu.memory_space<vmem>>, vector<16xi32>,
    %get3A_385 = arith.constant 32 : index
    %get3A_386 = tpu.vector_load %arg7[%get3A_385] {strides = array<i32>} : memref<512xi32, #tpu.memory_space<vmem>>, vector<16xi32>,
    %get3A_387 = vector.shape_cast %get3A_386 : vector<16xi32> to vector<16xi32>
    %mul3A_388 = arith.constant 64 : i32
    %mul3A_389 = arith.muli %arg1, %mul3A_388 : i32
    %add3A_390 = vector.broadcast %mul3A_389 : i32 to vector<16xi32>
    %add3A_391 = arith.addi %get3A_387, %add3A_390 : vector<16xi32>
    %swap3A_392 = arith.constant 32 : index
    %swap3A_393 = tpu.vector_load %arg7[%swap3A_392] {strides = array<i32>} : memref<512xi32, #tpu.memory_space<vmem>>, vector<16xi32>,
    %swap3A_394 = vector.shape_cast %swap3A_393 : vector<16xi32> to vector<16xi32>
    %swap3A_395 = vector.shape_cast %add3A_391 : vector<16xi32> to vector<16xi32>
    tpu.vector_store %arg7[%swap3A_392], %swap3A_395 {strides = array<i32>} : memref<512xi32, #tpu.memory_space<vmem>>, vector<16xi32>,
    %get3A_396 = arith.constant 48 : index
    %get3A_397 = tpu.vector_load %arg7[%get3A_396] {strides = array<i32>} : memref<512xi32, #tpu.memory_space<vmem>>, vector<16xi32>,
    %get3A_398 = vector.shape_cast %get3A_397 : vector<16xi32> to vector<16xi32>
    %mul3A_399 = arith.constant 64 : i32
    %mul3A_400 = arith.muli %arg1, %mul3A_399 : i32
    %add3A_401 = vector.broadcast %mul3A_400 : i32 to vector<16xi32>
    %add3A_402 = arith.addi %get3A_398, %add3A_401 : vector<16xi32>
    %swap3A_403 = arith.constant 48 : index
    %swap3A_404 = tpu.vector_load %arg7[%swap3A_403] {strides = array<i32>} : memref<512xi32, #tpu.memory_space<vmem>>, vector<16xi32>,
    %swap3A_405 = vector.shape_cast %swap3A_404 : vector<16xi32> to vector<16xi32>
    %swap3A_406 = vector.shape_cast %add3A_402 : vector<16xi32> to vector<16xi32>
    tpu.vector_store %arg7[%swap3A_403], %swap3A_406 {strides = array<i32>} : memref<512xi32, #tpu.memory_space<vmem>>, vector<16xi32>,
    %get3A_407 = arith.constant 64 : index
    %get3A_408 = tpu.vector_load %arg7[%get3A_407] {strides = array<i32>} : memref<512xi32, #tpu.memory_space<vmem>>, vector<16xi32>,
    %get3A_409 = vector.shape_cast %get3A_408 : vector<16xi32> to vector<16xi32>
    %mul3A_410 = arith.constant 64 : i32
    %mul3A_411 = arith.muli %arg1, %mul3A_410 : i32
    %add3A_412 = vector.broadcast %mul3A_411 : i32 to vector<16xi32>
    %add3A_413 = arith.addi %get3A_409, %add3A_412 : vector<16xi32>
    %swap3A_414 = arith.constant 64 : index
    %swap3A_415 = tpu.vector_load %arg7[%swap3A_414] {strides = array<i32>} : memref<512xi32, #tpu.memory_space<vmem>>, vector<16xi32>,
    %swap3A_416 = vector.shape_cast %swap3A_415 : vector<16xi32> to vector<16xi32>
    %swap3A_417 = vector.shape_cast %add3A_413 : vector<16xi32> to vector<16xi32>
    tpu.vector_store %arg7[%swap3A_414], %swap3A_417 {strides = array<i32>} : memref<512xi32, #tpu.memory_space<vmem>>, vector<16xi32>,
    %get3A_418 = arith.constant 80 : index
    %get3A_419 = tpu.vector_load %arg7[%get3A_418] {strides = array<i32>} : memref<512xi32, #tpu.memory_space<vmem>>, vector<16xi32>,
    %get3A_420 = vector.shape_cast %get3A_419 : vector<16xi32> to vector<16xi32>
    %mul3A_421 = arith.constant 64 : i32
    %mul3A_422 = arith.muli %arg1, %mul3A_421 : i32
    %add3A_423 = vector.broadcast %mul3A_422 : i32 to vector<16xi32>
    %add3A_424 = arith.addi %get3A_420, %add3A_423 : vector<16xi32>
    %swap3A_425 = arith.constant 80 : index
    %swap3A_426 = tpu.vector_load %arg7[%swap3A_425] {strides = array<i32>} : memref<512xi32, #tpu.memory_space<vmem>>, vector<16xi32>,
    %swap3A_427 = vector.shape_cast %swap3A_426 : vector<16xi32> to vector<16xi32>
    %swap3A_428 = vector.shape_cast %add3A_424 : vector<16xi32> to vector<16xi32>
    tpu.vector_store %arg7[%swap3A_425], %swap3A_428 {strides = array<i32>} : memref<512xi32, #tpu.memory_space<vmem>>, vector<16xi32>,
    %get3A_429 = arith.constant 96 : index
    %get3A_430 = tpu.vector_load %arg7[%get3A_429] {strides = array<i32>} : memref<512xi32, #tpu.memory_space<vmem>>, vector<16xi32>,
    %get3A_431 = vector.shape_cast %get3A_430 : vector<16xi32> to vector<16xi32>
    %mul3A_432 = arith.constant 64 : i32
    %mul3A_433 = arith.muli %arg1, %mul3A_432 : i32
    %add3A_434 = vector.broadcast %mul3A_433 : i32 to vector<16xi32>
    %add3A_435 = arith.addi %get3A_431, %add3A_434 : vector<16xi32>
    %swap3A_436 = arith.constant 96 : index
    %swap3A_437 = tpu.vector_load %arg7[%swap3A_436] {strides = array<i32>} : memref<512xi32, #tpu.memory_space<vmem>>, vector<16xi32>,
    %swap3A_438 = vector.shape_cast %swap3A_437 : vector<16xi32> to vector<16xi32>
    %swap3A_439 = vector.shape_cast %add3A_435 : vector<16xi32> to vector<16xi32>
    tpu.vector_store %arg7[%swap3A_436], %swap3A_439 {strides = array<i32>} : memref<512xi32, #tpu.memory_space<vmem>>, vector<16xi32>,
    %get3A_440 = arith.constant 112 : index
    %get3A_441 = tpu.vector_load %arg7[%get3A_440] {strides = array<i32>} : memref<512xi32, #tpu.memory_space<vmem>>, vector<16xi32>,
    %get3A_442 = vector.shape_cast %get3A_441 : vector<16xi32> to vector<16xi32>
    %mul3A_443 = arith.constant 64 : i32
    %mul3A_444 = arith.muli %arg1, %mul3A_443 : i32
    %add3A_445 = vector.broadcast %mul3A_444 : i32 to vector<16xi32>
    %add3A_446 = arith.addi %get3A_442, %add3A_445 : vector<16xi32>
    %swap3A_447 = arith.constant 112 : index
    %swap3A_448 = tpu.vector_load %arg7[%swap3A_447] {strides = array<i32>} : memref<512xi32, #tpu.memory_space<vmem>>, vector<16xi32>,
    %swap3A_449 = vector.shape_cast %swap3A_448 : vector<16xi32> to vector<16xi32>
    %swap3A_450 = vector.shape_cast %add3A_446 : vector<16xi32> to vector<16xi32>
    tpu.vector_store %arg7[%swap3A_447], %swap3A_450 {strides = array<i32>} : memref<512xi32, #tpu.memory_space<vmem>>, vector<16xi32>,
    %get3A_451 = arith.constant 128 : index
    %get3A_452 = tpu.vector_load %arg7[%get3A_451] {strides = array<i32>} : memref<512xi32, #tpu.memory_space<vmem>>, vector<16xi32>,
    %get3A_453 = vector.shape_cast %get3A_452 : vector<16xi32> to vector<16xi32>
    %mul3A_454 = arith.constant 64 : i32
    %mul3A_455 = arith.muli %arg1, %mul3A_454 : i32
    %add3A_456 = vector.broadcast %mul3A_455 : i32 to vector<16xi32>
    %add3A_457 = arith.addi %get3A_453, %add3A_456 : vector<16xi32>
    %swap3A_458 = arith.constant 128 : index
    %swap3A_459 = tpu.vector_load %arg7[%swap3A_458] {strides = array<i32>} : memref<512xi32, #tpu.memory_space<vmem>>, vector<16xi32>,
    %swap3A_460 = vector.shape_cast %swap3A_459 : vector<16xi32> to vector<16xi32>
    %swap3A_461 = vector.shape_cast %add3A_457 : vector<16xi32> to vector<16xi32>
    tpu.vector_store %arg7[%swap3A_458], %swap3A_461 {strides = array<i32>} : memref<512xi32, #tpu.memory_space<vmem>>, vector<16xi32>,
    %get3A_462 = arith.constant 144 : index
    %get3A_463 = tpu.vector_load %arg7[%get3A_462] {strides = array<i32>} : memref<512xi32, #tpu.memory_space<vmem>>, vector<16xi32>,
    %get3A_464 = vector.shape_cast %get3A_463 : vector<16xi32> to vector<16xi32>
    %mul3A_465 = arith.constant 64 : i32
    %mul3A_466 = arith.muli %arg1, %mul3A_465 : i32
    %add3A_467 = vector.broadcast %mul3A_466 : i32 to vector<16xi32>
    %add3A_468 = arith.addi %get3A_464, %add3A_467 : vector<16xi32>
    %swap3A_469 = arith.constant 144 : index
    %swap3A_470 = tpu.vector_load %arg7[%swap3A_469] {strides = array<i32>} : memref<512xi32, #tpu.memory_space<vmem>>, vector<16xi32>,
    %swap3A_471 = vector.shape_cast %swap3A_470 : vector<16xi32> to vector<16xi32>
    %swap3A_472 = vector.shape_cast %add3A_468 : vector<16xi32> to vector<16xi32>
    tpu.vector_store %arg7[%swap3A_469], %swap3A_472 {strides = array<i32>} : memref<512xi32, #tpu.memory_space<vmem>>, vector<16xi32>,
    %get3A_473 = arith.constant 160 : index
    %get3A_474 = tpu.vector_load %arg7[%get3A_473] {strides = array<i32>} : memref<512xi32, #tpu.memory_space<vmem>>, vector<16xi32>,
    %get3A_475 = vector.shape_cast %get3A_474 : vector<16xi32> to vector<16xi32>
    %mul3A_476 = arith.constant 64 : i32
    %mul3A_477 = arith.muli %arg1, %mul3A_476 : i32
    %add3A_478 = vector.broadcast %mul3A_477 : i32 to vector<16xi32>
    %add3A_479 = arith.addi %get3A_475, %add3A_478 : vector<16xi32>
    %swap3A_480 = arith.constant 160 : index
    %swap3A_481 = tpu.vector_load %arg7[%swap3A_480] {strides = array<i32>} : memref<512xi32, #tpu.memory_space<vmem>>, vector<16xi32>,
    %swap3A_482 = vector.shape_cast %swap3A_481 : vector<16xi32> to vector<16xi32>
    %swap3A_483 = vector.shape_cast %add3A_479 : vector<16xi32> to vector<16xi32>
    tpu.vector_store %arg7[%swap3A_480], %swap3A_483 {strides = array<i32>} : memref<512xi32, #tpu.memory_space<vmem>>, vector<16xi32>,
    %get3A_484 = arith.constant 176 : index
    %get3A_485 = tpu.vector_load %arg7[%get3A_484] {strides = array<i32>} : memref<512xi32, #tpu.memory_space<vmem>>, vector<16xi32>,
    %get3A_486 = vector.shape_cast %get3A_485 : vector<16xi32> to vector<16xi32>
    %mul3A_487 = arith.constant 64 : i32
    %mul3A_488 = arith.muli %arg1, %mul3A_487 : i32
    %add3A_489 = vector.broadcast %mul3A_488 : i32 to vector<16xi32>
    %add3A_490 = arith.addi %get3A_486, %add3A_489 : vector<16xi32>
    %swap3A_491 = arith.constant 176 : index
    %swap3A_492 = tpu.vector_load %arg7[%swap3A_491] {strides = array<i32>} : memref<512xi32, #tpu.memory_space<vmem>>, vector<16xi32>,
    %swap3A_493 = vector.shape_cast %swap3A_492 : vector<16xi32> to vector<16xi32>
    %swap3A_494 = vector.shape_cast %add3A_490 : vector<16xi32> to vector<16xi32>
    tpu.vector_store %arg7[%swap3A_491], %swap3A_494 {strides = array<i32>} : memref<512xi32, #tpu.memory_space<vmem>>, vector<16xi32>,
    %get3A_495 = arith.constant 192 : index
    %get3A_496 = tpu.vector_load %arg7[%get3A_495] {strides = array<i32>} : memref<512xi32, #tpu.memory_space<vmem>>, vector<16xi32>,
    %get3A_497 = vector.shape_cast %get3A_496 : vector<16xi32> to vector<16xi32>
    %mul3A_498 = arith.constant 64 : i32
    %mul3A_499 = arith.muli %arg1, %mul3A_498 : i32
    %add3A_500 = vector.broadcast %mul3A_499 : i32 to vector<16xi32>
    %add3A_501 = arith.addi %get3A_497, %add3A_500 : vector<16xi32>
    %swap3A_502 = arith.constant 192 : index
    %swap3A_503 = tpu.vector_load %arg7[%swap3A_502] {strides = array<i32>} : memref<512xi32, #tpu.memory_space<vmem>>, vector<16xi32>,
    %swap3A_504 = vector.shape_cast %swap3A_503 : vector<16xi32> to vector<16xi32>
    %swap3A_505 = vector.shape_cast %add3A_501 : vector<16xi32> to vector<16xi32>
    tpu.vector_store %arg7[%swap3A_502], %swap3A_505 {strides = array<i32>} : memref<512xi32, #tpu.memory_space<vmem>>, vector<16xi32>,
    %get3A_506 = arith.constant 208 : index
    %get3A_507 = tpu.vector_load %arg7[%get3A_506] {strides = array<i32>} : memref<512xi32, #tpu.memory_space<vmem>>, vector<16xi32>,
    %get3A_508 = vector.shape_cast %get3A_507 : vector<16xi32> to vector<16xi32>
    %mul3A_509 = arith.constant 64 : i32
    %mul3A_510 = arith.muli %arg1, %mul3A_509 : i32
    %add3A_511 = vector.broadcast %mul3A_510 : i32 to vector<16xi32>
    %add3A_512 = arith.addi %get3A_508, %add3A_511 : vector<16xi32>
    %swap3A_513 = arith.constant 208 : index
    %swap3A_514 = tpu.vector_load %arg7[%swap3A_513] {strides = array<i32>} : memref<512xi32, #tpu.memory_space<vmem>>, vector<16xi32>,
    %swap3A_515 = vector.shape_cast %swap3A_514 : vector<16xi32> to vector<16xi32>
    %swap3A_516 = vector.shape_cast %add3A_512 : vector<16xi32> to vector<16xi32>
    tpu.vector_store %arg7[%swap3A_513], %swap3A_516 {strides = array<i32>} : memref<512xi32, #tpu.memory_space<vmem>>, vector<16xi32>,
    %get3A_517 = arith.constant 224 : index
    %get3A_518 = tpu.vector_load %arg7[%get3A_517] {strides = array<i32>} : memref<512xi32, #tpu.memory_space<vmem>>, vector<16xi32>,
    %get3A_519 = vector.shape_cast %get3A_518 : vector<16xi32> to vector<16xi32>
    %mul3A_520 = arith.constant 64 : i32
    %mul3A_521 = arith.muli %arg1, %mul3A_520 : i32
    %add3A_522 = vector.broadcast %mul3A_521 : i32 to vector<16xi32>
    %add3A_523 = arith.addi %get3A_519, %add3A_522 : vector<16xi32>
    %swap3A_524 = arith.constant 224 : index
    %swap3A_525 = tpu.vector_load %arg7[%swap3A_524] {strides = array<i32>} : memref<512xi32, #tpu.memory_space<vmem>>, vector<16xi32>,
    %swap3A_526 = vector.shape_cast %swap3A_525 : vector<16xi32> to vector<16xi32>
    %swap3A_527 = vector.shape_cast %add3A_523 : vector<16xi32> to vector<16xi32>
    tpu.vector_store %arg7[%swap3A_524], %swap3A_527 {strides = array<i32>} : memref<512xi32, #tpu.memory_space<vmem>>, vector<16xi32>,
    %get3A_528 = arith.constant 240 : index
    %get3A_529 = tpu.vector_load %arg7[%get3A_528] {strides = array<i32>} : memref<512xi32, #tpu.memory_space<vmem>>, vector<16xi32>,
    %get3A_530 = vector.shape_cast %get3A_529 : vector<16xi32> to vector<16xi32>
    %mul3A_531 = arith.constant 64 : i32
    %mul3A_532 = arith.muli %arg1, %mul3A_531 : i32
    %add3A_533 = vector.broadcast %mul3A_532 : i32 to vector<16xi32>
    %add3A_534 = arith.addi %get3A_530, %add3A_533 : vector<16xi32>
    %swap3A_535 = arith.constant 240 : index
    %swap3A_536 = tpu.vector_load %arg7[%swap3A_535] {strides = array<i32>} : memref<512xi32, #tpu.memory_space<vmem>>, vector<16xi32>,
    %swap3A_537 = vector.shape_cast %swap3A_536 : vector<16xi32> to vector<16xi32>
    %swap3A_538 = vector.shape_cast %add3A_534 : vector<16xi32> to vector<16xi32>
    tpu.vector_store %arg7[%swap3A_535], %swap3A_538 {strides = array<i32>} : memref<512xi32, #tpu.memory_space<vmem>>, vector<16xi32>,
    %get3A_539 = arith.constant 256 : index
    %get3A_540 = tpu.vector_load %arg7[%get3A_539] {strides = array<i32>} : memref<512xi32, #tpu.memory_space<vmem>>, vector<16xi32>,
    %get3A_541 = vector.shape_cast %get3A_540 : vector<16xi32> to vector<16xi32>
    %mul3A_542 = arith.constant 64 : i32
    %mul3A_543 = arith.muli %arg1, %mul3A_542 : i32
    %add3A_544 = vector.broadcast %mul3A_543 : i32 to vector<16xi32>
    %add3A_545 = arith.addi %get3A_541, %add3A_544 : vector<16xi32>
    %swap3A_546 = arith.constant 256 : index
    %swap3A_547 = tpu.vector_load %arg7[%swap3A_546] {strides = array<i32>} : memref<512xi32, #tpu.memory_space<vmem>>, vector<16xi32>,
    %swap3A_548 = vector.shape_cast %swap3A_547 : vector<16xi32> to vector<16xi32>
    %swap3A_549 = vector.shape_cast %add3A_545 : vector<16xi32> to vector<16xi32>
    tpu.vector_store %arg7[%swap3A_546], %swap3A_549 {strides = array<i32>} : memref<512xi32, #tpu.memory_space<vmem>>, vector<16xi32>,
    %get3A_550 = arith.constant 272 : index
    %get3A_551 = tpu.vector_load %arg7[%get3A_550] {strides = array<i32>} : memref<512xi32, #tpu.memory_space<vmem>>, vector<16xi32>,
    %get3A_552 = vector.shape_cast %get3A_551 : vector<16xi32> to vector<16xi32>
    %mul3A_553 = arith.constant 64 : i32
    %mul3A_554 = arith.muli %arg1, %mul3A_553 : i32
    %add3A_555 = vector.broadcast %mul3A_554 : i32 to vector<16xi32>
    %add3A_556 = arith.addi %get3A_552, %add3A_555 : vector<16xi32>
    %swap3A_557 = arith.constant 272 : index
    %swap3A_558 = tpu.vector_load %arg7[%swap3A_557] {strides = array<i32>} : memref<512xi32, #tpu.memory_space<vmem>>, vector<16xi32>,
    %swap3A_559 = vector.shape_cast %swap3A_558 : vector<16xi32> to vector<16xi32>
    %swap3A_560 = vector.shape_cast %add3A_556 : vector<16xi32> to vector<16xi32>
    tpu.vector_store %arg7[%swap3A_557], %swap3A_560 {strides = array<i32>} : memref<512xi32, #tpu.memory_space<vmem>>, vector<16xi32>,
    %get3A_561 = arith.constant 288 : index
    %get3A_562 = tpu.vector_load %arg7[%get3A_561] {strides = array<i32>} : memref<512xi32, #tpu.memory_space<vmem>>, vector<16xi32>,
    %get3A_563 = vector.shape_cast %get3A_562 : vector<16xi32> to vector<16xi32>
    %mul3A_564 = arith.constant 64 : i32
    %mul3A_565 = arith.muli %arg1, %mul3A_564 : i32
    %add3A_566 = vector.broadcast %mul3A_565 : i32 to vector<16xi32>
    %add3A_567 = arith.addi %get3A_563, %add3A_566 : vector<16xi32>
    %swap3A_568 = arith.constant 288 : index
    %swap3A_569 = tpu.vector_load %arg7[%swap3A_568] {strides = array<i32>} : memref<512xi32, #tpu.memory_space<vmem>>, vector<16xi32>,
    %swap3A_570 = vector.shape_cast %swap3A_569 : vector<16xi32> to vector<16xi32>
    %swap3A_571 = vector.shape_cast %add3A_567 : vector<16xi32> to vector<16xi32>
    tpu.vector_store %arg7[%swap3A_568], %swap3A_571 {strides = array<i32>} : memref<512xi32, #tpu.memory_space<vmem>>, vector<16xi32>,
    %get3A_572 = arith.constant 304 : index
    %get3A_573 = tpu.vector_load %arg7[%get3A_572] {strides = array<i32>} : memref<512xi32, #tpu.memory_space<vmem>>, vector<16xi32>,
    %get3A_574 = vector.shape_cast %get3A_573 : vector<16xi32> to vector<16xi32>
    %mul3A_575 = arith.constant 64 : i32
    %mul3A_576 = arith.muli %arg1, %mul3A_575 : i32
    %add3A_577 = vector.broadcast %mul3A_576 : i32 to vector<16xi32>
    %add3A_578 = arith.addi %get3A_574, %add3A_577 : vector<16xi32>
    %swap3A_579 = arith.constant 304 : index
    %swap3A_580 = tpu.vector_load %arg7[%swap3A_579] {strides = array<i32>} : memref<512xi32, #tpu.memory_space<vmem>>, vector<16xi32>,
    %swap3A_581 = vector.shape_cast %swap3A_580 : vector<16xi32> to vector<16xi32>
    %swap3A_582 = vector.shape_cast %add3A_578 : vector<16xi32> to vector<16xi32>
    tpu.vector_store %arg7[%swap3A_579], %swap3A_582 {strides = array<i32>} : memref<512xi32, #tpu.memory_space<vmem>>, vector<16xi32>,
    %get3A_583 = arith.constant 320 : index
    %get3A_584 = tpu.vector_load %arg7[%get3A_583] {strides = array<i32>} : memref<512xi32, #tpu.memory_space<vmem>>, vector<16xi32>,
    %get3A_585 = vector.shape_cast %get3A_584 : vector<16xi32> to vector<16xi32>
    %mul3A_586 = arith.constant 64 : i32
    %mul3A_587 = arith.muli %arg1, %mul3A_586 : i32
    %add3A_588 = vector.broadcast %mul3A_587 : i32 to vector<16xi32>
    %add3A_589 = arith.addi %get3A_585, %add3A_588 : vector<16xi32>
    %swap3A_590 = arith.constant 320 : index
    %swap3A_591 = tpu.vector_load %arg7[%swap3A_590] {strides = array<i32>} : memref<512xi32, #tpu.memory_space<vmem>>, vector<16xi32>,
    %swap3A_592 = vector.shape_cast %swap3A_591 : vector<16xi32> to vector<16xi32>
    %swap3A_593 = vector.shape_cast %add3A_589 : vector<16xi32> to vector<16xi32>
    tpu.vector_store %arg7[%swap3A_590], %swap3A_593 {strides = array<i32>} : memref<512xi32, #tpu.memory_space<vmem>>, vector<16xi32>,
    %get3A_594 = arith.constant 336 : index
    %get3A_595 = tpu.vector_load %arg7[%get3A_594] {strides = array<i32>} : memref<512xi32, #tpu.memory_space<vmem>>, vector<16xi32>,
    %get3A_596 = vector.shape_cast %get3A_595 : vector<16xi32> to vector<16xi32>
    %mul3A_597 = arith.constant 64 : i32
    %mul3A_598 = arith.muli %arg1, %mul3A_597 : i32
    %add3A_599 = vector.broadcast %mul3A_598 : i32 to vector<16xi32>
    %add3A_600 = arith.addi %get3A_596, %add3A_599 : vector<16xi32>
    %swap3A_601 = arith.constant 336 : index
    %swap3A_602 = tpu.vector_load %arg7[%swap3A_601] {strides = array<i32>} : memref<512xi32, #tpu.memory_space<vmem>>, vector<16xi32>,
    %swap3A_603 = vector.shape_cast %swap3A_602 : vector<16xi32> to vector<16xi32>
    %swap3A_604 = vector.shape_cast %add3A_600 : vector<16xi32> to vector<16xi32>
    tpu.vector_store %arg7[%swap3A_601], %swap3A_604 {strides = array<i32>} : memref<512xi32, #tpu.memory_space<vmem>>, vector<16xi32>,
    %get3A_605 = arith.constant 352 : index
    %get3A_606 = tpu.vector_load %arg7[%get3A_605] {strides = array<i32>} : memref<512xi32, #tpu.memory_space<vmem>>, vector<16xi32>,
    %get3A_607 = vector.shape_cast %get3A_606 : vector<16xi32> to vector<16xi32>
    %mul3A_608 = arith.constant 64 : i32
    %mul3A_609 = arith.muli %arg1, %mul3A_608 : i32
    %add3A_610 = vector.broadcast %mul3A_609 : i32 to vector<16xi32>
    %add3A_611 = arith.addi %get3A_607, %add3A_610 : vector<16xi32>
    %swap3A_612 = arith.constant 352 : index
    %swap3A_613 = tpu.vector_load %arg7[%swap3A_612] {strides = array<i32>} : memref<512xi32, #tpu.memory_space<vmem>>, vector<16xi32>,
    %swap3A_614 = vector.shape_cast %swap3A_613 : vector<16xi32> to vector<16xi32>
    %swap3A_615 = vector.shape_cast %add3A_611 : vector<16xi32> to vector<16xi32>
    tpu.vector_store %arg7[%swap3A_612], %swap3A_615 {strides = array<i32>} : memref<512xi32, #tpu.memory_space<vmem>>, vector<16xi32>,
    %get3A_616 = arith.constant 368 : index
    %get3A_617 = tpu.vector_load %arg7[%get3A_616] {strides = array<i32>} : memref<512xi32, #tpu.memory_space<vmem>>, vector<16xi32>,
    %get3A_618 = vector.shape_cast %get3A_617 : vector<16xi32> to vector<16xi32>
    %mul3A_619 = arith.constant 64 : i32
    %mul3A_620 = arith.muli %arg1, %mul3A_619 : i32
    %add3A_621 = vector.broadcast %mul3A_620 : i32 to vector<16xi32>
    %add3A_622 = arith.addi %get3A_618, %add3A_621 : vector<16xi32>
    %swap3A_623 = arith.constant 368 : index
    %swap3A_624 = tpu.vector_load %arg7[%swap3A_623] {strides = array<i32>} : memref<512xi32, #tpu.memory_space<vmem>>, vector<16xi32>,
    %swap3A_625 = vector.shape_cast %swap3A_624 : vector<16xi32> to vector<16xi32>
    %swap3A_626 = vector.shape_cast %add3A_622 : vector<16xi32> to vector<16xi32>
    tpu.vector_store %arg7[%swap3A_623], %swap3A_626 {strides = array<i32>} : memref<512xi32, #tpu.memory_space<vmem>>, vector<16xi32>,
    %get3A_627 = arith.constant 384 : index
    %get3A_628 = tpu.vector_load %arg7[%get3A_627] {strides = array<i32>} : memref<512xi32, #tpu.memory_space<vmem>>, vector<16xi32>,
    %get3A_629 = vector.shape_cast %get3A_628 : vector<16xi32> to vector<16xi32>
    %mul3A_630 = arith.constant 64 : i32
    %mul3A_631 = arith.muli %arg1, %mul3A_630 : i32
    %add3A_632 = vector.broadcast %mul3A_631 : i32 to vector<16xi32>
    %add3A_633 = arith.addi %get3A_629, %add3A_632 : vector<16xi32>
    %swap3A_634 = arith.constant 384 : index
    %swap3A_635 = tpu.vector_load %arg7[%swap3A_634] {strides = array<i32>} : memref<512xi32, #tpu.memory_space<vmem>>, vector<16xi32>,
    %swap3A_636 = vector.shape_cast %swap3A_635 : vector<16xi32> to vector<16xi32>
    %swap3A_637 = vector.shape_cast %add3A_633 : vector<16xi32> to vector<16xi32>
    tpu.vector_store %arg7[%swap3A_634], %swap3A_637 {strides = array<i32>} : memref<512xi32, #tpu.memory_space<vmem>>, vector<16xi32>,
    %get3A_638 = arith.constant 400 : index
    %get3A_639 = tpu.vector_load %arg7[%get3A_638] {strides = array<i32>} : memref<512xi32, #tpu.memory_space<vmem>>, vector<16xi32>,
    %get3A_640 = vector.shape_cast %get3A_639 : vector<16xi32> to vector<16xi32>
    %mul3A_641 = arith.constant 64 : i32
    %mul3A_642 = arith.muli %arg1, %mul3A_641 : i32
    %add3A_643 = vector.broadcast %mul3A_642 : i32 to vector<16xi32>
    %add3A_644 = arith.addi %get3A_640, %add3A_643 : vector<16xi32>
    %swap3A_645 = arith.constant 400 : index
    %swap3A_646 = tpu.vector_load %arg7[%swap3A_645] {strides = array<i32>} : memref<512xi32, #tpu.memory_space<vmem>>, vector<16xi32>,
    %swap3A_647 = vector.shape_cast %swap3A_646 : vector<16xi32> to vector<16xi32>
    %swap3A_648 = vector.shape_cast %add3A_644 : vector<16xi32> to vector<16xi32>
    tpu.vector_store %arg7[%swap3A_645], %swap3A_648 {strides = array<i32>} : memref<512xi32, #tpu.memory_space<vmem>>, vector<16xi32>,
    %get3A_649 = arith.constant 416 : index
    %get3A_650 = tpu.vector_load %arg7[%get3A_649] {strides = array<i32>} : memref<512xi32, #tpu.memory_space<vmem>>, vector<16xi32>,
    %get3A_651 = vector.shape_cast %get3A_650 : vector<16xi32> to vector<16xi32>
    %mul3A_652 = arith.constant 64 : i32
    %mul3A_653 = arith.muli %arg1, %mul3A_652 : i32
    %add3A_654 = vector.broadcast %mul3A_653 : i32 to vector<16xi32>
    %add3A_655 = arith.addi %get3A_651, %add3A_654 : vector<16xi32>
    %swap3A_656 = arith.constant 416 : index
    %swap3A_657 = tpu.vector_load %arg7[%swap3A_656] {strides = array<i32>} : memref<512xi32, #tpu.memory_space<vmem>>, vector<16xi32>,
    %swap3A_658 = vector.shape_cast %swap3A_657 : vector<16xi32> to vector<16xi32>
    %swap3A_659 = vector.shape_cast %add3A_655 : vector<16xi32> to vector<16xi32>
    tpu.vector_store %arg7[%swap3A_656], %swap3A_659 {strides = array<i32>} : memref<512xi32, #tpu.memory_space<vmem>>, vector<16xi32>,
    %get3A_660 = arith.constant 432 : index
    %get3A_661 = tpu.vector_load %arg7[%get3A_660] {strides = array<i32>} : memref<512xi32, #tpu.memory_space<vmem>>, vector<16xi32>,
    %get3A_662 = vector.shape_cast %get3A_661 : vector<16xi32> to vector<16xi32>
    %mul3A_663 = arith.constant 64 : i32
    %mul3A_664 = arith.muli %arg1, %mul3A_663 : i32
    %add3A_665 = vector.broadcast %mul3A_664 : i32 to vector<16xi32>
    %add3A_666 = arith.addi %get3A_662, %add3A_665 : vector<16xi32>
    %swap3A_667 = arith.constant 432 : index
    %swap3A_668 = tpu.vector_load %arg7[%swap3A_667] {strides = array<i32>} : memref<512xi32, #tpu.memory_space<vmem>>, vector<16xi32>,
    %swap3A_669 = vector.shape_cast %swap3A_668 : vector<16xi32> to vector<16xi32>
    %swap3A_670 = vector.shape_cast %add3A_666 : vector<16xi32> to vector<16xi32>
    tpu.vector_store %arg7[%swap3A_667], %swap3A_670 {strides = array<i32>} : memref<512xi32, #tpu.memory_space<vmem>>, vector<16xi32>,
    %get3A_671 = arith.constant 448 : index
    %get3A_672 = tpu.vector_load %arg7[%get3A_671] {strides = array<i32>} : memref<512xi32, #tpu.memory_space<vmem>>, vector<16xi32>,
    %get3A_673 = vector.shape_cast %get3A_672 : vector<16xi32> to vector<16xi32>
    %mul3A_674 = arith.constant 64 : i32
    %mul3A_675 = arith.muli %arg1, %mul3A_674 : i32
    %add3A_676 = vector.broadcast %mul3A_675 : i32 to vector<16xi32>
    %add3A_677 = arith.addi %get3A_673, %add3A_676 : vector<16xi32>
    %swap3A_678 = arith.constant 448 : index
    %swap3A_679 = tpu.vector_load %arg7[%swap3A_678] {strides = array<i32>} : memref<512xi32, #tpu.memory_space<vmem>>, vector<16xi32>,
    %swap3A_680 = vector.shape_cast %swap3A_679 : vector<16xi32> to vector<16xi32>
    %swap3A_681 = vector.shape_cast %add3A_677 : vector<16xi32> to vector<16xi32>
    tpu.vector_store %arg7[%swap3A_678], %swap3A_681 {strides = array<i32>} : memref<512xi32, #tpu.memory_space<vmem>>, vector<16xi32>,
    %get3A_682 = arith.constant 464 : index
    %get3A_683 = tpu.vector_load %arg7[%get3A_682] {strides = array<i32>} : memref<512xi32, #tpu.memory_space<vmem>>, vector<16xi32>,
    %get3A_684 = vector.shape_cast %get3A_683 : vector<16xi32> to vector<16xi32>
    %mul3A_685 = arith.constant 64 : i32
    %mul3A_686 = arith.muli %arg1, %mul3A_685 : i32
    %add3A_687 = vector.broadcast %mul3A_686 : i32 to vector<16xi32>
    %add3A_688 = arith.addi %get3A_684, %add3A_687 : vector<16xi32>
    %swap3A_689 = arith.constant 464 : index
    %swap3A_690 = tpu.vector_load %arg7[%swap3A_689] {strides = array<i32>} : memref<512xi32, #tpu.memory_space<vmem>>, vector<16xi32>,
    %swap3A_691 = vector.shape_cast %swap3A_690 : vector<16xi32> to vector<16xi32>
    %swap3A_692 = vector.shape_cast %add3A_688 : vector<16xi32> to vector<16xi32>
    tpu.vector_store %arg7[%swap3A_689], %swap3A_692 {strides = array<i32>} : memref<512xi32, #tpu.memory_space<vmem>>, vector<16xi32>,
    %get3A_693 = arith.constant 480 : index
    %get3A_694 = tpu.vector_load %arg7[%get3A_693] {strides = array<i32>} : memref<512xi32, #tpu.memory_space<vmem>>, vector<16xi32>,
    %get3A_695 = vector.shape_cast %get3A_694 : vector<16xi32> to vector<16xi32>
    %mul3A_696 = arith.constant 64 : i32
    %mul3A_697 = arith.muli %arg1, %mul3A_696 : i32
    %add3A_698 = vector.broadcast %mul3A_697 : i32 to vector<16xi32>
    %add3A_699 = arith.addi %get3A_695, %add3A_698 : vector<16xi32>
    %swap3A_700 = arith.constant 480 : index
    %swap3A_701 = tpu.vector_load %arg7[%swap3A_700] {strides = array<i32>} : memref<512xi32, #tpu.memory_space<vmem>>, vector<16xi32>,
    %swap3A_702 = vector.shape_cast %swap3A_701 : vector<16xi32> to vector<16xi32>
    %swap3A_703 = vector.shape_cast %add3A_699 : vector<16xi32> to vector<16xi32>
    tpu.vector_store %arg7[%swap3A_700], %swap3A_703 {strides = array<i32>} : memref<512xi32, #tpu.memory_space<vmem>>, vector<16xi32>,
    %get3A_704 = arith.constant 496 : index
    %get3A_705 = tpu.vector_load %arg7[%get3A_704] {strides = array<i32>} : memref<512xi32, #tpu.memory_space<vmem>>, vector<16xi32>,
    %get3A_706 = vector.shape_cast %get3A_705 : vector<16xi32> to vector<16xi32>
    %mul3A_707 = arith.constant 64 : i32
    %mul3A_708 = arith.muli %arg1, %mul3A_707 : i32
    %add3A_709 = vector.broadcast %mul3A_708 : i32 to vector<16xi32>
    %add3A_710 = arith.addi %get3A_706, %add3A_709 : vector<16xi32>
    %swap3A_711 = arith.constant 496 : index
    %swap3A_712 = tpu.vector_load %arg7[%swap3A_711] {strides = array<i32>} : memref<512xi32, #tpu.memory_space<vmem>>, vector<16xi32>,
    %swap3A_713 = vector.shape_cast %swap3A_712 : vector<16xi32> to vector<16xi32>
    %swap3A_714 = vector.shape_cast %add3A_710 : vector<16xi32> to vector<16xi32>
    tpu.vector_store %arg7[%swap3A_711], %swap3A_714 {strides = array<i32>} : memref<512xi32, #tpu.memory_space<vmem>>, vector<16xi32>,
    "tpu.region"() ({
      %run_scoped3A = tpu.sem_alloc : memref<!tpu.dma_semaphore, #tpu.memory_space<semaphore_mem>>
      %dma_start3A = arith.constant 0 : i32
      %dma_start3A_1433 = arith.constant 0 : i32
      %dma_start3A_1434 = tpu.memref_slice %arg10[%dma_start3A, %dma_start3A_1433] : memref<1024x128xf32, #tpu.memory_space<vmem_shared>> -> memref<1024x128xf32, #tpu.memory_space<vmem_shared>>
      tpu.enqueue_indirect_dma source(%arg8 : memref<512x128xf32, #tpu.memory_space<vmem>>) target(%dma_start3A_1434 : memref<1024x128xf32, #tpu.memory_space<vmem_shared>>) offsets(%arg7 : memref<512xi32, #tpu.memory_space<vmem>>) semaphore(%run_scoped3A : memref<!tpu.dma_semaphore, #tpu.memory_space<semaphore_mem>>) {add = true}
      %dma_wait3A = arith.constant 0 : i32
      %dma_wait3A_1435 = arith.constant 0 : i32
      %dma_wait3A_1436 = tpu.memref_slice %arg10[%dma_wait3A, %dma_wait3A_1435] : memref<1024x128xf32, #tpu.memory_space<vmem_shared>> -> memref<1024x128xf32, #tpu.memory_space<vmem_shared>>
      tpu.wait_indirect_dma semaphore(%run_scoped3A : memref<!tpu.dma_semaphore, #tpu.memory_space<semaphore_mem>>) src(%arg8 : memref<512x128xf32, #tpu.memory_space<vmem>>) dst(%dma_wait3A_1436 : memref<1024x128xf32, #tpu.memory_space<vmem_shared>>)
      tpu.yield
    }) : () -> ()
    %mul3A_715 = arith.constant 2048 : i32
    %mul3A_716 = arith.muli %add3A, %mul3A_715 : i32
    %add3A_717 = arith.constant 1024 : i32
    %add3A_718 = arith.addi %mul3A_716, %add3A_717 : i32
    "tpu.region"() ({
      %run_scoped3A = tpu.sem_alloc : memref<!tpu.dma_semaphore, #tpu.memory_space<semaphore_mem>>
      %dma_start3A = tpu.memref_slice %arg2[%add3A_718] : memref<65536xi32, #tpu.memory_space<hbm>> -> memref<512xi32, #tpu.memory_space<hbm>>
      %dma_start3A_1433 = tpu.memref_slice %arg2[%add3A_718] : memref<65536xi32, #tpu.memory_space<hbm>> -> memref<512xi32, #tpu.memory_space<hbm>>
      tpu.enqueue_dma source(%dma_start3A_1433 : memref<512xi32, #tpu.memory_space<hbm>>) target(%arg7 : memref<512xi32, #tpu.memory_space<vmem>>) target_semaphore(%run_scoped3A : memref<!tpu.dma_semaphore, #tpu.memory_space<semaphore_mem>>)
      %dma_wait3A = tpu.memref_slice %arg2[%add3A_718] : memref<65536xi32, #tpu.memory_space<hbm>> -> memref<512xi32, #tpu.memory_space<hbm>>
      %dma_wait3A_1434 = tpu.memref_slice %arg2[%add3A_718] : memref<65536xi32, #tpu.memory_space<hbm>> -> memref<512xi32, #tpu.memory_space<hbm>>
      tpu.wait_dma2 semaphore(%run_scoped3A : memref<!tpu.dma_semaphore, #tpu.memory_space<semaphore_mem>>) src(%dma_wait3A_1434 : memref<512xi32, #tpu.memory_space<hbm>>) dst(%arg7 : memref<512xi32, #tpu.memory_space<vmem>>)
      tpu.yield
    }) : () -> ()
    %get3A_719 = arith.constant 0 : index
    %get3A_720 = tpu.vector_load %arg7[%get3A_719] {strides = array<i32>} : memref<512xi32, #tpu.memory_space<vmem>>, vector<16xi32>,
    %get3A_721 = vector.shape_cast %get3A_720 : vector<16xi32> to vector<16xi32>
    %mul3A_722 = arith.constant 64 : i32
    %mul3A_723 = arith.muli %arg1, %mul3A_722 : i32
    %add3A_724 = vector.broadcast %mul3A_723 : i32 to vector<16xi32>
    %add3A_725 = arith.addi %get3A_721, %add3A_724 : vector<16xi32>
    %swap3A_726 = arith.constant 0 : index
    %swap3A_727 = tpu.vector_load %arg7[%swap3A_726] {strides = array<i32>} : memref<512xi32, #tpu.memory_space<vmem>>, vector<16xi32>,
    %swap3A_728 = vector.shape_cast %swap3A_727 : vector<16xi32> to vector<16xi32>
    %swap3A_729 = vector.shape_cast %add3A_725 : vector<16xi32> to vector<16xi32>
    tpu.vector_store %arg7[%swap3A_726], %swap3A_729 {strides = array<i32>} : memref<512xi32, #tpu.memory_space<vmem>>, vector<16xi32>,
    %get3A_730 = arith.constant 16 : index
    %get3A_731 = tpu.vector_load %arg7[%get3A_730] {strides = array<i32>} : memref<512xi32, #tpu.memory_space<vmem>>, vector<16xi32>,
    %get3A_732 = vector.shape_cast %get3A_731 : vector<16xi32> to vector<16xi32>
    %mul3A_733 = arith.constant 64 : i32
    %mul3A_734 = arith.muli %arg1, %mul3A_733 : i32
    %add3A_735 = vector.broadcast %mul3A_734 : i32 to vector<16xi32>
    %add3A_736 = arith.addi %get3A_732, %add3A_735 : vector<16xi32>
    %swap3A_737 = arith.constant 16 : index
    %swap3A_738 = tpu.vector_load %arg7[%swap3A_737] {strides = array<i32>} : memref<512xi32, #tpu.memory_space<vmem>>, vector<16xi32>,
    %swap3A_739 = vector.shape_cast %swap3A_738 : vector<16xi32> to vector<16xi32>
    %swap3A_740 = vector.shape_cast %add3A_736 : vector<16xi32> to vector<16xi32>
    tpu.vector_store %arg7[%swap3A_737], %swap3A_740 {strides = array<i32>} : memref<512xi32, #tpu.memory_space<vmem>>, vector<16xi32>,
    %get3A_741 = arith.constant 32 : index
    %get3A_742 = tpu.vector_load %arg7[%get3A_741] {strides = array<i32>} : memref<512xi32, #tpu.memory_space<vmem>>, vector<16xi32>,
    %get3A_743 = vector.shape_cast %get3A_742 : vector<16xi32> to vector<16xi32>
    %mul3A_744 = arith.constant 64 : i32
    %mul3A_745 = arith.muli %arg1, %mul3A_744 : i32
    %add3A_746 = vector.broadcast %mul3A_745 : i32 to vector<16xi32>
    %add3A_747 = arith.addi %get3A_743, %add3A_746 : vector<16xi32>
    %swap3A_748 = arith.constant 32 : index
    %swap3A_749 = tpu.vector_load %arg7[%swap3A_748] {strides = array<i32>} : memref<512xi32, #tpu.memory_space<vmem>>, vector<16xi32>,
    %swap3A_750 = vector.shape_cast %swap3A_749 : vector<16xi32> to vector<16xi32>
    %swap3A_751 = vector.shape_cast %add3A_747 : vector<16xi32> to vector<16xi32>
    tpu.vector_store %arg7[%swap3A_748], %swap3A_751 {strides = array<i32>} : memref<512xi32, #tpu.memory_space<vmem>>, vector<16xi32>,
    %get3A_752 = arith.constant 48 : index
    %get3A_753 = tpu.vector_load %arg7[%get3A_752] {strides = array<i32>} : memref<512xi32, #tpu.memory_space<vmem>>, vector<16xi32>,
    %get3A_754 = vector.shape_cast %get3A_753 : vector<16xi32> to vector<16xi32>
    %mul3A_755 = arith.constant 64 : i32
    %mul3A_756 = arith.muli %arg1, %mul3A_755 : i32
    %add3A_757 = vector.broadcast %mul3A_756 : i32 to vector<16xi32>
    %add3A_758 = arith.addi %get3A_754, %add3A_757 : vector<16xi32>
    %swap3A_759 = arith.constant 48 : index
    %swap3A_760 = tpu.vector_load %arg7[%swap3A_759] {strides = array<i32>} : memref<512xi32, #tpu.memory_space<vmem>>, vector<16xi32>,
    %swap3A_761 = vector.shape_cast %swap3A_760 : vector<16xi32> to vector<16xi32>
    %swap3A_762 = vector.shape_cast %add3A_758 : vector<16xi32> to vector<16xi32>
    tpu.vector_store %arg7[%swap3A_759], %swap3A_762 {strides = array<i32>} : memref<512xi32, #tpu.memory_space<vmem>>, vector<16xi32>,
    %get3A_763 = arith.constant 64 : index
    %get3A_764 = tpu.vector_load %arg7[%get3A_763] {strides = array<i32>} : memref<512xi32, #tpu.memory_space<vmem>>, vector<16xi32>,
    %get3A_765 = vector.shape_cast %get3A_764 : vector<16xi32> to vector<16xi32>
    %mul3A_766 = arith.constant 64 : i32
    %mul3A_767 = arith.muli %arg1, %mul3A_766 : i32
    %add3A_768 = vector.broadcast %mul3A_767 : i32 to vector<16xi32>
    %add3A_769 = arith.addi %get3A_765, %add3A_768 : vector<16xi32>
    %swap3A_770 = arith.constant 64 : index
    %swap3A_771 = tpu.vector_load %arg7[%swap3A_770] {strides = array<i32>} : memref<512xi32, #tpu.memory_space<vmem>>, vector<16xi32>,
    %swap3A_772 = vector.shape_cast %swap3A_771 : vector<16xi32> to vector<16xi32>
    %swap3A_773 = vector.shape_cast %add3A_769 : vector<16xi32> to vector<16xi32>
    tpu.vector_store %arg7[%swap3A_770], %swap3A_773 {strides = array<i32>} : memref<512xi32, #tpu.memory_space<vmem>>, vector<16xi32>,
    %get3A_774 = arith.constant 80 : index
    %get3A_775 = tpu.vector_load %arg7[%get3A_774] {strides = array<i32>} : memref<512xi32, #tpu.memory_space<vmem>>, vector<16xi32>,
    %get3A_776 = vector.shape_cast %get3A_775 : vector<16xi32> to vector<16xi32>
    %mul3A_777 = arith.constant 64 : i32
    %mul3A_778 = arith.muli %arg1, %mul3A_777 : i32
    %add3A_779 = vector.broadcast %mul3A_778 : i32 to vector<16xi32>
    %add3A_780 = arith.addi %get3A_776, %add3A_779 : vector<16xi32>
    %swap3A_781 = arith.constant 80 : index
    %swap3A_782 = tpu.vector_load %arg7[%swap3A_781] {strides = array<i32>} : memref<512xi32, #tpu.memory_space<vmem>>, vector<16xi32>,
    %swap3A_783 = vector.shape_cast %swap3A_782 : vector<16xi32> to vector<16xi32>
    %swap3A_784 = vector.shape_cast %add3A_780 : vector<16xi32> to vector<16xi32>
    tpu.vector_store %arg7[%swap3A_781], %swap3A_784 {strides = array<i32>} : memref<512xi32, #tpu.memory_space<vmem>>, vector<16xi32>,
    %get3A_785 = arith.constant 96 : index
    %get3A_786 = tpu.vector_load %arg7[%get3A_785] {strides = array<i32>} : memref<512xi32, #tpu.memory_space<vmem>>, vector<16xi32>,
    %get3A_787 = vector.shape_cast %get3A_786 : vector<16xi32> to vector<16xi32>
    %mul3A_788 = arith.constant 64 : i32
    %mul3A_789 = arith.muli %arg1, %mul3A_788 : i32
    %add3A_790 = vector.broadcast %mul3A_789 : i32 to vector<16xi32>
    %add3A_791 = arith.addi %get3A_787, %add3A_790 : vector<16xi32>
    %swap3A_792 = arith.constant 96 : index
    %swap3A_793 = tpu.vector_load %arg7[%swap3A_792] {strides = array<i32>} : memref<512xi32, #tpu.memory_space<vmem>>, vector<16xi32>,
    %swap3A_794 = vector.shape_cast %swap3A_793 : vector<16xi32> to vector<16xi32>
    %swap3A_795 = vector.shape_cast %add3A_791 : vector<16xi32> to vector<16xi32>
    tpu.vector_store %arg7[%swap3A_792], %swap3A_795 {strides = array<i32>} : memref<512xi32, #tpu.memory_space<vmem>>, vector<16xi32>,
    %get3A_796 = arith.constant 112 : index
    %get3A_797 = tpu.vector_load %arg7[%get3A_796] {strides = array<i32>} : memref<512xi32, #tpu.memory_space<vmem>>, vector<16xi32>,
    %get3A_798 = vector.shape_cast %get3A_797 : vector<16xi32> to vector<16xi32>
    %mul3A_799 = arith.constant 64 : i32
    %mul3A_800 = arith.muli %arg1, %mul3A_799 : i32
    %add3A_801 = vector.broadcast %mul3A_800 : i32 to vector<16xi32>
    %add3A_802 = arith.addi %get3A_798, %add3A_801 : vector<16xi32>
    %swap3A_803 = arith.constant 112 : index
    %swap3A_804 = tpu.vector_load %arg7[%swap3A_803] {strides = array<i32>} : memref<512xi32, #tpu.memory_space<vmem>>, vector<16xi32>,
    %swap3A_805 = vector.shape_cast %swap3A_804 : vector<16xi32> to vector<16xi32>
    %swap3A_806 = vector.shape_cast %add3A_802 : vector<16xi32> to vector<16xi32>
    tpu.vector_store %arg7[%swap3A_803], %swap3A_806 {strides = array<i32>} : memref<512xi32, #tpu.memory_space<vmem>>, vector<16xi32>,
    %get3A_807 = arith.constant 128 : index
    %get3A_808 = tpu.vector_load %arg7[%get3A_807] {strides = array<i32>} : memref<512xi32, #tpu.memory_space<vmem>>, vector<16xi32>,
    %get3A_809 = vector.shape_cast %get3A_808 : vector<16xi32> to vector<16xi32>
    %mul3A_810 = arith.constant 64 : i32
    %mul3A_811 = arith.muli %arg1, %mul3A_810 : i32
    %add3A_812 = vector.broadcast %mul3A_811 : i32 to vector<16xi32>
    %add3A_813 = arith.addi %get3A_809, %add3A_812 : vector<16xi32>
    %swap3A_814 = arith.constant 128 : index
    %swap3A_815 = tpu.vector_load %arg7[%swap3A_814] {strides = array<i32>} : memref<512xi32, #tpu.memory_space<vmem>>, vector<16xi32>,
    %swap3A_816 = vector.shape_cast %swap3A_815 : vector<16xi32> to vector<16xi32>
    %swap3A_817 = vector.shape_cast %add3A_813 : vector<16xi32> to vector<16xi32>
    tpu.vector_store %arg7[%swap3A_814], %swap3A_817 {strides = array<i32>} : memref<512xi32, #tpu.memory_space<vmem>>, vector<16xi32>,
    %get3A_818 = arith.constant 144 : index
    %get3A_819 = tpu.vector_load %arg7[%get3A_818] {strides = array<i32>} : memref<512xi32, #tpu.memory_space<vmem>>, vector<16xi32>,
    %get3A_820 = vector.shape_cast %get3A_819 : vector<16xi32> to vector<16xi32>
    %mul3A_821 = arith.constant 64 : i32
    %mul3A_822 = arith.muli %arg1, %mul3A_821 : i32
    %add3A_823 = vector.broadcast %mul3A_822 : i32 to vector<16xi32>
    %add3A_824 = arith.addi %get3A_820, %add3A_823 : vector<16xi32>
    %swap3A_825 = arith.constant 144 : index
    %swap3A_826 = tpu.vector_load %arg7[%swap3A_825] {strides = array<i32>} : memref<512xi32, #tpu.memory_space<vmem>>, vector<16xi32>,
    %swap3A_827 = vector.shape_cast %swap3A_826 : vector<16xi32> to vector<16xi32>
    %swap3A_828 = vector.shape_cast %add3A_824 : vector<16xi32> to vector<16xi32>
    tpu.vector_store %arg7[%swap3A_825], %swap3A_828 {strides = array<i32>} : memref<512xi32, #tpu.memory_space<vmem>>, vector<16xi32>,
    %get3A_829 = arith.constant 160 : index
    %get3A_830 = tpu.vector_load %arg7[%get3A_829] {strides = array<i32>} : memref<512xi32, #tpu.memory_space<vmem>>, vector<16xi32>,
    %get3A_831 = vector.shape_cast %get3A_830 : vector<16xi32> to vector<16xi32>
    %mul3A_832 = arith.constant 64 : i32
    %mul3A_833 = arith.muli %arg1, %mul3A_832 : i32
    %add3A_834 = vector.broadcast %mul3A_833 : i32 to vector<16xi32>
    %add3A_835 = arith.addi %get3A_831, %add3A_834 : vector<16xi32>
    %swap3A_836 = arith.constant 160 : index
    %swap3A_837 = tpu.vector_load %arg7[%swap3A_836] {strides = array<i32>} : memref<512xi32, #tpu.memory_space<vmem>>, vector<16xi32>,
    %swap3A_838 = vector.shape_cast %swap3A_837 : vector<16xi32> to vector<16xi32>
    %swap3A_839 = vector.shape_cast %add3A_835 : vector<16xi32> to vector<16xi32>
    tpu.vector_store %arg7[%swap3A_836], %swap3A_839 {strides = array<i32>} : memref<512xi32, #tpu.memory_space<vmem>>, vector<16xi32>,
    %get3A_840 = arith.constant 176 : index
    %get3A_841 = tpu.vector_load %arg7[%get3A_840] {strides = array<i32>} : memref<512xi32, #tpu.memory_space<vmem>>, vector<16xi32>,
    %get3A_842 = vector.shape_cast %get3A_841 : vector<16xi32> to vector<16xi32>
    %mul3A_843 = arith.constant 64 : i32
    %mul3A_844 = arith.muli %arg1, %mul3A_843 : i32
    %add3A_845 = vector.broadcast %mul3A_844 : i32 to vector<16xi32>
    %add3A_846 = arith.addi %get3A_842, %add3A_845 : vector<16xi32>
    %swap3A_847 = arith.constant 176 : index
    %swap3A_848 = tpu.vector_load %arg7[%swap3A_847] {strides = array<i32>} : memref<512xi32, #tpu.memory_space<vmem>>, vector<16xi32>,
    %swap3A_849 = vector.shape_cast %swap3A_848 : vector<16xi32> to vector<16xi32>
    %swap3A_850 = vector.shape_cast %add3A_846 : vector<16xi32> to vector<16xi32>
    tpu.vector_store %arg7[%swap3A_847], %swap3A_850 {strides = array<i32>} : memref<512xi32, #tpu.memory_space<vmem>>, vector<16xi32>,
    %get3A_851 = arith.constant 192 : index
    %get3A_852 = tpu.vector_load %arg7[%get3A_851] {strides = array<i32>} : memref<512xi32, #tpu.memory_space<vmem>>, vector<16xi32>,
    %get3A_853 = vector.shape_cast %get3A_852 : vector<16xi32> to vector<16xi32>
    %mul3A_854 = arith.constant 64 : i32
    %mul3A_855 = arith.muli %arg1, %mul3A_854 : i32
    %add3A_856 = vector.broadcast %mul3A_855 : i32 to vector<16xi32>
    %add3A_857 = arith.addi %get3A_853, %add3A_856 : vector<16xi32>
    %swap3A_858 = arith.constant 192 : index
    %swap3A_859 = tpu.vector_load %arg7[%swap3A_858] {strides = array<i32>} : memref<512xi32, #tpu.memory_space<vmem>>, vector<16xi32>,
    %swap3A_860 = vector.shape_cast %swap3A_859 : vector<16xi32> to vector<16xi32>
    %swap3A_861 = vector.shape_cast %add3A_857 : vector<16xi32> to vector<16xi32>
    tpu.vector_store %arg7[%swap3A_858], %swap3A_861 {strides = array<i32>} : memref<512xi32, #tpu.memory_space<vmem>>, vector<16xi32>,
    %get3A_862 = arith.constant 208 : index
    %get3A_863 = tpu.vector_load %arg7[%get3A_862] {strides = array<i32>} : memref<512xi32, #tpu.memory_space<vmem>>, vector<16xi32>,
    %get3A_864 = vector.shape_cast %get3A_863 : vector<16xi32> to vector<16xi32>
    %mul3A_865 = arith.constant 64 : i32
    %mul3A_866 = arith.muli %arg1, %mul3A_865 : i32
    %add3A_867 = vector.broadcast %mul3A_866 : i32 to vector<16xi32>
    %add3A_868 = arith.addi %get3A_864, %add3A_867 : vector<16xi32>
    %swap3A_869 = arith.constant 208 : index
    %swap3A_870 = tpu.vector_load %arg7[%swap3A_869] {strides = array<i32>} : memref<512xi32, #tpu.memory_space<vmem>>, vector<16xi32>,
    %swap3A_871 = vector.shape_cast %swap3A_870 : vector<16xi32> to vector<16xi32>
    %swap3A_872 = vector.shape_cast %add3A_868 : vector<16xi32> to vector<16xi32>
    tpu.vector_store %arg7[%swap3A_869], %swap3A_872 {strides = array<i32>} : memref<512xi32, #tpu.memory_space<vmem>>, vector<16xi32>,
    %get3A_873 = arith.constant 224 : index
    %get3A_874 = tpu.vector_load %arg7[%get3A_873] {strides = array<i32>} : memref<512xi32, #tpu.memory_space<vmem>>, vector<16xi32>,
    %get3A_875 = vector.shape_cast %get3A_874 : vector<16xi32> to vector<16xi32>
    %mul3A_876 = arith.constant 64 : i32
    %mul3A_877 = arith.muli %arg1, %mul3A_876 : i32
    %add3A_878 = vector.broadcast %mul3A_877 : i32 to vector<16xi32>
    %add3A_879 = arith.addi %get3A_875, %add3A_878 : vector<16xi32>
    %swap3A_880 = arith.constant 224 : index
    %swap3A_881 = tpu.vector_load %arg7[%swap3A_880] {strides = array<i32>} : memref<512xi32, #tpu.memory_space<vmem>>, vector<16xi32>,
    %swap3A_882 = vector.shape_cast %swap3A_881 : vector<16xi32> to vector<16xi32>
    %swap3A_883 = vector.shape_cast %add3A_879 : vector<16xi32> to vector<16xi32>
    tpu.vector_store %arg7[%swap3A_880], %swap3A_883 {strides = array<i32>} : memref<512xi32, #tpu.memory_space<vmem>>, vector<16xi32>,
    %get3A_884 = arith.constant 240 : index
    %get3A_885 = tpu.vector_load %arg7[%get3A_884] {strides = array<i32>} : memref<512xi32, #tpu.memory_space<vmem>>, vector<16xi32>,
    %get3A_886 = vector.shape_cast %get3A_885 : vector<16xi32> to vector<16xi32>
    %mul3A_887 = arith.constant 64 : i32
    %mul3A_888 = arith.muli %arg1, %mul3A_887 : i32
    %add3A_889 = vector.broadcast %mul3A_888 : i32 to vector<16xi32>
    %add3A_890 = arith.addi %get3A_886, %add3A_889 : vector<16xi32>
    %swap3A_891 = arith.constant 240 : index
    %swap3A_892 = tpu.vector_load %arg7[%swap3A_891] {strides = array<i32>} : memref<512xi32, #tpu.memory_space<vmem>>, vector<16xi32>,
    %swap3A_893 = vector.shape_cast %swap3A_892 : vector<16xi32> to vector<16xi32>
    %swap3A_894 = vector.shape_cast %add3A_890 : vector<16xi32> to vector<16xi32>
    tpu.vector_store %arg7[%swap3A_891], %swap3A_894 {strides = array<i32>} : memref<512xi32, #tpu.memory_space<vmem>>, vector<16xi32>,
    %get3A_895 = arith.constant 256 : index
    %get3A_896 = tpu.vector_load %arg7[%get3A_895] {strides = array<i32>} : memref<512xi32, #tpu.memory_space<vmem>>, vector<16xi32>,
    %get3A_897 = vector.shape_cast %get3A_896 : vector<16xi32> to vector<16xi32>
    %mul3A_898 = arith.constant 64 : i32
    %mul3A_899 = arith.muli %arg1, %mul3A_898 : i32
    %add3A_900 = vector.broadcast %mul3A_899 : i32 to vector<16xi32>
    %add3A_901 = arith.addi %get3A_897, %add3A_900 : vector<16xi32>
    %swap3A_902 = arith.constant 256 : index
    %swap3A_903 = tpu.vector_load %arg7[%swap3A_902] {strides = array<i32>} : memref<512xi32, #tpu.memory_space<vmem>>, vector<16xi32>,
    %swap3A_904 = vector.shape_cast %swap3A_903 : vector<16xi32> to vector<16xi32>
    %swap3A_905 = vector.shape_cast %add3A_901 : vector<16xi32> to vector<16xi32>
    tpu.vector_store %arg7[%swap3A_902], %swap3A_905 {strides = array<i32>} : memref<512xi32, #tpu.memory_space<vmem>>, vector<16xi32>,
    %get3A_906 = arith.constant 272 : index
    %get3A_907 = tpu.vector_load %arg7[%get3A_906] {strides = array<i32>} : memref<512xi32, #tpu.memory_space<vmem>>, vector<16xi32>,
    %get3A_908 = vector.shape_cast %get3A_907 : vector<16xi32> to vector<16xi32>
    %mul3A_909 = arith.constant 64 : i32
    %mul3A_910 = arith.muli %arg1, %mul3A_909 : i32
    %add3A_911 = vector.broadcast %mul3A_910 : i32 to vector<16xi32>
    %add3A_912 = arith.addi %get3A_908, %add3A_911 : vector<16xi32>
    %swap3A_913 = arith.constant 272 : index
    %swap3A_914 = tpu.vector_load %arg7[%swap3A_913] {strides = array<i32>} : memref<512xi32, #tpu.memory_space<vmem>>, vector<16xi32>,
    %swap3A_915 = vector.shape_cast %swap3A_914 : vector<16xi32> to vector<16xi32>
    %swap3A_916 = vector.shape_cast %add3A_912 : vector<16xi32> to vector<16xi32>
    tpu.vector_store %arg7[%swap3A_913], %swap3A_916 {strides = array<i32>} : memref<512xi32, #tpu.memory_space<vmem>>, vector<16xi32>,
    %get3A_917 = arith.constant 288 : index
    %get3A_918 = tpu.vector_load %arg7[%get3A_917] {strides = array<i32>} : memref<512xi32, #tpu.memory_space<vmem>>, vector<16xi32>,
    %get3A_919 = vector.shape_cast %get3A_918 : vector<16xi32> to vector<16xi32>
    %mul3A_920 = arith.constant 64 : i32
    %mul3A_921 = arith.muli %arg1, %mul3A_920 : i32
    %add3A_922 = vector.broadcast %mul3A_921 : i32 to vector<16xi32>
    %add3A_923 = arith.addi %get3A_919, %add3A_922 : vector<16xi32>
    %swap3A_924 = arith.constant 288 : index
    %swap3A_925 = tpu.vector_load %arg7[%swap3A_924] {strides = array<i32>} : memref<512xi32, #tpu.memory_space<vmem>>, vector<16xi32>,
    %swap3A_926 = vector.shape_cast %swap3A_925 : vector<16xi32> to vector<16xi32>
    %swap3A_927 = vector.shape_cast %add3A_923 : vector<16xi32> to vector<16xi32>
    tpu.vector_store %arg7[%swap3A_924], %swap3A_927 {strides = array<i32>} : memref<512xi32, #tpu.memory_space<vmem>>, vector<16xi32>,
    %get3A_928 = arith.constant 304 : index
    %get3A_929 = tpu.vector_load %arg7[%get3A_928] {strides = array<i32>} : memref<512xi32, #tpu.memory_space<vmem>>, vector<16xi32>,
    %get3A_930 = vector.shape_cast %get3A_929 : vector<16xi32> to vector<16xi32>
    %mul3A_931 = arith.constant 64 : i32
    %mul3A_932 = arith.muli %arg1, %mul3A_931 : i32
    %add3A_933 = vector.broadcast %mul3A_932 : i32 to vector<16xi32>
    %add3A_934 = arith.addi %get3A_930, %add3A_933 : vector<16xi32>
    %swap3A_935 = arith.constant 304 : index
    %swap3A_936 = tpu.vector_load %arg7[%swap3A_935] {strides = array<i32>} : memref<512xi32, #tpu.memory_space<vmem>>, vector<16xi32>,
    %swap3A_937 = vector.shape_cast %swap3A_936 : vector<16xi32> to vector<16xi32>
    %swap3A_938 = vector.shape_cast %add3A_934 : vector<16xi32> to vector<16xi32>
    tpu.vector_store %arg7[%swap3A_935], %swap3A_938 {strides = array<i32>} : memref<512xi32, #tpu.memory_space<vmem>>, vector<16xi32>,
    %get3A_939 = arith.constant 320 : index
    %get3A_940 = tpu.vector_load %arg7[%get3A_939] {strides = array<i32>} : memref<512xi32, #tpu.memory_space<vmem>>, vector<16xi32>,
    %get3A_941 = vector.shape_cast %get3A_940 : vector<16xi32> to vector<16xi32>
    %mul3A_942 = arith.constant 64 : i32
    %mul3A_943 = arith.muli %arg1, %mul3A_942 : i32
    %add3A_944 = vector.broadcast %mul3A_943 : i32 to vector<16xi32>
    %add3A_945 = arith.addi %get3A_941, %add3A_944 : vector<16xi32>
    %swap3A_946 = arith.constant 320 : index
    %swap3A_947 = tpu.vector_load %arg7[%swap3A_946] {strides = array<i32>} : memref<512xi32, #tpu.memory_space<vmem>>, vector<16xi32>,
    %swap3A_948 = vector.shape_cast %swap3A_947 : vector<16xi32> to vector<16xi32>
    %swap3A_949 = vector.shape_cast %add3A_945 : vector<16xi32> to vector<16xi32>
    tpu.vector_store %arg7[%swap3A_946], %swap3A_949 {strides = array<i32>} : memref<512xi32, #tpu.memory_space<vmem>>, vector<16xi32>,
    %get3A_950 = arith.constant 336 : index
    %get3A_951 = tpu.vector_load %arg7[%get3A_950] {strides = array<i32>} : memref<512xi32, #tpu.memory_space<vmem>>, vector<16xi32>,
    %get3A_952 = vector.shape_cast %get3A_951 : vector<16xi32> to vector<16xi32>
    %mul3A_953 = arith.constant 64 : i32
    %mul3A_954 = arith.muli %arg1, %mul3A_953 : i32
    %add3A_955 = vector.broadcast %mul3A_954 : i32 to vector<16xi32>
    %add3A_956 = arith.addi %get3A_952, %add3A_955 : vector<16xi32>
    %swap3A_957 = arith.constant 336 : index
    %swap3A_958 = tpu.vector_load %arg7[%swap3A_957] {strides = array<i32>} : memref<512xi32, #tpu.memory_space<vmem>>, vector<16xi32>,
    %swap3A_959 = vector.shape_cast %swap3A_958 : vector<16xi32> to vector<16xi32>
    %swap3A_960 = vector.shape_cast %add3A_956 : vector<16xi32> to vector<16xi32>
    tpu.vector_store %arg7[%swap3A_957], %swap3A_960 {strides = array<i32>} : memref<512xi32, #tpu.memory_space<vmem>>, vector<16xi32>,
    %get3A_961 = arith.constant 352 : index
    %get3A_962 = tpu.vector_load %arg7[%get3A_961] {strides = array<i32>} : memref<512xi32, #tpu.memory_space<vmem>>, vector<16xi32>,
    %get3A_963 = vector.shape_cast %get3A_962 : vector<16xi32> to vector<16xi32>
    %mul3A_964 = arith.constant 64 : i32
    %mul3A_965 = arith.muli %arg1, %mul3A_964 : i32
    %add3A_966 = vector.broadcast %mul3A_965 : i32 to vector<16xi32>
    %add3A_967 = arith.addi %get3A_963, %add3A_966 : vector<16xi32>
    %swap3A_968 = arith.constant 352 : index
    %swap3A_969 = tpu.vector_load %arg7[%swap3A_968] {strides = array<i32>} : memref<512xi32, #tpu.memory_space<vmem>>, vector<16xi32>,
    %swap3A_970 = vector.shape_cast %swap3A_969 : vector<16xi32> to vector<16xi32>
    %swap3A_971 = vector.shape_cast %add3A_967 : vector<16xi32> to vector<16xi32>
    tpu.vector_store %arg7[%swap3A_968], %swap3A_971 {strides = array<i32>} : memref<512xi32, #tpu.memory_space<vmem>>, vector<16xi32>,
    %get3A_972 = arith.constant 368 : index
    %get3A_973 = tpu.vector_load %arg7[%get3A_972] {strides = array<i32>} : memref<512xi32, #tpu.memory_space<vmem>>, vector<16xi32>,
    %get3A_974 = vector.shape_cast %get3A_973 : vector<16xi32> to vector<16xi32>
    %mul3A_975 = arith.constant 64 : i32
    %mul3A_976 = arith.muli %arg1, %mul3A_975 : i32
    %add3A_977 = vector.broadcast %mul3A_976 : i32 to vector<16xi32>
    %add3A_978 = arith.addi %get3A_974, %add3A_977 : vector<16xi32>
    %swap3A_979 = arith.constant 368 : index
    %swap3A_980 = tpu.vector_load %arg7[%swap3A_979] {strides = array<i32>} : memref<512xi32, #tpu.memory_space<vmem>>, vector<16xi32>,
    %swap3A_981 = vector.shape_cast %swap3A_980 : vector<16xi32> to vector<16xi32>
    %swap3A_982 = vector.shape_cast %add3A_978 : vector<16xi32> to vector<16xi32>
    tpu.vector_store %arg7[%swap3A_979], %swap3A_982 {strides = array<i32>} : memref<512xi32, #tpu.memory_space<vmem>>, vector<16xi32>,
    %get3A_983 = arith.constant 384 : index
    %get3A_984 = tpu.vector_load %arg7[%get3A_983] {strides = array<i32>} : memref<512xi32, #tpu.memory_space<vmem>>, vector<16xi32>,
    %get3A_985 = vector.shape_cast %get3A_984 : vector<16xi32> to vector<16xi32>
    %mul3A_986 = arith.constant 64 : i32
    %mul3A_987 = arith.muli %arg1, %mul3A_986 : i32
    %add3A_988 = vector.broadcast %mul3A_987 : i32 to vector<16xi32>
    %add3A_989 = arith.addi %get3A_985, %add3A_988 : vector<16xi32>
    %swap3A_990 = arith.constant 384 : index
    %swap3A_991 = tpu.vector_load %arg7[%swap3A_990] {strides = array<i32>} : memref<512xi32, #tpu.memory_space<vmem>>, vector<16xi32>,
    %swap3A_992 = vector.shape_cast %swap3A_991 : vector<16xi32> to vector<16xi32>
    %swap3A_993 = vector.shape_cast %add3A_989 : vector<16xi32> to vector<16xi32>
    tpu.vector_store %arg7[%swap3A_990], %swap3A_993 {strides = array<i32>} : memref<512xi32, #tpu.memory_space<vmem>>, vector<16xi32>,
    %get3A_994 = arith.constant 400 : index
    %get3A_995 = tpu.vector_load %arg7[%get3A_994] {strides = array<i32>} : memref<512xi32, #tpu.memory_space<vmem>>, vector<16xi32>,
    %get3A_996 = vector.shape_cast %get3A_995 : vector<16xi32> to vector<16xi32>
    %mul3A_997 = arith.constant 64 : i32
    %mul3A_998 = arith.muli %arg1, %mul3A_997 : i32
    %add3A_999 = vector.broadcast %mul3A_998 : i32 to vector<16xi32>
    %add3A_1000 = arith.addi %get3A_996, %add3A_999 : vector<16xi32>
    %swap3A_1001 = arith.constant 400 : index
    %swap3A_1002 = tpu.vector_load %arg7[%swap3A_1001] {strides = array<i32>} : memref<512xi32, #tpu.memory_space<vmem>>, vector<16xi32>,
    %swap3A_1003 = vector.shape_cast %swap3A_1002 : vector<16xi32> to vector<16xi32>
    %swap3A_1004 = vector.shape_cast %add3A_1000 : vector<16xi32> to vector<16xi32>
    tpu.vector_store %arg7[%swap3A_1001], %swap3A_1004 {strides = array<i32>} : memref<512xi32, #tpu.memory_space<vmem>>, vector<16xi32>,
    %get3A_1005 = arith.constant 416 : index
    %get3A_1006 = tpu.vector_load %arg7[%get3A_1005] {strides = array<i32>} : memref<512xi32, #tpu.memory_space<vmem>>, vector<16xi32>,
    %get3A_1007 = vector.shape_cast %get3A_1006 : vector<16xi32> to vector<16xi32>
    %mul3A_1008 = arith.constant 64 : i32
    %mul3A_1009 = arith.muli %arg1, %mul3A_1008 : i32
    %add3A_1010 = vector.broadcast %mul3A_1009 : i32 to vector<16xi32>
    %add3A_1011 = arith.addi %get3A_1007, %add3A_1010 : vector<16xi32>
    %swap3A_1012 = arith.constant 416 : index
    %swap3A_1013 = tpu.vector_load %arg7[%swap3A_1012] {strides = array<i32>} : memref<512xi32, #tpu.memory_space<vmem>>, vector<16xi32>,
    %swap3A_1014 = vector.shape_cast %swap3A_1013 : vector<16xi32> to vector<16xi32>
    %swap3A_1015 = vector.shape_cast %add3A_1011 : vector<16xi32> to vector<16xi32>
    tpu.vector_store %arg7[%swap3A_1012], %swap3A_1015 {strides = array<i32>} : memref<512xi32, #tpu.memory_space<vmem>>, vector<16xi32>,
    %get3A_1016 = arith.constant 432 : index
    %get3A_1017 = tpu.vector_load %arg7[%get3A_1016] {strides = array<i32>} : memref<512xi32, #tpu.memory_space<vmem>>, vector<16xi32>,
    %get3A_1018 = vector.shape_cast %get3A_1017 : vector<16xi32> to vector<16xi32>
    %mul3A_1019 = arith.constant 64 : i32
    %mul3A_1020 = arith.muli %arg1, %mul3A_1019 : i32
    %add3A_1021 = vector.broadcast %mul3A_1020 : i32 to vector<16xi32>
    %add3A_1022 = arith.addi %get3A_1018, %add3A_1021 : vector<16xi32>
    %swap3A_1023 = arith.constant 432 : index
    %swap3A_1024 = tpu.vector_load %arg7[%swap3A_1023] {strides = array<i32>} : memref<512xi32, #tpu.memory_space<vmem>>, vector<16xi32>,
    %swap3A_1025 = vector.shape_cast %swap3A_1024 : vector<16xi32> to vector<16xi32>
    %swap3A_1026 = vector.shape_cast %add3A_1022 : vector<16xi32> to vector<16xi32>
    tpu.vector_store %arg7[%swap3A_1023], %swap3A_1026 {strides = array<i32>} : memref<512xi32, #tpu.memory_space<vmem>>, vector<16xi32>,
    %get3A_1027 = arith.constant 448 : index
    %get3A_1028 = tpu.vector_load %arg7[%get3A_1027] {strides = array<i32>} : memref<512xi32, #tpu.memory_space<vmem>>, vector<16xi32>,
    %get3A_1029 = vector.shape_cast %get3A_1028 : vector<16xi32> to vector<16xi32>
    %mul3A_1030 = arith.constant 64 : i32
    %mul3A_1031 = arith.muli %arg1, %mul3A_1030 : i32
    %add3A_1032 = vector.broadcast %mul3A_1031 : i32 to vector<16xi32>
    %add3A_1033 = arith.addi %get3A_1029, %add3A_1032 : vector<16xi32>
    %swap3A_1034 = arith.constant 448 : index
    %swap3A_1035 = tpu.vector_load %arg7[%swap3A_1034] {strides = array<i32>} : memref<512xi32, #tpu.memory_space<vmem>>, vector<16xi32>,
    %swap3A_1036 = vector.shape_cast %swap3A_1035 : vector<16xi32> to vector<16xi32>
    %swap3A_1037 = vector.shape_cast %add3A_1033 : vector<16xi32> to vector<16xi32>
    tpu.vector_store %arg7[%swap3A_1034], %swap3A_1037 {strides = array<i32>} : memref<512xi32, #tpu.memory_space<vmem>>, vector<16xi32>,
    %get3A_1038 = arith.constant 464 : index
    %get3A_1039 = tpu.vector_load %arg7[%get3A_1038] {strides = array<i32>} : memref<512xi32, #tpu.memory_space<vmem>>, vector<16xi32>,
    %get3A_1040 = vector.shape_cast %get3A_1039 : vector<16xi32> to vector<16xi32>
    %mul3A_1041 = arith.constant 64 : i32
    %mul3A_1042 = arith.muli %arg1, %mul3A_1041 : i32
    %add3A_1043 = vector.broadcast %mul3A_1042 : i32 to vector<16xi32>
    %add3A_1044 = arith.addi %get3A_1040, %add3A_1043 : vector<16xi32>
    %swap3A_1045 = arith.constant 464 : index
    %swap3A_1046 = tpu.vector_load %arg7[%swap3A_1045] {strides = array<i32>} : memref<512xi32, #tpu.memory_space<vmem>>, vector<16xi32>,
    %swap3A_1047 = vector.shape_cast %swap3A_1046 : vector<16xi32> to vector<16xi32>
    %swap3A_1048 = vector.shape_cast %add3A_1044 : vector<16xi32> to vector<16xi32>
    tpu.vector_store %arg7[%swap3A_1045], %swap3A_1048 {strides = array<i32>} : memref<512xi32, #tpu.memory_space<vmem>>, vector<16xi32>,
    %get3A_1049 = arith.constant 480 : index
    %get3A_1050 = tpu.vector_load %arg7[%get3A_1049] {strides = array<i32>} : memref<512xi32, #tpu.memory_space<vmem>>, vector<16xi32>,
    %get3A_1051 = vector.shape_cast %get3A_1050 : vector<16xi32> to vector<16xi32>
    %mul3A_1052 = arith.constant 64 : i32
    %mul3A_1053 = arith.muli %arg1, %mul3A_1052 : i32
    %add3A_1054 = vector.broadcast %mul3A_1053 : i32 to vector<16xi32>
    %add3A_1055 = arith.addi %get3A_1051, %add3A_1054 : vector<16xi32>
    %swap3A_1056 = arith.constant 480 : index
    %swap3A_1057 = tpu.vector_load %arg7[%swap3A_1056] {strides = array<i32>} : memref<512xi32, #tpu.memory_space<vmem>>, vector<16xi32>,
    %swap3A_1058 = vector.shape_cast %swap3A_1057 : vector<16xi32> to vector<16xi32>
    %swap3A_1059 = vector.shape_cast %add3A_1055 : vector<16xi32> to vector<16xi32>
    tpu.vector_store %arg7[%swap3A_1056], %swap3A_1059 {strides = array<i32>} : memref<512xi32, #tpu.memory_space<vmem>>, vector<16xi32>,
    %get3A_1060 = arith.constant 496 : index
    %get3A_1061 = tpu.vector_load %arg7[%get3A_1060] {strides = array<i32>} : memref<512xi32, #tpu.memory_space<vmem>>, vector<16xi32>,
    %get3A_1062 = vector.shape_cast %get3A_1061 : vector<16xi32> to vector<16xi32>
    %mul3A_1063 = arith.constant 64 : i32
    %mul3A_1064 = arith.muli %arg1, %mul3A_1063 : i32
    %add3A_1065 = vector.broadcast %mul3A_1064 : i32 to vector<16xi32>
    %add3A_1066 = arith.addi %get3A_1062, %add3A_1065 : vector<16xi32>
    %swap3A_1067 = arith.constant 496 : index
    %swap3A_1068 = tpu.vector_load %arg7[%swap3A_1067] {strides = array<i32>} : memref<512xi32, #tpu.memory_space<vmem>>, vector<16xi32>,
    %swap3A_1069 = vector.shape_cast %swap3A_1068 : vector<16xi32> to vector<16xi32>
    %swap3A_1070 = vector.shape_cast %add3A_1066 : vector<16xi32> to vector<16xi32>
    tpu.vector_store %arg7[%swap3A_1067], %swap3A_1070 {strides = array<i32>} : memref<512xi32, #tpu.memory_space<vmem>>, vector<16xi32>,
    "tpu.region"() ({
      %run_scoped3A = tpu.sem_alloc : memref<!tpu.dma_semaphore, #tpu.memory_space<semaphore_mem>>
      %dma_start3A = arith.constant 0 : i32
      %dma_start3A_1433 = arith.constant 0 : i32
      %dma_start3A_1434 = tpu.memref_slice %arg10[%dma_start3A, %dma_start3A_1433] : memref<1024x128xf32, #tpu.memory_space<vmem_shared>> -> memref<1024x128xf32, #tpu.memory_space<vmem_shared>>
      tpu.enqueue_indirect_dma source(%arg8 : memref<512x128xf32, #tpu.memory_space<vmem>>) target(%dma_start3A_1434 : memref<1024x128xf32, #tpu.memory_space<vmem_shared>>) offsets(%arg7 : memref<512xi32, #tpu.memory_space<vmem>>) semaphore(%run_scoped3A : memref<!tpu.dma_semaphore, #tpu.memory_space<semaphore_mem>>) {add = true}
      %dma_wait3A = arith.constant 0 : i32
      %dma_wait3A_1435 = arith.constant 0 : i32
      %dma_wait3A_1436 = tpu.memref_slice %arg10[%dma_wait3A, %dma_wait3A_1435] : memref<1024x128xf32, #tpu.memory_space<vmem_shared>> -> memref<1024x128xf32, #tpu.memory_space<vmem_shared>>
      tpu.wait_indirect_dma semaphore(%run_scoped3A : memref<!tpu.dma_semaphore, #tpu.memory_space<semaphore_mem>>) src(%arg8 : memref<512x128xf32, #tpu.memory_space<vmem>>) dst(%dma_wait3A_1436 : memref<1024x128xf32, #tpu.memory_space<vmem_shared>>)
      tpu.yield
    }) : () -> ()
    %mul3A_1071 = arith.constant 2048 : i32
    %mul3A_1072 = arith.muli %add3A, %mul3A_1071 : i32
    %add3A_1073 = arith.constant 1536 : i32
    %add3A_1074 = arith.addi %mul3A_1072, %add3A_1073 : i32
    "tpu.region"() ({
      %run_scoped3A = tpu.sem_alloc : memref<!tpu.dma_semaphore, #tpu.memory_space<semaphore_mem>>
      %dma_start3A = tpu.memref_slice %arg2[%add3A_1074] : memref<65536xi32, #tpu.memory_space<hbm>> -> memref<512xi32, #tpu.memory_space<hbm>>
      %dma_start3A_1433 = tpu.memref_slice %arg2[%add3A_1074] : memref<65536xi32, #tpu.memory_space<hbm>> -> memref<512xi32, #tpu.memory_space<hbm>>
      tpu.enqueue_dma source(%dma_start3A_1433 : memref<512xi32, #tpu.memory_space<hbm>>) target(%arg7 : memref<512xi32, #tpu.memory_space<vmem>>) target_semaphore(%run_scoped3A : memref<!tpu.dma_semaphore, #tpu.memory_space<semaphore_mem>>)
      %dma_wait3A = tpu.memref_slice %arg2[%add3A_1074] : memref<65536xi32, #tpu.memory_space<hbm>> -> memref<512xi32, #tpu.memory_space<hbm>>
      %dma_wait3A_1434 = tpu.memref_slice %arg2[%add3A_1074] : memref<65536xi32, #tpu.memory_space<hbm>> -> memref<512xi32, #tpu.memory_space<hbm>>
      tpu.wait_dma2 semaphore(%run_scoped3A : memref<!tpu.dma_semaphore, #tpu.memory_space<semaphore_mem>>) src(%dma_wait3A_1434 : memref<512xi32, #tpu.memory_space<hbm>>) dst(%arg7 : memref<512xi32, #tpu.memory_space<vmem>>)
      tpu.yield
    }) : () -> ()
    %get3A_1075 = arith.constant 0 : index
    %get3A_1076 = tpu.vector_load %arg7[%get3A_1075] {strides = array<i32>} : memref<512xi32, #tpu.memory_space<vmem>>, vector<16xi32>,
    %get3A_1077 = vector.shape_cast %get3A_1076 : vector<16xi32> to vector<16xi32>
    %mul3A_1078 = arith.constant 64 : i32
    %mul3A_1079 = arith.muli %arg1, %mul3A_1078 : i32
    %add3A_1080 = vector.broadcast %mul3A_1079 : i32 to vector<16xi32>
    %add3A_1081 = arith.addi %get3A_1077, %add3A_1080 : vector<16xi32>
    %swap3A_1082 = arith.constant 0 : index
    %swap3A_1083 = tpu.vector_load %arg7[%swap3A_1082] {strides = array<i32>} : memref<512xi32, #tpu.memory_space<vmem>>, vector<16xi32>,
    %swap3A_1084 = vector.shape_cast %swap3A_1083 : vector<16xi32> to vector<16xi32>
    %swap3A_1085 = vector.shape_cast %add3A_1081 : vector<16xi32> to vector<16xi32>
    tpu.vector_store %arg7[%swap3A_1082], %swap3A_1085 {strides = array<i32>} : memref<512xi32, #tpu.memory_space<vmem>>, vector<16xi32>,
    %get3A_1086 = arith.constant 16 : index
    %get3A_1087 = tpu.vector_load %arg7[%get3A_1086] {strides = array<i32>} : memref<512xi32, #tpu.memory_space<vmem>>, vector<16xi32>,
    %get3A_1088 = vector.shape_cast %get3A_1087 : vector<16xi32> to vector<16xi32>
    %mul3A_1089 = arith.constant 64 : i32
    %mul3A_1090 = arith.muli %arg1, %mul3A_1089 : i32
    %add3A_1091 = vector.broadcast %mul3A_1090 : i32 to vector<16xi32>
    %add3A_1092 = arith.addi %get3A_1088, %add3A_1091 : vector<16xi32>
    %swap3A_1093 = arith.constant 16 : index
    %swap3A_1094 = tpu.vector_load %arg7[%swap3A_1093] {strides = array<i32>} : memref<512xi32, #tpu.memory_space<vmem>>, vector<16xi32>,
    %swap3A_1095 = vector.shape_cast %swap3A_1094 : vector<16xi32> to vector<16xi32>
    %swap3A_1096 = vector.shape_cast %add3A_1092 : vector<16xi32> to vector<16xi32>
    tpu.vector_store %arg7[%swap3A_1093], %swap3A_1096 {strides = array<i32>} : memref<512xi32, #tpu.memory_space<vmem>>, vector<16xi32>,
    %get3A_1097 = arith.constant 32 : index
    %get3A_1098 = tpu.vector_load %arg7[%get3A_1097] {strides = array<i32>} : memref<512xi32, #tpu.memory_space<vmem>>, vector<16xi32>,
    %get3A_1099 = vector.shape_cast %get3A_1098 : vector<16xi32> to vector<16xi32>
    %mul3A_1100 = arith.constant 64 : i32
    %mul3A_1101 = arith.muli %arg1, %mul3A_1100 : i32
    %add3A_1102 = vector.broadcast %mul3A_1101 : i32 to vector<16xi32>
    %add3A_1103 = arith.addi %get3A_1099, %add3A_1102 : vector<16xi32>
    %swap3A_1104 = arith.constant 32 : index
    %swap3A_1105 = tpu.vector_load %arg7[%swap3A_1104] {strides = array<i32>} : memref<512xi32, #tpu.memory_space<vmem>>, vector<16xi32>,
    %swap3A_1106 = vector.shape_cast %swap3A_1105 : vector<16xi32> to vector<16xi32>
    %swap3A_1107 = vector.shape_cast %add3A_1103 : vector<16xi32> to vector<16xi32>
    tpu.vector_store %arg7[%swap3A_1104], %swap3A_1107 {strides = array<i32>} : memref<512xi32, #tpu.memory_space<vmem>>, vector<16xi32>,
    %get3A_1108 = arith.constant 48 : index
    %get3A_1109 = tpu.vector_load %arg7[%get3A_1108] {strides = array<i32>} : memref<512xi32, #tpu.memory_space<vmem>>, vector<16xi32>,
    %get3A_1110 = vector.shape_cast %get3A_1109 : vector<16xi32> to vector<16xi32>
    %mul3A_1111 = arith.constant 64 : i32
    %mul3A_1112 = arith.muli %arg1, %mul3A_1111 : i32
    %add3A_1113 = vector.broadcast %mul3A_1112 : i32 to vector<16xi32>
    %add3A_1114 = arith.addi %get3A_1110, %add3A_1113 : vector<16xi32>
    %swap3A_1115 = arith.constant 48 : index
    %swap3A_1116 = tpu.vector_load %arg7[%swap3A_1115] {strides = array<i32>} : memref<512xi32, #tpu.memory_space<vmem>>, vector<16xi32>,
    %swap3A_1117 = vector.shape_cast %swap3A_1116 : vector<16xi32> to vector<16xi32>
    %swap3A_1118 = vector.shape_cast %add3A_1114 : vector<16xi32> to vector<16xi32>
    tpu.vector_store %arg7[%swap3A_1115], %swap3A_1118 {strides = array<i32>} : memref<512xi32, #tpu.memory_space<vmem>>, vector<16xi32>,
    %get3A_1119 = arith.constant 64 : index
    %get3A_1120 = tpu.vector_load %arg7[%get3A_1119] {strides = array<i32>} : memref<512xi32, #tpu.memory_space<vmem>>, vector<16xi32>,
    %get3A_1121 = vector.shape_cast %get3A_1120 : vector<16xi32> to vector<16xi32>
    %mul3A_1122 = arith.constant 64 : i32
    %mul3A_1123 = arith.muli %arg1, %mul3A_1122 : i32
    %add3A_1124 = vector.broadcast %mul3A_1123 : i32 to vector<16xi32>
    %add3A_1125 = arith.addi %get3A_1121, %add3A_1124 : vector<16xi32>
    %swap3A_1126 = arith.constant 64 : index
    %swap3A_1127 = tpu.vector_load %arg7[%swap3A_1126] {strides = array<i32>} : memref<512xi32, #tpu.memory_space<vmem>>, vector<16xi32>,
    %swap3A_1128 = vector.shape_cast %swap3A_1127 : vector<16xi32> to vector<16xi32>
    %swap3A_1129 = vector.shape_cast %add3A_1125 : vector<16xi32> to vector<16xi32>
    tpu.vector_store %arg7[%swap3A_1126], %swap3A_1129 {strides = array<i32>} : memref<512xi32, #tpu.memory_space<vmem>>, vector<16xi32>,
    %get3A_1130 = arith.constant 80 : index
    %get3A_1131 = tpu.vector_load %arg7[%get3A_1130] {strides = array<i32>} : memref<512xi32, #tpu.memory_space<vmem>>, vector<16xi32>,
    %get3A_1132 = vector.shape_cast %get3A_1131 : vector<16xi32> to vector<16xi32>
    %mul3A_1133 = arith.constant 64 : i32
    %mul3A_1134 = arith.muli %arg1, %mul3A_1133 : i32
    %add3A_1135 = vector.broadcast %mul3A_1134 : i32 to vector<16xi32>
    %add3A_1136 = arith.addi %get3A_1132, %add3A_1135 : vector<16xi32>
    %swap3A_1137 = arith.constant 80 : index
    %swap3A_1138 = tpu.vector_load %arg7[%swap3A_1137] {strides = array<i32>} : memref<512xi32, #tpu.memory_space<vmem>>, vector<16xi32>,
    %swap3A_1139 = vector.shape_cast %swap3A_1138 : vector<16xi32> to vector<16xi32>
    %swap3A_1140 = vector.shape_cast %add3A_1136 : vector<16xi32> to vector<16xi32>
    tpu.vector_store %arg7[%swap3A_1137], %swap3A_1140 {strides = array<i32>} : memref<512xi32, #tpu.memory_space<vmem>>, vector<16xi32>,
    %get3A_1141 = arith.constant 96 : index
    %get3A_1142 = tpu.vector_load %arg7[%get3A_1141] {strides = array<i32>} : memref<512xi32, #tpu.memory_space<vmem>>, vector<16xi32>,
    %get3A_1143 = vector.shape_cast %get3A_1142 : vector<16xi32> to vector<16xi32>
    %mul3A_1144 = arith.constant 64 : i32
    %mul3A_1145 = arith.muli %arg1, %mul3A_1144 : i32
    %add3A_1146 = vector.broadcast %mul3A_1145 : i32 to vector<16xi32>
    %add3A_1147 = arith.addi %get3A_1143, %add3A_1146 : vector<16xi32>
    %swap3A_1148 = arith.constant 96 : index
    %swap3A_1149 = tpu.vector_load %arg7[%swap3A_1148] {strides = array<i32>} : memref<512xi32, #tpu.memory_space<vmem>>, vector<16xi32>,
    %swap3A_1150 = vector.shape_cast %swap3A_1149 : vector<16xi32> to vector<16xi32>
    %swap3A_1151 = vector.shape_cast %add3A_1147 : vector<16xi32> to vector<16xi32>
    tpu.vector_store %arg7[%swap3A_1148], %swap3A_1151 {strides = array<i32>} : memref<512xi32, #tpu.memory_space<vmem>>, vector<16xi32>,
    %get3A_1152 = arith.constant 112 : index
    %get3A_1153 = tpu.vector_load %arg7[%get3A_1152] {strides = array<i32>} : memref<512xi32, #tpu.memory_space<vmem>>, vector<16xi32>,
    %get3A_1154 = vector.shape_cast %get3A_1153 : vector<16xi32> to vector<16xi32>
    %mul3A_1155 = arith.constant 64 : i32
    %mul3A_1156 = arith.muli %arg1, %mul3A_1155 : i32
    %add3A_1157 = vector.broadcast %mul3A_1156 : i32 to vector<16xi32>
    %add3A_1158 = arith.addi %get3A_1154, %add3A_1157 : vector<16xi32>
    %swap3A_1159 = arith.constant 112 : index
    %swap3A_1160 = tpu.vector_load %arg7[%swap3A_1159] {strides = array<i32>} : memref<512xi32, #tpu.memory_space<vmem>>, vector<16xi32>,
    %swap3A_1161 = vector.shape_cast %swap3A_1160 : vector<16xi32> to vector<16xi32>
    %swap3A_1162 = vector.shape_cast %add3A_1158 : vector<16xi32> to vector<16xi32>
    tpu.vector_store %arg7[%swap3A_1159], %swap3A_1162 {strides = array<i32>} : memref<512xi32, #tpu.memory_space<vmem>>, vector<16xi32>,
    %get3A_1163 = arith.constant 128 : index
    %get3A_1164 = tpu.vector_load %arg7[%get3A_1163] {strides = array<i32>} : memref<512xi32, #tpu.memory_space<vmem>>, vector<16xi32>,
    %get3A_1165 = vector.shape_cast %get3A_1164 : vector<16xi32> to vector<16xi32>
    %mul3A_1166 = arith.constant 64 : i32
    %mul3A_1167 = arith.muli %arg1, %mul3A_1166 : i32
    %add3A_1168 = vector.broadcast %mul3A_1167 : i32 to vector<16xi32>
    %add3A_1169 = arith.addi %get3A_1165, %add3A_1168 : vector<16xi32>
    %swap3A_1170 = arith.constant 128 : index
    %swap3A_1171 = tpu.vector_load %arg7[%swap3A_1170] {strides = array<i32>} : memref<512xi32, #tpu.memory_space<vmem>>, vector<16xi32>,
    %swap3A_1172 = vector.shape_cast %swap3A_1171 : vector<16xi32> to vector<16xi32>
    %swap3A_1173 = vector.shape_cast %add3A_1169 : vector<16xi32> to vector<16xi32>
    tpu.vector_store %arg7[%swap3A_1170], %swap3A_1173 {strides = array<i32>} : memref<512xi32, #tpu.memory_space<vmem>>, vector<16xi32>,
    %get3A_1174 = arith.constant 144 : index
    %get3A_1175 = tpu.vector_load %arg7[%get3A_1174] {strides = array<i32>} : memref<512xi32, #tpu.memory_space<vmem>>, vector<16xi32>,
    %get3A_1176 = vector.shape_cast %get3A_1175 : vector<16xi32> to vector<16xi32>
    %mul3A_1177 = arith.constant 64 : i32
    %mul3A_1178 = arith.muli %arg1, %mul3A_1177 : i32
    %add3A_1179 = vector.broadcast %mul3A_1178 : i32 to vector<16xi32>
    %add3A_1180 = arith.addi %get3A_1176, %add3A_1179 : vector<16xi32>
    %swap3A_1181 = arith.constant 144 : index
    %swap3A_1182 = tpu.vector_load %arg7[%swap3A_1181] {strides = array<i32>} : memref<512xi32, #tpu.memory_space<vmem>>, vector<16xi32>,
    %swap3A_1183 = vector.shape_cast %swap3A_1182 : vector<16xi32> to vector<16xi32>
    %swap3A_1184 = vector.shape_cast %add3A_1180 : vector<16xi32> to vector<16xi32>
    tpu.vector_store %arg7[%swap3A_1181], %swap3A_1184 {strides = array<i32>} : memref<512xi32, #tpu.memory_space<vmem>>, vector<16xi32>,
    %get3A_1185 = arith.constant 160 : index
    %get3A_1186 = tpu.vector_load %arg7[%get3A_1185] {strides = array<i32>} : memref<512xi32, #tpu.memory_space<vmem>>, vector<16xi32>,
    %get3A_1187 = vector.shape_cast %get3A_1186 : vector<16xi32> to vector<16xi32>
    %mul3A_1188 = arith.constant 64 : i32
    %mul3A_1189 = arith.muli %arg1, %mul3A_1188 : i32
    %add3A_1190 = vector.broadcast %mul3A_1189 : i32 to vector<16xi32>
    %add3A_1191 = arith.addi %get3A_1187, %add3A_1190 : vector<16xi32>
    %swap3A_1192 = arith.constant 160 : index
    %swap3A_1193 = tpu.vector_load %arg7[%swap3A_1192] {strides = array<i32>} : memref<512xi32, #tpu.memory_space<vmem>>, vector<16xi32>,
    %swap3A_1194 = vector.shape_cast %swap3A_1193 : vector<16xi32> to vector<16xi32>
    %swap3A_1195 = vector.shape_cast %add3A_1191 : vector<16xi32> to vector<16xi32>
    tpu.vector_store %arg7[%swap3A_1192], %swap3A_1195 {strides = array<i32>} : memref<512xi32, #tpu.memory_space<vmem>>, vector<16xi32>,
    %get3A_1196 = arith.constant 176 : index
    %get3A_1197 = tpu.vector_load %arg7[%get3A_1196] {strides = array<i32>} : memref<512xi32, #tpu.memory_space<vmem>>, vector<16xi32>,
    %get3A_1198 = vector.shape_cast %get3A_1197 : vector<16xi32> to vector<16xi32>
    %mul3A_1199 = arith.constant 64 : i32
    %mul3A_1200 = arith.muli %arg1, %mul3A_1199 : i32
    %add3A_1201 = vector.broadcast %mul3A_1200 : i32 to vector<16xi32>
    %add3A_1202 = arith.addi %get3A_1198, %add3A_1201 : vector<16xi32>
    %swap3A_1203 = arith.constant 176 : index
    %swap3A_1204 = tpu.vector_load %arg7[%swap3A_1203] {strides = array<i32>} : memref<512xi32, #tpu.memory_space<vmem>>, vector<16xi32>,
    %swap3A_1205 = vector.shape_cast %swap3A_1204 : vector<16xi32> to vector<16xi32>
    %swap3A_1206 = vector.shape_cast %add3A_1202 : vector<16xi32> to vector<16xi32>
    tpu.vector_store %arg7[%swap3A_1203], %swap3A_1206 {strides = array<i32>} : memref<512xi32, #tpu.memory_space<vmem>>, vector<16xi32>,
    %get3A_1207 = arith.constant 192 : index
    %get3A_1208 = tpu.vector_load %arg7[%get3A_1207] {strides = array<i32>} : memref<512xi32, #tpu.memory_space<vmem>>, vector<16xi32>,
    %get3A_1209 = vector.shape_cast %get3A_1208 : vector<16xi32> to vector<16xi32>
    %mul3A_1210 = arith.constant 64 : i32
    %mul3A_1211 = arith.muli %arg1, %mul3A_1210 : i32
    %add3A_1212 = vector.broadcast %mul3A_1211 : i32 to vector<16xi32>
    %add3A_1213 = arith.addi %get3A_1209, %add3A_1212 : vector<16xi32>
    %swap3A_1214 = arith.constant 192 : index
    %swap3A_1215 = tpu.vector_load %arg7[%swap3A_1214] {strides = array<i32>} : memref<512xi32, #tpu.memory_space<vmem>>, vector<16xi32>,
    %swap3A_1216 = vector.shape_cast %swap3A_1215 : vector<16xi32> to vector<16xi32>
    %swap3A_1217 = vector.shape_cast %add3A_1213 : vector<16xi32> to vector<16xi32>
    tpu.vector_store %arg7[%swap3A_1214], %swap3A_1217 {strides = array<i32>} : memref<512xi32, #tpu.memory_space<vmem>>, vector<16xi32>,
    %get3A_1218 = arith.constant 208 : index
    %get3A_1219 = tpu.vector_load %arg7[%get3A_1218] {strides = array<i32>} : memref<512xi32, #tpu.memory_space<vmem>>, vector<16xi32>,
    %get3A_1220 = vector.shape_cast %get3A_1219 : vector<16xi32> to vector<16xi32>
    %mul3A_1221 = arith.constant 64 : i32
    %mul3A_1222 = arith.muli %arg1, %mul3A_1221 : i32
    %add3A_1223 = vector.broadcast %mul3A_1222 : i32 to vector<16xi32>
    %add3A_1224 = arith.addi %get3A_1220, %add3A_1223 : vector<16xi32>
    %swap3A_1225 = arith.constant 208 : index
    %swap3A_1226 = tpu.vector_load %arg7[%swap3A_1225] {strides = array<i32>} : memref<512xi32, #tpu.memory_space<vmem>>, vector<16xi32>,
    %swap3A_1227 = vector.shape_cast %swap3A_1226 : vector<16xi32> to vector<16xi32>
    %swap3A_1228 = vector.shape_cast %add3A_1224 : vector<16xi32> to vector<16xi32>
    tpu.vector_store %arg7[%swap3A_1225], %swap3A_1228 {strides = array<i32>} : memref<512xi32, #tpu.memory_space<vmem>>, vector<16xi32>,
    %get3A_1229 = arith.constant 224 : index
    %get3A_1230 = tpu.vector_load %arg7[%get3A_1229] {strides = array<i32>} : memref<512xi32, #tpu.memory_space<vmem>>, vector<16xi32>,
    %get3A_1231 = vector.shape_cast %get3A_1230 : vector<16xi32> to vector<16xi32>
    %mul3A_1232 = arith.constant 64 : i32
    %mul3A_1233 = arith.muli %arg1, %mul3A_1232 : i32
    %add3A_1234 = vector.broadcast %mul3A_1233 : i32 to vector<16xi32>
    %add3A_1235 = arith.addi %get3A_1231, %add3A_1234 : vector<16xi32>
    %swap3A_1236 = arith.constant 224 : index
    %swap3A_1237 = tpu.vector_load %arg7[%swap3A_1236] {strides = array<i32>} : memref<512xi32, #tpu.memory_space<vmem>>, vector<16xi32>,
    %swap3A_1238 = vector.shape_cast %swap3A_1237 : vector<16xi32> to vector<16xi32>
    %swap3A_1239 = vector.shape_cast %add3A_1235 : vector<16xi32> to vector<16xi32>
    tpu.vector_store %arg7[%swap3A_1236], %swap3A_1239 {strides = array<i32>} : memref<512xi32, #tpu.memory_space<vmem>>, vector<16xi32>,
    %get3A_1240 = arith.constant 240 : index
    %get3A_1241 = tpu.vector_load %arg7[%get3A_1240] {strides = array<i32>} : memref<512xi32, #tpu.memory_space<vmem>>, vector<16xi32>,
    %get3A_1242 = vector.shape_cast %get3A_1241 : vector<16xi32> to vector<16xi32>
    %mul3A_1243 = arith.constant 64 : i32
    %mul3A_1244 = arith.muli %arg1, %mul3A_1243 : i32
    %add3A_1245 = vector.broadcast %mul3A_1244 : i32 to vector<16xi32>
    %add3A_1246 = arith.addi %get3A_1242, %add3A_1245 : vector<16xi32>
    %swap3A_1247 = arith.constant 240 : index
    %swap3A_1248 = tpu.vector_load %arg7[%swap3A_1247] {strides = array<i32>} : memref<512xi32, #tpu.memory_space<vmem>>, vector<16xi32>,
    %swap3A_1249 = vector.shape_cast %swap3A_1248 : vector<16xi32> to vector<16xi32>
    %swap3A_1250 = vector.shape_cast %add3A_1246 : vector<16xi32> to vector<16xi32>
    tpu.vector_store %arg7[%swap3A_1247], %swap3A_1250 {strides = array<i32>} : memref<512xi32, #tpu.memory_space<vmem>>, vector<16xi32>,
    %get3A_1251 = arith.constant 256 : index
    %get3A_1252 = tpu.vector_load %arg7[%get3A_1251] {strides = array<i32>} : memref<512xi32, #tpu.memory_space<vmem>>, vector<16xi32>,
    %get3A_1253 = vector.shape_cast %get3A_1252 : vector<16xi32> to vector<16xi32>
    %mul3A_1254 = arith.constant 64 : i32
    %mul3A_1255 = arith.muli %arg1, %mul3A_1254 : i32
    %add3A_1256 = vector.broadcast %mul3A_1255 : i32 to vector<16xi32>
    %add3A_1257 = arith.addi %get3A_1253, %add3A_1256 : vector<16xi32>
    %swap3A_1258 = arith.constant 256 : index
    %swap3A_1259 = tpu.vector_load %arg7[%swap3A_1258] {strides = array<i32>} : memref<512xi32, #tpu.memory_space<vmem>>, vector<16xi32>,
    %swap3A_1260 = vector.shape_cast %swap3A_1259 : vector<16xi32> to vector<16xi32>
    %swap3A_1261 = vector.shape_cast %add3A_1257 : vector<16xi32> to vector<16xi32>
    tpu.vector_store %arg7[%swap3A_1258], %swap3A_1261 {strides = array<i32>} : memref<512xi32, #tpu.memory_space<vmem>>, vector<16xi32>,
    %get3A_1262 = arith.constant 272 : index
    %get3A_1263 = tpu.vector_load %arg7[%get3A_1262] {strides = array<i32>} : memref<512xi32, #tpu.memory_space<vmem>>, vector<16xi32>,
    %get3A_1264 = vector.shape_cast %get3A_1263 : vector<16xi32> to vector<16xi32>
    %mul3A_1265 = arith.constant 64 : i32
    %mul3A_1266 = arith.muli %arg1, %mul3A_1265 : i32
    %add3A_1267 = vector.broadcast %mul3A_1266 : i32 to vector<16xi32>
    %add3A_1268 = arith.addi %get3A_1264, %add3A_1267 : vector<16xi32>
    %swap3A_1269 = arith.constant 272 : index
    %swap3A_1270 = tpu.vector_load %arg7[%swap3A_1269] {strides = array<i32>} : memref<512xi32, #tpu.memory_space<vmem>>, vector<16xi32>,
    %swap3A_1271 = vector.shape_cast %swap3A_1270 : vector<16xi32> to vector<16xi32>
    %swap3A_1272 = vector.shape_cast %add3A_1268 : vector<16xi32> to vector<16xi32>
    tpu.vector_store %arg7[%swap3A_1269], %swap3A_1272 {strides = array<i32>} : memref<512xi32, #tpu.memory_space<vmem>>, vector<16xi32>,
    %get3A_1273 = arith.constant 288 : index
    %get3A_1274 = tpu.vector_load %arg7[%get3A_1273] {strides = array<i32>} : memref<512xi32, #tpu.memory_space<vmem>>, vector<16xi32>,
    %get3A_1275 = vector.shape_cast %get3A_1274 : vector<16xi32> to vector<16xi32>
    %mul3A_1276 = arith.constant 64 : i32
    %mul3A_1277 = arith.muli %arg1, %mul3A_1276 : i32
    %add3A_1278 = vector.broadcast %mul3A_1277 : i32 to vector<16xi32>
    %add3A_1279 = arith.addi %get3A_1275, %add3A_1278 : vector<16xi32>
    %swap3A_1280 = arith.constant 288 : index
    %swap3A_1281 = tpu.vector_load %arg7[%swap3A_1280] {strides = array<i32>} : memref<512xi32, #tpu.memory_space<vmem>>, vector<16xi32>,
    %swap3A_1282 = vector.shape_cast %swap3A_1281 : vector<16xi32> to vector<16xi32>
    %swap3A_1283 = vector.shape_cast %add3A_1279 : vector<16xi32> to vector<16xi32>
    tpu.vector_store %arg7[%swap3A_1280], %swap3A_1283 {strides = array<i32>} : memref<512xi32, #tpu.memory_space<vmem>>, vector<16xi32>,
    %get3A_1284 = arith.constant 304 : index
    %get3A_1285 = tpu.vector_load %arg7[%get3A_1284] {strides = array<i32>} : memref<512xi32, #tpu.memory_space<vmem>>, vector<16xi32>,
    %get3A_1286 = vector.shape_cast %get3A_1285 : vector<16xi32> to vector<16xi32>
    %mul3A_1287 = arith.constant 64 : i32
    %mul3A_1288 = arith.muli %arg1, %mul3A_1287 : i32
    %add3A_1289 = vector.broadcast %mul3A_1288 : i32 to vector<16xi32>
    %add3A_1290 = arith.addi %get3A_1286, %add3A_1289 : vector<16xi32>
    %swap3A_1291 = arith.constant 304 : index
    %swap3A_1292 = tpu.vector_load %arg7[%swap3A_1291] {strides = array<i32>} : memref<512xi32, #tpu.memory_space<vmem>>, vector<16xi32>,
    %swap3A_1293 = vector.shape_cast %swap3A_1292 : vector<16xi32> to vector<16xi32>
    %swap3A_1294 = vector.shape_cast %add3A_1290 : vector<16xi32> to vector<16xi32>
    tpu.vector_store %arg7[%swap3A_1291], %swap3A_1294 {strides = array<i32>} : memref<512xi32, #tpu.memory_space<vmem>>, vector<16xi32>,
    %get3A_1295 = arith.constant 320 : index
    %get3A_1296 = tpu.vector_load %arg7[%get3A_1295] {strides = array<i32>} : memref<512xi32, #tpu.memory_space<vmem>>, vector<16xi32>,
    %get3A_1297 = vector.shape_cast %get3A_1296 : vector<16xi32> to vector<16xi32>
    %mul3A_1298 = arith.constant 64 : i32
    %mul3A_1299 = arith.muli %arg1, %mul3A_1298 : i32
    %add3A_1300 = vector.broadcast %mul3A_1299 : i32 to vector<16xi32>
    %add3A_1301 = arith.addi %get3A_1297, %add3A_1300 : vector<16xi32>
    %swap3A_1302 = arith.constant 320 : index
    %swap3A_1303 = tpu.vector_load %arg7[%swap3A_1302] {strides = array<i32>} : memref<512xi32, #tpu.memory_space<vmem>>, vector<16xi32>,
    %swap3A_1304 = vector.shape_cast %swap3A_1303 : vector<16xi32> to vector<16xi32>
    %swap3A_1305 = vector.shape_cast %add3A_1301 : vector<16xi32> to vector<16xi32>
    tpu.vector_store %arg7[%swap3A_1302], %swap3A_1305 {strides = array<i32>} : memref<512xi32, #tpu.memory_space<vmem>>, vector<16xi32>,
    %get3A_1306 = arith.constant 336 : index
    %get3A_1307 = tpu.vector_load %arg7[%get3A_1306] {strides = array<i32>} : memref<512xi32, #tpu.memory_space<vmem>>, vector<16xi32>,
    %get3A_1308 = vector.shape_cast %get3A_1307 : vector<16xi32> to vector<16xi32>
    %mul3A_1309 = arith.constant 64 : i32
    %mul3A_1310 = arith.muli %arg1, %mul3A_1309 : i32
    %add3A_1311 = vector.broadcast %mul3A_1310 : i32 to vector<16xi32>
    %add3A_1312 = arith.addi %get3A_1308, %add3A_1311 : vector<16xi32>
    %swap3A_1313 = arith.constant 336 : index
    %swap3A_1314 = tpu.vector_load %arg7[%swap3A_1313] {strides = array<i32>} : memref<512xi32, #tpu.memory_space<vmem>>, vector<16xi32>,
    %swap3A_1315 = vector.shape_cast %swap3A_1314 : vector<16xi32> to vector<16xi32>
    %swap3A_1316 = vector.shape_cast %add3A_1312 : vector<16xi32> to vector<16xi32>
    tpu.vector_store %arg7[%swap3A_1313], %swap3A_1316 {strides = array<i32>} : memref<512xi32, #tpu.memory_space<vmem>>, vector<16xi32>,
    %get3A_1317 = arith.constant 352 : index
    %get3A_1318 = tpu.vector_load %arg7[%get3A_1317] {strides = array<i32>} : memref<512xi32, #tpu.memory_space<vmem>>, vector<16xi32>,
    %get3A_1319 = vector.shape_cast %get3A_1318 : vector<16xi32> to vector<16xi32>
    %mul3A_1320 = arith.constant 64 : i32
    %mul3A_1321 = arith.muli %arg1, %mul3A_1320 : i32
    %add3A_1322 = vector.broadcast %mul3A_1321 : i32 to vector<16xi32>
    %add3A_1323 = arith.addi %get3A_1319, %add3A_1322 : vector<16xi32>
    %swap3A_1324 = arith.constant 352 : index
    %swap3A_1325 = tpu.vector_load %arg7[%swap3A_1324] {strides = array<i32>} : memref<512xi32, #tpu.memory_space<vmem>>, vector<16xi32>,
    %swap3A_1326 = vector.shape_cast %swap3A_1325 : vector<16xi32> to vector<16xi32>
    %swap3A_1327 = vector.shape_cast %add3A_1323 : vector<16xi32> to vector<16xi32>
    tpu.vector_store %arg7[%swap3A_1324], %swap3A_1327 {strides = array<i32>} : memref<512xi32, #tpu.memory_space<vmem>>, vector<16xi32>,
    %get3A_1328 = arith.constant 368 : index
    %get3A_1329 = tpu.vector_load %arg7[%get3A_1328] {strides = array<i32>} : memref<512xi32, #tpu.memory_space<vmem>>, vector<16xi32>,
    %get3A_1330 = vector.shape_cast %get3A_1329 : vector<16xi32> to vector<16xi32>
    %mul3A_1331 = arith.constant 64 : i32
    %mul3A_1332 = arith.muli %arg1, %mul3A_1331 : i32
    %add3A_1333 = vector.broadcast %mul3A_1332 : i32 to vector<16xi32>
    %add3A_1334 = arith.addi %get3A_1330, %add3A_1333 : vector<16xi32>
    %swap3A_1335 = arith.constant 368 : index
    %swap3A_1336 = tpu.vector_load %arg7[%swap3A_1335] {strides = array<i32>} : memref<512xi32, #tpu.memory_space<vmem>>, vector<16xi32>,
    %swap3A_1337 = vector.shape_cast %swap3A_1336 : vector<16xi32> to vector<16xi32>
    %swap3A_1338 = vector.shape_cast %add3A_1334 : vector<16xi32> to vector<16xi32>
    tpu.vector_store %arg7[%swap3A_1335], %swap3A_1338 {strides = array<i32>} : memref<512xi32, #tpu.memory_space<vmem>>, vector<16xi32>,
    %get3A_1339 = arith.constant 384 : index
    %get3A_1340 = tpu.vector_load %arg7[%get3A_1339] {strides = array<i32>} : memref<512xi32, #tpu.memory_space<vmem>>, vector<16xi32>,
    %get3A_1341 = vector.shape_cast %get3A_1340 : vector<16xi32> to vector<16xi32>
    %mul3A_1342 = arith.constant 64 : i32
    %mul3A_1343 = arith.muli %arg1, %mul3A_1342 : i32
    %add3A_1344 = vector.broadcast %mul3A_1343 : i32 to vector<16xi32>
    %add3A_1345 = arith.addi %get3A_1341, %add3A_1344 : vector<16xi32>
    %swap3A_1346 = arith.constant 384 : index
    %swap3A_1347 = tpu.vector_load %arg7[%swap3A_1346] {strides = array<i32>} : memref<512xi32, #tpu.memory_space<vmem>>, vector<16xi32>,
    %swap3A_1348 = vector.shape_cast %swap3A_1347 : vector<16xi32> to vector<16xi32>
    %swap3A_1349 = vector.shape_cast %add3A_1345 : vector<16xi32> to vector<16xi32>
    tpu.vector_store %arg7[%swap3A_1346], %swap3A_1349 {strides = array<i32>} : memref<512xi32, #tpu.memory_space<vmem>>, vector<16xi32>,
    %get3A_1350 = arith.constant 400 : index
    %get3A_1351 = tpu.vector_load %arg7[%get3A_1350] {strides = array<i32>} : memref<512xi32, #tpu.memory_space<vmem>>, vector<16xi32>,
    %get3A_1352 = vector.shape_cast %get3A_1351 : vector<16xi32> to vector<16xi32>
    %mul3A_1353 = arith.constant 64 : i32
    %mul3A_1354 = arith.muli %arg1, %mul3A_1353 : i32
    %add3A_1355 = vector.broadcast %mul3A_1354 : i32 to vector<16xi32>
    %add3A_1356 = arith.addi %get3A_1352, %add3A_1355 : vector<16xi32>
    %swap3A_1357 = arith.constant 400 : index
    %swap3A_1358 = tpu.vector_load %arg7[%swap3A_1357] {strides = array<i32>} : memref<512xi32, #tpu.memory_space<vmem>>, vector<16xi32>,
    %swap3A_1359 = vector.shape_cast %swap3A_1358 : vector<16xi32> to vector<16xi32>
    %swap3A_1360 = vector.shape_cast %add3A_1356 : vector<16xi32> to vector<16xi32>
    tpu.vector_store %arg7[%swap3A_1357], %swap3A_1360 {strides = array<i32>} : memref<512xi32, #tpu.memory_space<vmem>>, vector<16xi32>,
    %get3A_1361 = arith.constant 416 : index
    %get3A_1362 = tpu.vector_load %arg7[%get3A_1361] {strides = array<i32>} : memref<512xi32, #tpu.memory_space<vmem>>, vector<16xi32>,
    %get3A_1363 = vector.shape_cast %get3A_1362 : vector<16xi32> to vector<16xi32>
    %mul3A_1364 = arith.constant 64 : i32
    %mul3A_1365 = arith.muli %arg1, %mul3A_1364 : i32
    %add3A_1366 = vector.broadcast %mul3A_1365 : i32 to vector<16xi32>
    %add3A_1367 = arith.addi %get3A_1363, %add3A_1366 : vector<16xi32>
    %swap3A_1368 = arith.constant 416 : index
    %swap3A_1369 = tpu.vector_load %arg7[%swap3A_1368] {strides = array<i32>} : memref<512xi32, #tpu.memory_space<vmem>>, vector<16xi32>,
    %swap3A_1370 = vector.shape_cast %swap3A_1369 : vector<16xi32> to vector<16xi32>
    %swap3A_1371 = vector.shape_cast %add3A_1367 : vector<16xi32> to vector<16xi32>
    tpu.vector_store %arg7[%swap3A_1368], %swap3A_1371 {strides = array<i32>} : memref<512xi32, #tpu.memory_space<vmem>>, vector<16xi32>,
    %get3A_1372 = arith.constant 432 : index
    %get3A_1373 = tpu.vector_load %arg7[%get3A_1372] {strides = array<i32>} : memref<512xi32, #tpu.memory_space<vmem>>, vector<16xi32>,
    %get3A_1374 = vector.shape_cast %get3A_1373 : vector<16xi32> to vector<16xi32>
    %mul3A_1375 = arith.constant 64 : i32
    %mul3A_1376 = arith.muli %arg1, %mul3A_1375 : i32
    %add3A_1377 = vector.broadcast %mul3A_1376 : i32 to vector<16xi32>
    %add3A_1378 = arith.addi %get3A_1374, %add3A_1377 : vector<16xi32>
    %swap3A_1379 = arith.constant 432 : index
    %swap3A_1380 = tpu.vector_load %arg7[%swap3A_1379] {strides = array<i32>} : memref<512xi32, #tpu.memory_space<vmem>>, vector<16xi32>,
    %swap3A_1381 = vector.shape_cast %swap3A_1380 : vector<16xi32> to vector<16xi32>
    %swap3A_1382 = vector.shape_cast %add3A_1378 : vector<16xi32> to vector<16xi32>
    tpu.vector_store %arg7[%swap3A_1379], %swap3A_1382 {strides = array<i32>} : memref<512xi32, #tpu.memory_space<vmem>>, vector<16xi32>,
    %get3A_1383 = arith.constant 448 : index
    %get3A_1384 = tpu.vector_load %arg7[%get3A_1383] {strides = array<i32>} : memref<512xi32, #tpu.memory_space<vmem>>, vector<16xi32>,
    %get3A_1385 = vector.shape_cast %get3A_1384 : vector<16xi32> to vector<16xi32>
    %mul3A_1386 = arith.constant 64 : i32
    %mul3A_1387 = arith.muli %arg1, %mul3A_1386 : i32
    %add3A_1388 = vector.broadcast %mul3A_1387 : i32 to vector<16xi32>
    %add3A_1389 = arith.addi %get3A_1385, %add3A_1388 : vector<16xi32>
    %swap3A_1390 = arith.constant 448 : index
    %swap3A_1391 = tpu.vector_load %arg7[%swap3A_1390] {strides = array<i32>} : memref<512xi32, #tpu.memory_space<vmem>>, vector<16xi32>,
    %swap3A_1392 = vector.shape_cast %swap3A_1391 : vector<16xi32> to vector<16xi32>
    %swap3A_1393 = vector.shape_cast %add3A_1389 : vector<16xi32> to vector<16xi32>
    tpu.vector_store %arg7[%swap3A_1390], %swap3A_1393 {strides = array<i32>} : memref<512xi32, #tpu.memory_space<vmem>>, vector<16xi32>,
    %get3A_1394 = arith.constant 464 : index
    %get3A_1395 = tpu.vector_load %arg7[%get3A_1394] {strides = array<i32>} : memref<512xi32, #tpu.memory_space<vmem>>, vector<16xi32>,
    %get3A_1396 = vector.shape_cast %get3A_1395 : vector<16xi32> to vector<16xi32>
    %mul3A_1397 = arith.constant 64 : i32
    %mul3A_1398 = arith.muli %arg1, %mul3A_1397 : i32
    %add3A_1399 = vector.broadcast %mul3A_1398 : i32 to vector<16xi32>
    %add3A_1400 = arith.addi %get3A_1396, %add3A_1399 : vector<16xi32>
    %swap3A_1401 = arith.constant 464 : index
    %swap3A_1402 = tpu.vector_load %arg7[%swap3A_1401] {strides = array<i32>} : memref<512xi32, #tpu.memory_space<vmem>>, vector<16xi32>,
    %swap3A_1403 = vector.shape_cast %swap3A_1402 : vector<16xi32> to vector<16xi32>
    %swap3A_1404 = vector.shape_cast %add3A_1400 : vector<16xi32> to vector<16xi32>
    tpu.vector_store %arg7[%swap3A_1401], %swap3A_1404 {strides = array<i32>} : memref<512xi32, #tpu.memory_space<vmem>>, vector<16xi32>,
    %get3A_1405 = arith.constant 480 : index
    %get3A_1406 = tpu.vector_load %arg7[%get3A_1405] {strides = array<i32>} : memref<512xi32, #tpu.memory_space<vmem>>, vector<16xi32>,
    %get3A_1407 = vector.shape_cast %get3A_1406 : vector<16xi32> to vector<16xi32>
    %mul3A_1408 = arith.constant 64 : i32
    %mul3A_1409 = arith.muli %arg1, %mul3A_1408 : i32
    %add3A_1410 = vector.broadcast %mul3A_1409 : i32 to vector<16xi32>
    %add3A_1411 = arith.addi %get3A_1407, %add3A_1410 : vector<16xi32>
    %swap3A_1412 = arith.constant 480 : index
    %swap3A_1413 = tpu.vector_load %arg7[%swap3A_1412] {strides = array<i32>} : memref<512xi32, #tpu.memory_space<vmem>>, vector<16xi32>,
    %swap3A_1414 = vector.shape_cast %swap3A_1413 : vector<16xi32> to vector<16xi32>
    %swap3A_1415 = vector.shape_cast %add3A_1411 : vector<16xi32> to vector<16xi32>
    tpu.vector_store %arg7[%swap3A_1412], %swap3A_1415 {strides = array<i32>} : memref<512xi32, #tpu.memory_space<vmem>>, vector<16xi32>,
    %get3A_1416 = arith.constant 496 : index
    %get3A_1417 = tpu.vector_load %arg7[%get3A_1416] {strides = array<i32>} : memref<512xi32, #tpu.memory_space<vmem>>, vector<16xi32>,
    %get3A_1418 = vector.shape_cast %get3A_1417 : vector<16xi32> to vector<16xi32>
    %mul3A_1419 = arith.constant 64 : i32
    %mul3A_1420 = arith.muli %arg1, %mul3A_1419 : i32
    %add3A_1421 = vector.broadcast %mul3A_1420 : i32 to vector<16xi32>
    %add3A_1422 = arith.addi %get3A_1418, %add3A_1421 : vector<16xi32>
    %swap3A_1423 = arith.constant 496 : index
    %swap3A_1424 = tpu.vector_load %arg7[%swap3A_1423] {strides = array<i32>} : memref<512xi32, #tpu.memory_space<vmem>>, vector<16xi32>,
    %swap3A_1425 = vector.shape_cast %swap3A_1424 : vector<16xi32> to vector<16xi32>
    %swap3A_1426 = vector.shape_cast %add3A_1422 : vector<16xi32> to vector<16xi32>
    tpu.vector_store %arg7[%swap3A_1423], %swap3A_1426 {strides = array<i32>} : memref<512xi32, #tpu.memory_space<vmem>>, vector<16xi32>,
    "tpu.region"() ({
      %run_scoped3A = tpu.sem_alloc : memref<!tpu.dma_semaphore, #tpu.memory_space<semaphore_mem>>
      %dma_start3A = arith.constant 0 : i32
      %dma_start3A_1433 = arith.constant 0 : i32
      %dma_start3A_1434 = tpu.memref_slice %arg10[%dma_start3A, %dma_start3A_1433] : memref<1024x128xf32, #tpu.memory_space<vmem_shared>> -> memref<1024x128xf32, #tpu.memory_space<vmem_shared>>
      tpu.enqueue_indirect_dma source(%arg8 : memref<512x128xf32, #tpu.memory_space<vmem>>) target(%dma_start3A_1434 : memref<1024x128xf32, #tpu.memory_space<vmem_shared>>) offsets(%arg7 : memref<512xi32, #tpu.memory_space<vmem>>) semaphore(%run_scoped3A : memref<!tpu.dma_semaphore, #tpu.memory_space<semaphore_mem>>) {add = true}
      %dma_wait3A = arith.constant 0 : i32
      %dma_wait3A_1435 = arith.constant 0 : i32
      %dma_wait3A_1436 = tpu.memref_slice %arg10[%dma_wait3A, %dma_wait3A_1435] : memref<1024x128xf32, #tpu.memory_space<vmem_shared>> -> memref<1024x128xf32, #tpu.memory_space<vmem_shared>>
      tpu.wait_indirect_dma semaphore(%run_scoped3A : memref<!tpu.dma_semaphore, #tpu.memory_space<semaphore_mem>>) src(%arg8 : memref<512x128xf32, #tpu.memory_space<vmem>>) dst(%dma_wait3A_1436 : memref<1024x128xf32, #tpu.memory_space<vmem_shared>>)
      tpu.yield
    }) : () -> ()
    %barrier3A_1427 = arith.constant 0 : index
    tpu.barrier barrier_id(%barrier3A_1427)
    %eq3A_1428 = arith.constant 0 : i32
    %eq3A_1429 = arith.cmpi eq, %arg1, %eq3A_1428 : i32
    %convert_element_type3A_1430 = arith.extui %eq3A_1429 : i1 to i32
    %cond3A_1431 = arith.constant 0 : i32
    %cond3A_1432 = arith.cmpi ne, %convert_element_type3A_1430, %cond3A_1431 : i32
    scf.if %cond3A_1432 {
      "tpu.region"() ({
        %run_scoped3A = tpu.sem_alloc : memref<!tpu.dma_semaphore, #tpu.memory_space<semaphore_mem>>
        %dma_start3A = arith.constant 0 : i32
        %dma_start3A_1433 = arith.constant 0 : i32
        %dma_start3A_1434 = tpu.memref_slice %arg10[%dma_start3A, %dma_start3A_1433] : memref<1024x128xf32, #tpu.memory_space<vmem_shared>> -> memref<512x128xf32, #tpu.memory_space<vmem_shared>>
        %dma_start3A_1435 = arith.constant 0 : i32
        %dma_start3A_1436 = arith.constant 0 : i32
        %dma_start3A_1437 = tpu.memref_slice %arg10[%dma_start3A_1435, %dma_start3A_1436] : memref<1024x128xf32, #tpu.memory_space<vmem_shared>> -> memref<512x128xf32, #tpu.memory_space<vmem_shared>>
        tpu.enqueue_dma source(%dma_start3A_1437 : memref<512x128xf32, #tpu.memory_space<vmem_shared>>) target(%arg8 : memref<512x128xf32, #tpu.memory_space<vmem>>) target_semaphore(%run_scoped3A : memref<!tpu.dma_semaphore, #tpu.memory_space<semaphore_mem>>)
        %dma_wait3A = arith.constant 0 : i32
        %dma_wait3A_1438 = arith.constant 0 : i32
        %dma_wait3A_1439 = tpu.memref_slice %arg10[%dma_wait3A, %dma_wait3A_1438] : memref<1024x128xf32, #tpu.memory_space<vmem_shared>> -> memref<512x128xf32, #tpu.memory_space<vmem_shared>>
        %dma_wait3A_1440 = arith.constant 0 : i32
        %dma_wait3A_1441 = arith.constant 0 : i32
        %dma_wait3A_1442 = tpu.memref_slice %arg10[%dma_wait3A_1440, %dma_wait3A_1441] : memref<1024x128xf32, #tpu.memory_space<vmem_shared>> -> memref<512x128xf32, #tpu.memory_space<vmem_shared>>
        tpu.wait_dma2 semaphore(%run_scoped3A : memref<!tpu.dma_semaphore, #tpu.memory_space<semaphore_mem>>) src(%dma_wait3A_1442 : memref<512x128xf32, #tpu.memory_space<vmem_shared>>) dst(%arg8 : memref<512x128xf32, #tpu.memory_space<vmem>>)
        tpu.yield
      }) : () -> ()
      "tpu.region"() ({
        %run_scoped3A = tpu.sem_alloc : memref<!tpu.dma_semaphore, #tpu.memory_space<semaphore_mem>>
        %dma_start3A = arith.constant 0 : i32
        %dma_start3A_1433 = tpu.memref_slice %arg5[%dma_start3A] : memref<1024xi32, #tpu.memory_space<hbm>> -> memref<512xi32, #tpu.memory_space<hbm>>
        %dma_start3A_1434 = arith.constant 0 : i32
        %dma_start3A_1435 = tpu.memref_slice %arg5[%dma_start3A_1434] : memref<1024xi32, #tpu.memory_space<hbm>> -> memref<512xi32, #tpu.memory_space<hbm>>
        tpu.enqueue_dma source(%dma_start3A_1435 : memref<512xi32, #tpu.memory_space<hbm>>) target(%arg7 : memref<512xi32, #tpu.memory_space<vmem>>) target_semaphore(%run_scoped3A : memref<!tpu.dma_semaphore, #tpu.memory_space<semaphore_mem>>)
        %dma_wait3A = arith.constant 0 : i32
        %dma_wait3A_1436 = tpu.memref_slice %arg5[%dma_wait3A] : memref<1024xi32, #tpu.memory_space<hbm>> -> memref<512xi32, #tpu.memory_space<hbm>>
        %dma_wait3A_1437 = arith.constant 0 : i32
        %dma_wait3A_1438 = tpu.memref_slice %arg5[%dma_wait3A_1437] : memref<1024xi32, #tpu.memory_space<hbm>> -> memref<512xi32, #tpu.memory_space<hbm>>
        tpu.wait_dma2 semaphore(%run_scoped3A : memref<!tpu.dma_semaphore, #tpu.memory_space<semaphore_mem>>) src(%dma_wait3A_1438 : memref<512xi32, #tpu.memory_space<hbm>>) dst(%arg7 : memref<512xi32, #tpu.memory_space<vmem>>)
        tpu.yield
      }) : () -> ()
      "tpu.region"() ({
        %run_scoped3A = tpu.sem_alloc : memref<!tpu.dma_semaphore, #tpu.memory_space<semaphore_mem>>
        %dma_start3A = arith.constant 0 : i32
        %dma_start3A_1433 = arith.constant 0 : i32
        %dma_start3A_1434 = tpu.memref_slice %arg11[%dma_start3A, %dma_start3A_1433] : memref<64x128xf32, #tpu.memory_space<vmem_shared>> -> memref<64x128xf32, #tpu.memory_space<vmem_shared>>
        tpu.enqueue_indirect_dma source(%arg8 : memref<512x128xf32, #tpu.memory_space<vmem>>) target(%dma_start3A_1434 : memref<64x128xf32, #tpu.memory_space<vmem_shared>>) offsets(%arg7 : memref<512xi32, #tpu.memory_space<vmem>>) semaphore(%run_scoped3A : memref<!tpu.dma_semaphore, #tpu.memory_space<semaphore_mem>>) {add = true}
        %dma_wait3A = arith.constant 0 : i32
        %dma_wait3A_1435 = arith.constant 0 : i32
        %dma_wait3A_1436 = tpu.memref_slice %arg11[%dma_wait3A, %dma_wait3A_1435] : memref<64x128xf32, #tpu.memory_space<vmem_shared>> -> memref<64x128xf32, #tpu.memory_space<vmem_shared>>
        tpu.wait_indirect_dma semaphore(%run_scoped3A : memref<!tpu.dma_semaphore, #tpu.memory_space<semaphore_mem>>) src(%arg8 : memref<512x128xf32, #tpu.memory_space<vmem>>) dst(%dma_wait3A_1436 : memref<64x128xf32, #tpu.memory_space<vmem_shared>>)
        tpu.yield
      }) : () -> ()
      "tpu.region"() ({
        %run_scoped3A = tpu.sem_alloc : memref<!tpu.dma_semaphore, #tpu.memory_space<semaphore_mem>>
        %dma_start3A = arith.constant 512 : i32
        %dma_start3A_1433 = arith.constant 0 : i32
        %dma_start3A_1434 = tpu.memref_slice %arg10[%dma_start3A, %dma_start3A_1433] : memref<1024x128xf32, #tpu.memory_space<vmem_shared>> -> memref<512x128xf32, #tpu.memory_space<vmem_shared>>
        %dma_start3A_1435 = arith.constant 512 : i32
        %dma_start3A_1436 = arith.constant 0 : i32
        %dma_start3A_1437 = tpu.memref_slice %arg10[%dma_start3A_1435, %dma_start3A_1436] : memref<1024x128xf32, #tpu.memory_space<vmem_shared>> -> memref<512x128xf32, #tpu.memory_space<vmem_shared>>
        tpu.enqueue_dma source(%dma_start3A_1437 : memref<512x128xf32, #tpu.memory_space<vmem_shared>>) target(%arg8 : memref<512x128xf32, #tpu.memory_space<vmem>>) target_semaphore(%run_scoped3A : memref<!tpu.dma_semaphore, #tpu.memory_space<semaphore_mem>>)
        %dma_wait3A = arith.constant 512 : i32
        %dma_wait3A_1438 = arith.constant 0 : i32
        %dma_wait3A_1439 = tpu.memref_slice %arg10[%dma_wait3A, %dma_wait3A_1438] : memref<1024x128xf32, #tpu.memory_space<vmem_shared>> -> memref<512x128xf32, #tpu.memory_space<vmem_shared>>
        %dma_wait3A_1440 = arith.constant 512 : i32
        %dma_wait3A_1441 = arith.constant 0 : i32
        %dma_wait3A_1442 = tpu.memref_slice %arg10[%dma_wait3A_1440, %dma_wait3A_1441] : memref<1024x128xf32, #tpu.memory_space<vmem_shared>> -> memref<512x128xf32, #tpu.memory_space<vmem_shared>>
        tpu.wait_dma2 semaphore(%run_scoped3A : memref<!tpu.dma_semaphore, #tpu.memory_space<semaphore_mem>>) src(%dma_wait3A_1442 : memref<512x128xf32, #tpu.memory_space<vmem_shared>>) dst(%arg8 : memref<512x128xf32, #tpu.memory_space<vmem>>)
        tpu.yield
      }) : () -> ()
      "tpu.region"() ({
        %run_scoped3A = tpu.sem_alloc : memref<!tpu.dma_semaphore, #tpu.memory_space<semaphore_mem>>
        %dma_start3A = arith.constant 512 : i32
        %dma_start3A_1433 = tpu.memref_slice %arg5[%dma_start3A] : memref<1024xi32, #tpu.memory_space<hbm>> -> memref<512xi32, #tpu.memory_space<hbm>>
        %dma_start3A_1434 = arith.constant 512 : i32
        %dma_start3A_1435 = tpu.memref_slice %arg5[%dma_start3A_1434] : memref<1024xi32, #tpu.memory_space<hbm>> -> memref<512xi32, #tpu.memory_space<hbm>>
        tpu.enqueue_dma source(%dma_start3A_1435 : memref<512xi32, #tpu.memory_space<hbm>>) target(%arg7 : memref<512xi32, #tpu.memory_space<vmem>>) target_semaphore(%run_scoped3A : memref<!tpu.dma_semaphore, #tpu.memory_space<semaphore_mem>>)
        %dma_wait3A = arith.constant 512 : i32
        %dma_wait3A_1436 = tpu.memref_slice %arg5[%dma_wait3A] : memref<1024xi32, #tpu.memory_space<hbm>> -> memref<512xi32, #tpu.memory_space<hbm>>
        %dma_wait3A_1437 = arith.constant 512 : i32
        %dma_wait3A_1438 = tpu.memref_slice %arg5[%dma_wait3A_1437] : memref<1024xi32, #tpu.memory_space<hbm>> -> memref<512xi32, #tpu.memory_space<hbm>>
        tpu.wait_dma2 semaphore(%run_scoped3A : memref<!tpu.dma_semaphore, #tpu.memory_space<semaphore_mem>>) src(%dma_wait3A_1438 : memref<512xi32, #tpu.memory_space<hbm>>) dst(%arg7 : memref<512xi32, #tpu.memory_space<vmem>>)
        tpu.yield
      }) : () -> ()
      "tpu.region"() ({
        %run_scoped3A = tpu.sem_alloc : memref<!tpu.dma_semaphore, #tpu.memory_space<semaphore_mem>>
        %dma_start3A = arith.constant 0 : i32
        %dma_start3A_1433 = arith.constant 0 : i32
        %dma_start3A_1434 = tpu.memref_slice %arg11[%dma_start3A, %dma_start3A_1433] : memref<64x128xf32, #tpu.memory_space<vmem_shared>> -> memref<64x128xf32, #tpu.memory_space<vmem_shared>>
        tpu.enqueue_indirect_dma source(%arg8 : memref<512x128xf32, #tpu.memory_space<vmem>>) target(%dma_start3A_1434 : memref<64x128xf32, #tpu.memory_space<vmem_shared>>) offsets(%arg7 : memref<512xi32, #tpu.memory_space<vmem>>) semaphore(%run_scoped3A : memref<!tpu.dma_semaphore, #tpu.memory_space<semaphore_mem>>) {add = true}
        %dma_wait3A = arith.constant 0 : i32
        %dma_wait3A_1435 = arith.constant 0 : i32
        %dma_wait3A_1436 = tpu.memref_slice %arg11[%dma_wait3A, %dma_wait3A_1435] : memref<64x128xf32, #tpu.memory_space<vmem_shared>> -> memref<64x128xf32, #tpu.memory_space<vmem_shared>>
        tpu.wait_indirect_dma semaphore(%run_scoped3A : memref<!tpu.dma_semaphore, #tpu.memory_space<semaphore_mem>>) src(%arg8 : memref<512x128xf32, #tpu.memory_space<vmem>>) dst(%dma_wait3A_1436 : memref<64x128xf32, #tpu.memory_space<vmem_shared>>)
        tpu.yield
      }) : () -> ()
      "tpu.region"() ({
        %run_scoped3A = tpu.sem_alloc : memref<!tpu.dma_semaphore, #tpu.memory_space<semaphore_mem>>
        tpu.enqueue_dma source(%arg11 : memref<64x128xf32, #tpu.memory_space<vmem_shared>>) target(%arg9 : memref<64x128xf32, #tpu.memory_space<vmem>>) target_semaphore(%run_scoped3A : memref<!tpu.dma_semaphore, #tpu.memory_space<semaphore_mem>>)
        tpu.wait_dma2 semaphore(%run_scoped3A : memref<!tpu.dma_semaphore, #tpu.memory_space<semaphore_mem>>) src(%arg11 : memref<64x128xf32, #tpu.memory_space<vmem_shared>>) dst(%arg9 : memref<64x128xf32, #tpu.memory_space<vmem>>)
        tpu.yield
      }) : () -> ()
      "tpu.region"() ({
        %run_scoped3A = tpu.sem_alloc : memref<!tpu.dma_semaphore, #tpu.memory_space<semaphore_mem>>
        %dma_start3A = arith.constant 0 : i32
        %dma_start3A_1433 = arith.constant 0 : i32
        %dma_start3A_1434 = tpu.memref_slice %arg6[%arg0, %dma_start3A, %dma_start3A_1433] : memref<2x64x128xf32, #tpu.memory_space<hbm>> -> memref<1x64x128xf32, #tpu.memory_space<hbm>>
        %dma_start3A_1435 = tpu.memref_squeeze %dma_start3A_1434 : memref<1x64x128xf32, #tpu.memory_space<hbm>> -> memref<64x128xf32, #tpu.memory_space<hbm>>
        %dma_start3A_1436 = arith.constant 0 : i32
        %dma_start3A_1437 = arith.constant 0 : i32
        %dma_start3A_1438 = tpu.memref_slice %arg6[%arg0, %dma_start3A_1436, %dma_start3A_1437] : memref<2x64x128xf32, #tpu.memory_space<hbm>> -> memref<1x64x128xf32, #tpu.memory_space<hbm>>
        %dma_start3A_1439 = tpu.memref_squeeze %dma_start3A_1438 : memref<1x64x128xf32, #tpu.memory_space<hbm>> -> memref<64x128xf32, #tpu.memory_space<hbm>>
        tpu.enqueue_dma source(%arg9 : memref<64x128xf32, #tpu.memory_space<vmem>>) target(%dma_start3A_1439 : memref<64x128xf32, #tpu.memory_space<hbm>>) target_semaphore(%run_scoped3A : memref<!tpu.dma_semaphore, #tpu.memory_space<semaphore_mem>>)
        %dma_wait3A = arith.constant 0 : i32
        %dma_wait3A_1440 = arith.constant 0 : i32
        %dma_wait3A_1441 = tpu.memref_slice %arg6[%arg0, %dma_wait3A, %dma_wait3A_1440] : memref<2x64x128xf32, #tpu.memory_space<hbm>> -> memref<1x64x128xf32, #tpu.memory_space<hbm>>
        %dma_wait3A_1442 = tpu.memref_squeeze %dma_wait3A_1441 : memref<1x64x128xf32, #tpu.memory_space<hbm>> -> memref<64x128xf32, #tpu.memory_space<hbm>>
        %dma_wait3A_1443 = arith.constant 0 : i32
        %dma_wait3A_1444 = arith.constant 0 : i32
        %dma_wait3A_1445 = tpu.memref_slice %arg6[%arg0, %dma_wait3A_1443, %dma_wait3A_1444] : memref<2x64x128xf32, #tpu.memory_space<hbm>> -> memref<1x64x128xf32, #tpu.memory_space<hbm>>
        %dma_wait3A_1446 = tpu.memref_squeeze %dma_wait3A_1445 : memref<1x64x128xf32, #tpu.memory_space<hbm>> -> memref<64x128xf32, #tpu.memory_space<hbm>>
        tpu.wait_dma2 semaphore(%run_scoped3A : memref<!tpu.dma_semaphore, #tpu.memory_space<semaphore_mem>>) src(%arg9 : memref<64x128xf32, #tpu.memory_space<vmem>>) dst(%dma_wait3A_1446 : memref<64x128xf32, #tpu.memory_space<hbm>>)
        tpu.yield
      }) : () -> ()
    } else {
    }
    return
  }
}

module attributes {stable_mosaic.version = 14 : i64} {
  func.func @_router_kernel(%arg0: i32, %arg1: memref<1x4096x768xf32, #tpu.memory_space<vmem>>, %arg2: memref<64x768xf32, #tpu.memory_space<vmem>>, %arg3: memref<1x2x4096xi32, #tpu.memory_space<vmem>>, %arg4: memref<1x2x4096xf32, #tpu.memory_space<vmem>>, %arg5: memref<1x64x4096xf32, #tpu.memory_space<vmem>>, %arg6: memref<64xf32, #tpu.memory_space<vmem>>, %arg7: memref<64xf32, #tpu.memory_space<vmem>>) attributes {dimension_semantics = [#tpu.dimension_semantics<arbitrary>], iteration_bounds = array<i64: 8>, scalar_prefetch = 0 : i64, scratch_operands = 0 : i64, tpu.core_type = #tpu.core_type<tc>, window_params = [{transform_indices = @transform_0, window_bounds = array<i64: 1, 4096, 768>}, {pipeline_mode = #tpu.pipeline_mode<synchronous>, transform_indices = @transform_1, window_bounds = array<i64: 64, 768>}, {transform_indices = @transform_2, window_bounds = array<i64: 1, 2, 4096>}, {transform_indices = @transform_3, window_bounds = array<i64: 1, 2, 4096>}, {transform_indices = @transform_4, window_bounds = array<i64: 1, 64, 4096>}, {pipeline_mode = #tpu.pipeline_mode<synchronous>, transform_indices = @transform_5, window_bounds = array<i64: 64>}, {pipeline_mode = #tpu.pipeline_mode<synchronous>, transform_indices = @transform_6, window_bounds = array<i64: 64>}]} {
    %eq3A = arith.constant 0 : i32
    %eq3A_0 = arith.cmpi eq, %arg0, %eq3A : i32
    %convert_element_type3A = arith.extui %eq3A_0 : i1 to i32
    %cond3A = arith.constant 0 : i32
    %cond3A_1 = arith.cmpi ne, %convert_element_type3A, %cond3A : i32
    scf.if %cond3A_1 {
      %broadcast_in_dim3A_90 = arith.constant 0.000000e+00 : f32
      %broadcast_in_dim3A_91 = vector.broadcast %broadcast_in_dim3A_90 : f32 to vector<64xf32>
      %swap3A_92 = arith.constant 0 : index
      %swap3A_93 = vector.load %arg6[%swap3A_92] : memref<64xf32, #tpu.memory_space<vmem>>, vector<64xf32>
      tpu.vector_store %arg6[%swap3A_92], %broadcast_in_dim3A_91 {strides = array<i32>} : memref<64xf32, #tpu.memory_space<vmem>>, vector<64xf32>,
      %broadcast_in_dim3A_94 = arith.constant 0.000000e+00 : f32
      %broadcast_in_dim3A_95 = vector.broadcast %broadcast_in_dim3A_94 : f32 to vector<64xf32>
      %swap3A_96 = arith.constant 0 : index
      %swap3A_97 = vector.load %arg7[%swap3A_96] : memref<64xf32, #tpu.memory_space<vmem>>, vector<64xf32>
      tpu.vector_store %arg7[%swap3A_96], %broadcast_in_dim3A_95 {strides = array<i32>} : memref<64xf32, #tpu.memory_space<vmem>>, vector<64xf32>,
    } else {
    }
    %get3A = arith.constant 0 : index
    %get3A_2 = arith.constant 0 : index
    %get3A_3 = arith.constant 0 : index
    %get3A_4 = vector.load %arg1[%get3A, %get3A_2, %get3A_3] : memref<1x4096x768xf32, #tpu.memory_space<vmem>>, vector<1x4096x768xf32>
    %get3A_5 = vector.shape_cast %get3A_4 : vector<1x4096x768xf32> to vector<4096x768xf32>
    %get3A_6 = arith.constant 0 : index
    %get3A_7 = arith.constant 0 : index
    %get3A_8 = vector.load %arg2[%get3A_6, %get3A_7] : memref<64x768xf32, #tpu.memory_space<vmem>>, vector<64x768xf32>
    %dot_general3A = arith.constant dense<0.000000e+00> : vector<64x4096xf32>
    %dot_general3A_9 = tpu.matmul %get3A_8, %get3A_5, %dot_general3A {dimension_numbers = #tpu.dot_dimension_numbers<[1], [1], [0], [0], [0, 0, 1, 0], [], []>, transpose_lhs_hint = false} : vector<64x768xf32>, vector<4096x768xf32>, vector<64x4096xf32> -> vector<64x4096xf32>
    %iota3A = tpu.iota {dimensions = array<i32: 0>} : vector<64x4096xi32>
    %reduce_max3A = arith.constant dense<0xFF800000> : vector<4096xf32>
    %reduce_max3A_10 = vector.multi_reduction <maximumf>, %dot_general3A_9, %reduce_max3A [0] : vector<64x4096xf32> to vector<4096xf32>
    %broadcast_in_dim3A = vector.shape_cast %reduce_max3A_10 : vector<4096xf32> to vector<1x4096xf32>
    %eq3A_11 = vector.broadcast %broadcast_in_dim3A : vector<1x4096xf32> to vector<64x4096xf32>
    %eq3A_12 = arith.cmpf oeq, %dot_general3A_9, %eq3A_11 : vector<64x4096xf32>
    %jit3A = arith.constant 64 : i32
    %broadcast_in_dim3A_13 = vector.broadcast %jit3A : i32 to vector<64x4096xi32>
    %select_n3A = arith.select %eq3A_12, %iota3A, %broadcast_in_dim3A_13 : vector<64x4096xi1>, vector<64x4096xi32>
    %reduce_min3A = arith.constant dense<2147483647> : vector<4096xi32>
    %reduce_min3A_14 = vector.multi_reduction <minsi>, %select_n3A, %reduce_min3A [0] : vector<64x4096xi32> to vector<4096xi32>
    %broadcast_in_dim3A_15 = vector.shape_cast %reduce_min3A_14 : vector<4096xi32> to vector<1x4096xi32>
    %eq3A_16 = vector.broadcast %broadcast_in_dim3A_15 : vector<1x4096xi32> to vector<64x4096xi32>
    %eq3A_17 = arith.cmpi eq, %iota3A, %eq3A_16 : vector<64x4096xi32>
    %jit3A_18 = arith.constant 0xFF800000 : f32
    %broadcast_in_dim3A_19 = vector.broadcast %jit3A_18 : f32 to vector<64x4096xf32>
    %select_n3A_20 = arith.select %eq3A_17, %broadcast_in_dim3A_19, %dot_general3A_9 : vector<64x4096xi1>, vector<64x4096xf32>
    %reduce_max3A_21 = arith.constant dense<0xFF800000> : vector<4096xf32>
    %reduce_max3A_22 = vector.multi_reduction <maximumf>, %select_n3A_20, %reduce_max3A_21 [0] : vector<64x4096xf32> to vector<4096xf32>
    %broadcast_in_dim3A_23 = vector.shape_cast %reduce_max3A_22 : vector<4096xf32> to vector<1x4096xf32>
    %eq3A_24 = vector.broadcast %broadcast_in_dim3A_23 : vector<1x4096xf32> to vector<64x4096xf32>
    %eq3A_25 = arith.cmpf oeq, %select_n3A_20, %eq3A_24 : vector<64x4096xf32>
    %jit3A_26 = arith.constant 64 : i32
    %broadcast_in_dim3A_27 = vector.broadcast %jit3A_26 : i32 to vector<64x4096xi32>
    %select_n3A_28 = arith.select %eq3A_25, %iota3A, %broadcast_in_dim3A_27 : vector<64x4096xi1>, vector<64x4096xi32>
    %reduce_min3A_29 = arith.constant dense<2147483647> : vector<4096xi32>
    %reduce_min3A_30 = vector.multi_reduction <minsi>, %select_n3A_28, %reduce_min3A_29 [0] : vector<64x4096xi32> to vector<4096xi32>
    %broadcast_in_dim3A_31 = vector.shape_cast %reduce_min3A_30 : vector<4096xi32> to vector<1x4096xi32>
    %eq3A_32 = vector.broadcast %broadcast_in_dim3A_31 : vector<1x4096xi32> to vector<64x4096xi32>
    %eq3A_33 = arith.cmpi eq, %iota3A, %eq3A_32 : vector<64x4096xi32>
    %sub3A = vector.broadcast %broadcast_in_dim3A : vector<1x4096xf32> to vector<64x4096xf32>
    %sub3A_34 = arith.subf %dot_general3A_9, %sub3A : vector<64x4096xf32>
    %exp3A = math.exp %sub3A_34 : vector<64x4096xf32>
    %reduce_sum3A = arith.constant dense<0.000000e+00> : vector<4096xf32>
    %reduce_sum3A_35 = vector.multi_reduction <add>, %exp3A, %reduce_sum3A [0] : vector<64x4096xf32> to vector<4096xf32>
    %broadcast_in_dim3A_36 = vector.shape_cast %reduce_sum3A_35 : vector<4096xf32> to vector<1x4096xf32>
    %div3A = vector.broadcast %broadcast_in_dim3A_36 : vector<1x4096xf32> to vector<64x4096xf32>
    %div3A_37 = arith.divf %exp3A, %div3A : vector<64x4096xf32>
    %swap3A = arith.constant 0 : index
    %swap3A_38 = arith.constant 0 : index
    %swap3A_39 = arith.constant 0 : index
    %swap3A_40 = vector.load %arg5[%swap3A, %swap3A_38, %swap3A_39] : memref<1x64x4096xf32, #tpu.memory_space<vmem>>, vector<1x64x4096xf32>
    %swap3A_41 = vector.shape_cast %swap3A_40 : vector<1x64x4096xf32> to vector<64x4096xf32>
    %swap3A_42 = vector.shape_cast %div3A_37 : vector<64x4096xf32> to vector<1x64x4096xf32>
    tpu.vector_store %arg5[%swap3A, %swap3A_38, %swap3A_39], %swap3A_42 {strides = array<i32>} : memref<1x64x4096xf32, #tpu.memory_space<vmem>>, vector<1x64x4096xf32>,
    %sub3A_43 = arith.subf %broadcast_in_dim3A_23, %broadcast_in_dim3A : vector<1x4096xf32>
    %exp3A_44 = math.exp %sub3A_43 : vector<1x4096xf32>
    %add3A = arith.constant 1.000000e+00 : f32
    %add3A_45 = vector.broadcast %add3A : f32 to vector<1x4096xf32>
    %add3A_46 = arith.addf %add3A_45, %exp3A_44 : vector<1x4096xf32>
    %div3A_47 = arith.constant 1.000000e+00 : f32
    %div3A_48 = vector.broadcast %div3A_47 : f32 to vector<1x4096xf32>
    %div3A_49 = arith.divf %div3A_48, %add3A_46 : vector<1x4096xf32>
    %sub3A_50 = arith.constant 1.000000e+00 : f32
    %sub3A_51 = vector.broadcast %sub3A_50 : f32 to vector<1x4096xf32>
    %sub3A_52 = arith.subf %sub3A_51, %div3A_49 : vector<1x4096xf32>
    %concatenate3A = tpu.concatenate %div3A_49, %sub3A_52 in 0 : vector<1x4096xf32>, vector<1x4096xf32> -> vector<2x4096xf32>
    %swap3A_53 = arith.constant 0 : index
    %swap3A_54 = arith.constant 0 : index
    %swap3A_55 = arith.constant 0 : index
    %swap3A_56 = vector.load %arg4[%swap3A_53, %swap3A_54, %swap3A_55] : memref<1x2x4096xf32, #tpu.memory_space<vmem>>, vector<1x2x4096xf32>
    %swap3A_57 = vector.shape_cast %swap3A_56 : vector<1x2x4096xf32> to vector<2x4096xf32>
    %swap3A_58 = vector.shape_cast %concatenate3A : vector<2x4096xf32> to vector<1x2x4096xf32>
    tpu.vector_store %arg4[%swap3A_53, %swap3A_54, %swap3A_55], %swap3A_58 {strides = array<i32>} : memref<1x2x4096xf32, #tpu.memory_space<vmem>>, vector<1x2x4096xf32>,
    %concatenate3A_59 = tpu.concatenate %broadcast_in_dim3A_15, %broadcast_in_dim3A_31 in 0 : vector<1x4096xi32>, vector<1x4096xi32> -> vector<2x4096xi32>
    %swap3A_60 = arith.constant 0 : index
    %swap3A_61 = arith.constant 0 : index
    %swap3A_62 = arith.constant 0 : index
    %swap3A_63 = vector.load %arg3[%swap3A_60, %swap3A_61, %swap3A_62] : memref<1x2x4096xi32, #tpu.memory_space<vmem>>, vector<1x2x4096xi32>
    %swap3A_64 = vector.shape_cast %swap3A_63 : vector<1x2x4096xi32> to vector<2x4096xi32>
    %swap3A_65 = vector.shape_cast %concatenate3A_59 : vector<2x4096xi32> to vector<1x2x4096xi32>
    tpu.vector_store %arg3[%swap3A_60, %swap3A_61, %swap3A_62], %swap3A_65 {strides = array<i32>} : memref<1x2x4096xi32, #tpu.memory_space<vmem>>, vector<1x2x4096xi32>,
    %get3A_66 = arith.constant 0 : index
    %get3A_67 = vector.load %arg6[%get3A_66] : memref<64xf32, #tpu.memory_space<vmem>>, vector<64xf32>
    %reduce_sum3A_68 = arith.constant dense<0.000000e+00> : vector<64xf32>
    %reduce_sum3A_69 = vector.multi_reduction <add>, %div3A_37, %reduce_sum3A_68 [1] : vector<64x4096xf32> to vector<64xf32>
    %add3A_70 = arith.addf %get3A_67, %reduce_sum3A_69 : vector<64xf32>
    %swap3A_71 = arith.constant 0 : index
    %swap3A_72 = vector.load %arg6[%swap3A_71] : memref<64xf32, #tpu.memory_space<vmem>>, vector<64xf32>
    tpu.vector_store %arg6[%swap3A_71], %add3A_70 {strides = array<i32>} : memref<64xf32, #tpu.memory_space<vmem>>, vector<64xf32>,
    %get3A_73 = arith.constant 0 : index
    %get3A_74 = vector.load %arg7[%get3A_73] : memref<64xf32, #tpu.memory_space<vmem>>, vector<64xf32>
    %convert_element_type3A_75 = arith.extui %eq3A_17 : vector<64x4096xi1> to vector<64x4096xi32>
    %convert_element_type3A_76 = arith.sitofp %convert_element_type3A_75 : vector<64x4096xi32> to vector<64x4096xf32>
    %convert_element_type3A_77 = arith.extui %eq3A_33 : vector<64x4096xi1> to vector<64x4096xi32>
    %convert_element_type3A_78 = arith.sitofp %convert_element_type3A_77 : vector<64x4096xi32> to vector<64x4096xf32>
    %add3A_79 = arith.addf %convert_element_type3A_76, %convert_element_type3A_78 : vector<64x4096xf32>
    %reduce_sum3A_80 = arith.constant dense<0.000000e+00> : vector<64xf32>
    %reduce_sum3A_81 = vector.multi_reduction <add>, %add3A_79, %reduce_sum3A_80 [1] : vector<64x4096xf32> to vector<64xf32>
    %add3A_82 = arith.addf %get3A_74, %reduce_sum3A_81 : vector<64xf32>
    %swap3A_83 = arith.constant 0 : index
    %swap3A_84 = vector.load %arg7[%swap3A_83] : memref<64xf32, #tpu.memory_space<vmem>>, vector<64xf32>
    tpu.vector_store %arg7[%swap3A_83], %add3A_82 {strides = array<i32>} : memref<64xf32, #tpu.memory_space<vmem>>, vector<64xf32>,
    %eq3A_85 = arith.constant 7 : i32
    %eq3A_86 = arith.cmpi eq, %arg0, %eq3A_85 : i32
    %convert_element_type3A_87 = arith.extui %eq3A_86 : i1 to i32
    %cond3A_88 = arith.constant 0 : i32
    %cond3A_89 = arith.cmpi ne, %convert_element_type3A_87, %cond3A_88 : i32
    scf.if %cond3A_89 {
      %get3A_90 = arith.constant 0 : index
      %get3A_91 = vector.load %arg6[%get3A_90] : memref<64xf32, #tpu.memory_space<vmem>>, vector<64xf32>
      %mul3A = arith.constant 3.05175781E-5 : f32
      %mul3A_92 = vector.broadcast %mul3A : f32 to vector<64xf32>
      %mul3A_93 = arith.mulf %get3A_91, %mul3A_92 : vector<64xf32>
      %swap3A_94 = arith.constant 0 : index
      %swap3A_95 = vector.load %arg6[%swap3A_94] : memref<64xf32, #tpu.memory_space<vmem>>, vector<64xf32>
      tpu.vector_store %arg6[%swap3A_94], %mul3A_93 {strides = array<i32>} : memref<64xf32, #tpu.memory_space<vmem>>, vector<64xf32>,
      %get3A_96 = arith.constant 0 : index
      %get3A_97 = vector.load %arg7[%get3A_96] : memref<64xf32, #tpu.memory_space<vmem>>, vector<64xf32>
      %mul3A_98 = arith.constant 1.52587891E-5 : f32
      %mul3A_99 = vector.broadcast %mul3A_98 : f32 to vector<64xf32>
      %mul3A_100 = arith.mulf %get3A_97, %mul3A_99 : vector<64xf32>
      %swap3A_101 = arith.constant 0 : index
      %swap3A_102 = vector.load %arg7[%swap3A_101] : memref<64xf32, #tpu.memory_space<vmem>>, vector<64xf32>
      tpu.vector_store %arg7[%swap3A_101], %mul3A_100 {strides = array<i32>} : memref<64xf32, #tpu.memory_space<vmem>>, vector<64xf32>,
    } else {
    }
    return
  }
  func.func @transform_0(%arg0: i32) -> (i32, i32, i32) {
    %jit3A = arith.constant 2 : i32
    %div3A = arith.divsi %arg0, %jit3A : i32
    %sign3A = arith.constant 0 : i32
    %sign3A_0 = arith.cmpi sgt, %arg0, %sign3A : i32
    %sign3A_1 = arith.extui %sign3A_0 : i1 to i32
    %sign3A_2 = arith.constant 0 : i32
    %sign3A_3 = arith.cmpi slt, %arg0, %sign3A_2 : i32
    %sign3A_4 = arith.extui %sign3A_3 : i1 to i32
    %sign3A_5 = arith.subi %sign3A_1, %sign3A_4 : i32
    %sign3A_6 = arith.constant 0 : i32
    %sign3A_7 = arith.cmpi sgt, %jit3A, %sign3A_6 : i32
    %sign3A_8 = arith.extui %sign3A_7 : i1 to i32
    %sign3A_9 = arith.constant 0 : i32
    %sign3A_10 = arith.cmpi slt, %jit3A, %sign3A_9 : i32
    %sign3A_11 = arith.extui %sign3A_10 : i1 to i32
    %sign3A_12 = arith.subi %sign3A_8, %sign3A_11 : i32
    %ne3A = arith.cmpi ne, %sign3A_5, %sign3A_12 : i32
    %rem3A = arith.remsi %arg0, %jit3A : i32
    %ne3A_13 = arith.constant 0 : i32
    %ne3A_14 = arith.cmpi ne, %rem3A, %ne3A_13 : i32
    %and3A = arith.andi %ne3A, %ne3A_14 : i1
    %sub3A = arith.constant 1 : i32
    %sub3A_15 = arith.subi %div3A, %sub3A : i32
    %select_n3A = arith.select %and3A, %sub3A_15, %div3A : i32
    %jit3A_16 = arith.constant 2 : i32
    %eq3A = arith.constant 0 : i32
    %eq3A_17 = arith.cmpi eq, %jit3A_16, %eq3A : i32
    %jit3A_18 = arith.constant 1 : i32
    %select_n3A_19 = arith.select %eq3A_17, %jit3A_18, %jit3A_16 : i32
    %rem3A_20 = arith.remsi %arg0, %select_n3A_19 : i32
    %ne3A_21 = arith.constant 0 : i32
    %ne3A_22 = arith.cmpi ne, %rem3A_20, %ne3A_21 : i32
    %lt3A = arith.constant 0 : i32
    %lt3A_23 = arith.cmpi slt, %rem3A_20, %lt3A : i32
    %lt3A_24 = arith.constant 0 : i32
    %lt3A_25 = arith.cmpi slt, %select_n3A_19, %lt3A_24 : i32
    %ne3A_26 = arith.xori %lt3A_23, %lt3A_25 : i1
    %and3A_27 = arith.andi %ne3A_26, %ne3A_22 : i1
    %add3A = arith.addi %rem3A_20, %select_n3A_19 : i32
    %select_n3A_28 = arith.select %and3A_27, %add3A, %rem3A_20 : i32
    %c0_i32 = arith.constant 0 : i32
    %c0_i32_29 = arith.constant 0 : i32
    return %select_n3A, %select_n3A_28, %c0_i32 : i32, i32, i32
  }
  func.func @transform_1(%arg0: i32) -> (i32, i32) {
    %c0_i32 = arith.constant 0 : i32
    %c0_i32_0 = arith.constant 0 : i32
    %c0_i32_1 = arith.constant 0 : i32
    return %c0_i32, %c0_i32_0 : i32, i32
  }
  func.func @transform_2(%arg0: i32) -> (i32, i32, i32) {
    %jit3A = arith.constant 2 : i32
    %div3A = arith.divsi %arg0, %jit3A : i32
    %sign3A = arith.constant 0 : i32
    %sign3A_0 = arith.cmpi sgt, %arg0, %sign3A : i32
    %sign3A_1 = arith.extui %sign3A_0 : i1 to i32
    %sign3A_2 = arith.constant 0 : i32
    %sign3A_3 = arith.cmpi slt, %arg0, %sign3A_2 : i32
    %sign3A_4 = arith.extui %sign3A_3 : i1 to i32
    %sign3A_5 = arith.subi %sign3A_1, %sign3A_4 : i32
    %sign3A_6 = arith.constant 0 : i32
    %sign3A_7 = arith.cmpi sgt, %jit3A, %sign3A_6 : i32
    %sign3A_8 = arith.extui %sign3A_7 : i1 to i32
    %sign3A_9 = arith.constant 0 : i32
    %sign3A_10 = arith.cmpi slt, %jit3A, %sign3A_9 : i32
    %sign3A_11 = arith.extui %sign3A_10 : i1 to i32
    %sign3A_12 = arith.subi %sign3A_8, %sign3A_11 : i32
    %ne3A = arith.cmpi ne, %sign3A_5, %sign3A_12 : i32
    %rem3A = arith.remsi %arg0, %jit3A : i32
    %ne3A_13 = arith.constant 0 : i32
    %ne3A_14 = arith.cmpi ne, %rem3A, %ne3A_13 : i32
    %and3A = arith.andi %ne3A, %ne3A_14 : i1
    %sub3A = arith.constant 1 : i32
    %sub3A_15 = arith.subi %div3A, %sub3A : i32
    %select_n3A = arith.select %and3A, %sub3A_15, %div3A : i32
    %jit3A_16 = arith.constant 2 : i32
    %eq3A = arith.constant 0 : i32
    %eq3A_17 = arith.cmpi eq, %jit3A_16, %eq3A : i32
    %jit3A_18 = arith.constant 1 : i32
    %select_n3A_19 = arith.select %eq3A_17, %jit3A_18, %jit3A_16 : i32
    %rem3A_20 = arith.remsi %arg0, %select_n3A_19 : i32
    %ne3A_21 = arith.constant 0 : i32
    %ne3A_22 = arith.cmpi ne, %rem3A_20, %ne3A_21 : i32
    %lt3A = arith.constant 0 : i32
    %lt3A_23 = arith.cmpi slt, %rem3A_20, %lt3A : i32
    %lt3A_24 = arith.constant 0 : i32
    %lt3A_25 = arith.cmpi slt, %select_n3A_19, %lt3A_24 : i32
    %ne3A_26 = arith.xori %lt3A_23, %lt3A_25 : i1
    %and3A_27 = arith.andi %ne3A_26, %ne3A_22 : i1
    %add3A = arith.addi %rem3A_20, %select_n3A_19 : i32
    %select_n3A_28 = arith.select %and3A_27, %add3A, %rem3A_20 : i32
    %c0_i32 = arith.constant 0 : i32
    %c0_i32_29 = arith.constant 0 : i32
    return %select_n3A, %c0_i32, %select_n3A_28 : i32, i32, i32
  }
  func.func @transform_3(%arg0: i32) -> (i32, i32, i32) {
    %jit3A = arith.constant 2 : i32
    %div3A = arith.divsi %arg0, %jit3A : i32
    %sign3A = arith.constant 0 : i32
    %sign3A_0 = arith.cmpi sgt, %arg0, %sign3A : i32
    %sign3A_1 = arith.extui %sign3A_0 : i1 to i32
    %sign3A_2 = arith.constant 0 : i32
    %sign3A_3 = arith.cmpi slt, %arg0, %sign3A_2 : i32
    %sign3A_4 = arith.extui %sign3A_3 : i1 to i32
    %sign3A_5 = arith.subi %sign3A_1, %sign3A_4 : i32
    %sign3A_6 = arith.constant 0 : i32
    %sign3A_7 = arith.cmpi sgt, %jit3A, %sign3A_6 : i32
    %sign3A_8 = arith.extui %sign3A_7 : i1 to i32
    %sign3A_9 = arith.constant 0 : i32
    %sign3A_10 = arith.cmpi slt, %jit3A, %sign3A_9 : i32
    %sign3A_11 = arith.extui %sign3A_10 : i1 to i32
    %sign3A_12 = arith.subi %sign3A_8, %sign3A_11 : i32
    %ne3A = arith.cmpi ne, %sign3A_5, %sign3A_12 : i32
    %rem3A = arith.remsi %arg0, %jit3A : i32
    %ne3A_13 = arith.constant 0 : i32
    %ne3A_14 = arith.cmpi ne, %rem3A, %ne3A_13 : i32
    %and3A = arith.andi %ne3A, %ne3A_14 : i1
    %sub3A = arith.constant 1 : i32
    %sub3A_15 = arith.subi %div3A, %sub3A : i32
    %select_n3A = arith.select %and3A, %sub3A_15, %div3A : i32
    %jit3A_16 = arith.constant 2 : i32
    %eq3A = arith.constant 0 : i32
    %eq3A_17 = arith.cmpi eq, %jit3A_16, %eq3A : i32
    %jit3A_18 = arith.constant 1 : i32
    %select_n3A_19 = arith.select %eq3A_17, %jit3A_18, %jit3A_16 : i32
    %rem3A_20 = arith.remsi %arg0, %select_n3A_19 : i32
    %ne3A_21 = arith.constant 0 : i32
    %ne3A_22 = arith.cmpi ne, %rem3A_20, %ne3A_21 : i32
    %lt3A = arith.constant 0 : i32
    %lt3A_23 = arith.cmpi slt, %rem3A_20, %lt3A : i32
    %lt3A_24 = arith.constant 0 : i32
    %lt3A_25 = arith.cmpi slt, %select_n3A_19, %lt3A_24 : i32
    %ne3A_26 = arith.xori %lt3A_23, %lt3A_25 : i1
    %and3A_27 = arith.andi %ne3A_26, %ne3A_22 : i1
    %add3A = arith.addi %rem3A_20, %select_n3A_19 : i32
    %select_n3A_28 = arith.select %and3A_27, %add3A, %rem3A_20 : i32
    %c0_i32 = arith.constant 0 : i32
    %c0_i32_29 = arith.constant 0 : i32
    return %select_n3A, %c0_i32, %select_n3A_28 : i32, i32, i32
  }
  func.func @transform_4(%arg0: i32) -> (i32, i32, i32) {
    %jit3A = arith.constant 2 : i32
    %div3A = arith.divsi %arg0, %jit3A : i32
    %sign3A = arith.constant 0 : i32
    %sign3A_0 = arith.cmpi sgt, %arg0, %sign3A : i32
    %sign3A_1 = arith.extui %sign3A_0 : i1 to i32
    %sign3A_2 = arith.constant 0 : i32
    %sign3A_3 = arith.cmpi slt, %arg0, %sign3A_2 : i32
    %sign3A_4 = arith.extui %sign3A_3 : i1 to i32
    %sign3A_5 = arith.subi %sign3A_1, %sign3A_4 : i32
    %sign3A_6 = arith.constant 0 : i32
    %sign3A_7 = arith.cmpi sgt, %jit3A, %sign3A_6 : i32
    %sign3A_8 = arith.extui %sign3A_7 : i1 to i32
    %sign3A_9 = arith.constant 0 : i32
    %sign3A_10 = arith.cmpi slt, %jit3A, %sign3A_9 : i32
    %sign3A_11 = arith.extui %sign3A_10 : i1 to i32
    %sign3A_12 = arith.subi %sign3A_8, %sign3A_11 : i32
    %ne3A = arith.cmpi ne, %sign3A_5, %sign3A_12 : i32
    %rem3A = arith.remsi %arg0, %jit3A : i32
    %ne3A_13 = arith.constant 0 : i32
    %ne3A_14 = arith.cmpi ne, %rem3A, %ne3A_13 : i32
    %and3A = arith.andi %ne3A, %ne3A_14 : i1
    %sub3A = arith.constant 1 : i32
    %sub3A_15 = arith.subi %div3A, %sub3A : i32
    %select_n3A = arith.select %and3A, %sub3A_15, %div3A : i32
    %jit3A_16 = arith.constant 2 : i32
    %eq3A = arith.constant 0 : i32
    %eq3A_17 = arith.cmpi eq, %jit3A_16, %eq3A : i32
    %jit3A_18 = arith.constant 1 : i32
    %select_n3A_19 = arith.select %eq3A_17, %jit3A_18, %jit3A_16 : i32
    %rem3A_20 = arith.remsi %arg0, %select_n3A_19 : i32
    %ne3A_21 = arith.constant 0 : i32
    %ne3A_22 = arith.cmpi ne, %rem3A_20, %ne3A_21 : i32
    %lt3A = arith.constant 0 : i32
    %lt3A_23 = arith.cmpi slt, %rem3A_20, %lt3A : i32
    %lt3A_24 = arith.constant 0 : i32
    %lt3A_25 = arith.cmpi slt, %select_n3A_19, %lt3A_24 : i32
    %ne3A_26 = arith.xori %lt3A_23, %lt3A_25 : i1
    %and3A_27 = arith.andi %ne3A_26, %ne3A_22 : i1
    %add3A = arith.addi %rem3A_20, %select_n3A_19 : i32
    %select_n3A_28 = arith.select %and3A_27, %add3A, %rem3A_20 : i32
    %c0_i32 = arith.constant 0 : i32
    %c0_i32_29 = arith.constant 0 : i32
    return %select_n3A, %c0_i32, %select_n3A_28 : i32, i32, i32
  }
  func.func @transform_5(%arg0: i32) -> i32 {
    %c0_i32 = arith.constant 0 : i32
    %c0_i32_0 = arith.constant 0 : i32
    return %c0_i32 : i32
  }
  func.func @transform_6(%arg0: i32) -> i32 {
    %c0_i32 = arith.constant 0 : i32
    %c0_i32_0 = arith.constant 0 : i32
    return %c0_i32 : i32
  }
}

</mosaic_0001>

<sc_bundles>
// kernel: kernel.4.cloned.1.call-start
scs
__scs_entry_jumppad:
0x0: {  	(pc) =	sbr.rel $0x88, $3  }
0x1: {  	(tag) =	ssettag $0x0;
	lr =	simm.s32 $0x1  }
0x2: {  	[smem:$0x3F9F] =	sst lr;
	_ =	strace $0xD0000000  }
0x3: {  	_ = 	snop  }
0x4: {  	_ = 	snop  }
0x5: {  	_ = 	snop  }
0x6: {  	_ = 	snop  }
0x7: {  	_ = 	snop  }
__scs_overlays_trampoline_lowered:
0x8: {  	[smem:$0x3FAE] =	sst s0  }
0x9: {  	[smem:$0x3FAF] =	sst s1  }
0xa: {  	[smem:$0x3FB0] =	sst s2  }
0xb: {  	[smem:$0x3FB1] =	sst s3  }
0xc: {  	[smem:$0x3FB2] =	sst s4  }
0xd: {  	[smem:$0x3FB3] =	sst s5  }
0xe: {  	[smem:$0x3FB4] =	sst s6  }
0xf: {  	[smem:$0x3FB5] =	sst s7  }
0x10: {  	[smem:$0x3FB6] =	sst s8  }
0x11: {  	[smem:$0x3FB7] =	sst s9;
	s0 =	simm.s32 @!p0 $0x0  }
0x12: {  	s1 =	sld [smem:$0x3F9D];
	s0 =	simm.s32 @p0 $0x1  }
0x13: {  	[smem:$0x3FB8] =	sst s0;
	s0 =	simm.s32 @!p1 $0x0  }
0x14: {  	s2 =	sld [smem:$0x3F9C];
	s0 =	simm.s32 @p1 $0x1  }
0x15: {  	[smem:$0x3FB9] =	sst s0;
	s0 =	simm.s32 @!p2 $0x0  }
0x16: {  	s3 =	sld [smem:$0x3FDB];
	s0 =	simm.s32 @p2 $0x1  }
0x17: {  	s4 =	simm.s32 $0x1BF5;
	[smem:$0x3FBB] =	sst s0  }
0x18: {  	s0 =	sld [smem:$0x3F9E];
	_ =	swait.ge [sflag:s4], $0x0  }
0x19: {  	s7 =	sld [smem:$0x3F9F]  }
0x1a: {  	s8 =	sadd.s32 $0xFFFFE003, lr  }
0x1b: {  	s9 =	sadd.s32 $0xFFFFFEF7, lr;
	s5 =	simm.s32 $0xFFFFFFFF;
	p2 =	slt.u32 s8, $0xFFFFF086  }
0x1c: {  	p1 =	slt.u32 s9, $0xF7A;
	s5 =	simm.s32 @!p2 $0x0  }
0x1d: {  	s5 =	simm.s32 @p1 $0x1;
	p0 =	seq.s32 s7, s2  }
0x1e: {  	s7 =	smul.u32 @!p0 $0xF7A, s2;
	p2 =	seq.s32 @!p0 s5, $0x0  }
0x1f: {  	s9 =	smul.u32 $0xF7A, s1;
	s8 =	simm.s32 @!p0 $0x1BF5;
	p2 =	por !p2, p0  }
0x20: {  	[sflag:s8] =	ssyncset.s32 @!p0 $0xFFFFF086;
	s6 =	sadd.s32 @!p0 s3, s7;
	s7 =	simm.s32 @!p0 $0x108  }
0x21: {  	s3 =	sadd.s32 s3, s9;
	s6 =	sadd.s32 @!p0 $0x88, s6;
	s7 =	simm.s32 @p2 $0x1082  }
0x22: {  	[simem:s7], [sflag:s8] =	dma.local @!p0 [hbm:s6], $0xF7A  }
0x23: {  	s9 =	sor.u32 $0xD0000000, s2;
	s6 =	simm.s32 $0x108;
	_ =	swait.ge @!p0 [sflag:s8], $0x0  }
0x24: {  	s3 =	sadd.s32 $0x88, s3;
	s6 =	simm.s32 @!p1 $0x1082;
	[sflag:s4] =	ssyncset.s32 $0xFFFFF086  }
0x25: {  	[simem:s6], [sflag:s4] =	dma.local [hbm:s3], $0xF7A  }
0x26: {  	[smem:$0x3F9F] =	sst s1;
	(tag) =	ssettag s2;
	_ =	strace s9  }
0x27: {  	s1 =	sld [smem:$0x3FAF]  }
0x28: {  	s2 =	sld [smem:$0x3FB0]  }
0x29: {  	s4 =	sld [smem:$0x3FB2]  }
0x2a: {  	p0 =	seq.s32 s5, $0x0;
	s5 =	sld [smem:$0x3FB3]  }
0x2b: {  	s6 =	sld [smem:$0x3FB4]  }
0x2c: {  	s7 =	sld [smem:$0x3FB5]  }
0x2d: {  	s3 =	simm.s32 $0x108;
	s8 =	sld [smem:$0x3FB6]  }
0x2e: {  	s3 =	simm.s32 @!p0 $0x1082;
	s9 =	sld [smem:$0x3FB7]  }
0x2f: {  	lr =	sadd.s32 s0, s3;
	s0 =	sld [smem:$0x3FAE]  }
0x30: {  	s3 =	sld [smem:$0x3FB1]  }
0x31: {  	[smem:$0x3FBA] =	sst s10  }
0x32: {  	s10 =	sld [smem:$0x3FB8];
	_ =	sdelay $0x3  }
0x33: {  	p0 =	seq.s32 s10, $0x1;
	s10 =	sld [smem:$0x3FBA];
	_ =	sdelay $0x3  }
0x34: {  	[smem:$0x3FBA] =	sst s10  }
0x35: {  	s10 =	sld [smem:$0x3FB9];
	_ =	sdelay $0x3  }
0x36: {  	p1 =	seq.s32 s10, $0x1;
	s10 =	sld [smem:$0x3FBA];
	_ =	sdelay $0x3  }
0x37: {  	[smem:$0x3FBA] =	sst s10  }
0x38: {  	s10 =	sld [smem:$0x3FBB]  }
0x39: {  	_ = 	snop;
	(pc) =	sbr.ind lr, $3  }
0x3a: {  	_ = 	snop  }
0x3b: {  	_ = 	snop  }
0x3c: {  	p2 =	seq.s32 s10, $0x1;
	s10 =	sld [smem:$0x3FBA]  }
0x3d: {  	_ =	shalt  }
0x3e: {  	_ =	shalt  }
0x3f: {  	_ =	shalt  }
0x40: {  	_ =	shalt  }
0x41: {  	_ =	shalt  }
0x42: {  	_ =	shalt  }
0x43: {  	_ =	shalt  }
0x44: {  	_ =	shalt  }
0x45: {  	_ =	shalt  }
0x46: {  	_ =	shalt  }
0x47: {  	_ =	shalt  }
0x48: {  	_ =	shalt  }
0x49: {  	_ =	shalt  }
0x4a: {  	_ =	shalt  }
0x4b: {  	_ =	shalt  }
0x4c: {  	_ =	shalt  }
0x4d: {  	_ =	shalt  }
0x4e: {  	_ =	shalt  }
0x4f: {  	_ =	shalt  }
0x50: {  	_ =	shalt  }
0x51: {  	_ =	shalt  }
0x52: {  	_ =	shalt  }
0x53: {  	_ =	shalt  }
0x54: {  	_ =	shalt  }
0x55: {  	_ =	shalt  }
0x56: {  	_ =	shalt  }
0x57: {  	_ =	shalt  }
0x58: {  	_ =	shalt  }
0x59: {  	_ =	shalt  }
0x5a: {  	_ =	shalt  }
0x5b: {  	_ =	shalt  }
0x5c: {  	_ =	shalt  }
0x5d: {  	_ =	shalt  }
0x5e: {  	_ =	shalt  }
0x5f: {  	_ =	shalt  }
0x60: {  	_ =	shalt  }
0x61: {  	_ =	shalt  }
0x62: {  	_ =	shalt  }
0x63: {  	_ =	shalt  }
0x64: {  	_ =	shalt  }
0x65: {  	_ =	shalt  }
0x66: {  	_ =	shalt  }
0x67: {  	_ =	shalt  }
0x68: {  	_ =	shalt  }
0x69: {  	_ =	shalt  }
0x6a: {  	_ =	shalt  }
0x6b: {  	_ =	shalt  }
0x6c: {  	_ =	shalt  }
0x6d: {  	_ =	shalt  }
0x6e: {  	_ =	shalt  }
0x6f: {  	_ =	shalt  }
0x70: {  	_ =	shalt  }
0x71: {  	_ =	shalt  }
0x72: {  	_ =	shalt  }
0x73: {  	_ =	shalt  }
0x74: {  	_ =	shalt  }
0x75: {  	_ =	shalt  }
0x76: {  	_ =	shalt  }
0x77: {  	_ =	shalt  }
0x78: {  	_ =	shalt  }
0x79: {  	_ =	shalt  }
0x7a: {  	_ =	shalt  }
0x7b: {  	_ =	shalt  }
0x7c: {  	_ =	shalt  }
0x7d: {  	_ =	shalt  }
0x7e: {  	_ =	shalt  }
0x7f: {  	_ =	shalt  }
0x80: {  	_ =	shalt  }
0x81: {  	_ =	shalt  }
0x82: {  	_ =	shalt  }
0x83: {  	_ =	shalt  }
0x84: {  	_ =	shalt  }
0x85: {  	_ =	shalt  }
0x86: {  	_ =	shalt  }
0x87: {  	_ =	shalt  }
.Lfunc_end0:
.L_simem_size_0:
called_computation_lowered:
.L_overlay_start_0:
0x88: {  	s2 =	sld [smem:$0x3FD9]  }
0x89: {  	s3 =	sld [smem:$0x3FFE];
	_ =	sdelay $0x1  }
0x8a: {  	s1 =	srdreg.scid  }
0x8b: {  	s0 =	sand.u32 $0x1, s1  }
0x8c: {  	s16 =	sshll.u32 s0, $0xA;
	s2 =	sadd.s32 s3, s2  }
0x8d: {  	s2 =	sadd.s32 s2, s16  }
0x8e: {  	[smem:$0x3FC6] =	sst s2  }
0x8f: {  	_ = 	snop  }
0x90: {  	(tm) =	ssettm $0x1  }
0x91: {  	s17 =	sld [smem:$0x3FFB];
	_ =	sdelay $0x3  }
0x92: {  	_ =	strace s17  }
0x93: {  	s2 =	sld [smem:$0x3FFC];
	_ =	sdelay $0x3  }
0x94: {  	_ =	strace s2  }
0x95: {  	s2 =	sld [smem:$0x3FFD];
	_ =	sdelay $0x3  }
0x96: {  	_ =	strace s2  }
0x97: {  	_ =	strace $0x8FFFFFFF  }
0x98: {  	s18 =	sld [smem:$0x3FDB];
	_ =	sdelay $0x1  }
0x99: {  	s19 =	simm.s32 $_scs_section_size  }
0x9a: {  	s4 =	simm.s32 $_size__tile_overlayer_lowered;
	s5 =	simm.s32 $_tile_overlayer_lowered  }
0x9b: {  	s22 =	simm.s32 $0x1BFF;
	s21 =	sshll.u32 s5, $0x1;
	s2 =	sadd.s32 s19, s18  }
0x9c: {  	s6 =	simm.s32 $0x0;
	s20 =	sshll.u32 s4, $0x1;
	s4 =	sadd.s32 s21, s2  }
0x9d: {  	[timem:s6], [sflag:s22] =	dma.local [hbm:s4], s20  }
0x9e: {  	_ =	swait.ge [sflag:s22], s20  }
0x9f: {  	s3 =	ssub.s32 $0x0, s20;
	[sflag:s22] =	ssyncset.done $0x0  }
0xa0: {  	[sflag:s22] =	ssyncadd.s32 s3;
	_ =	sdelay $0x1  }
0xa1: {  	s23 =	simm.s32 $0x1B8B  }
0xa2: {  	_ =	swait.ge [sflag:s23], $0x1  }
0xa3: {  	[sflag:s23] =	ssyncset.done $0x0  }
0xa4: {  	s25 =	simm.s32 $0x1B8E;
	s24 =	sld [smem:$0x3FFE];
	[sflag:s23] =	ssyncadd.s32 $0xFFFFFFFF  }
0xa5: {  	s26 =	simm.s32 $execute0_lowered;
	[smem:$0x3FD2] =	sst s25  }
0xa6: {  	s4 =	sshll.u32 s26, $0x1;
	_ =	strace $0x80000046;
	[dreg:$0x1] =	wrdreg $0xFFFFFFFF  }
0xa7: {  	s28 =	simm.s32 $_size_execute0_lowered;
	s2 =	sadd.s32 s2, s4;
	[dreg:$0x0] =	wrdreg $0x0  }
0xa8: {  	s4 =	sshll.u32 s28, $0x1;
	[dreg:$0x2] =	wrdreg s2  }
0xa9: {  	[dreg:$0x3] =	wrdreg s4  }
0xaa: {  	[dreg:$0x4] =	wrdreg $0xC0  }
0xab: {  	_ =	task [dreg:s6], $0x5FFFF  }
0xac: {  	[dreg:$0x1] =	wrdreg $0xFFFFFFFF  }
0xad: {  	[dreg:$0x0] =	wrdreg $0x60  }
0xae: {  	[dreg:$0x2] =	wrdreg s24  }
0xaf: {  	[dreg:$0x3] =	wrdreg $0x122000  }
0xb0: {  	[dreg:$0x4] =	wrdreg $0x142000  }
0xb1: {  	[dreg:$0x5] =	wrdreg $0x9  }
0xb2: {  	_ =	task.clear_ibuf [dreg:s6], $0x6FFFF;
	_ =	strace $0x90000046  }
0xb3: {  	s29 =	simm.s32 $0x9;
	_ =	strace $0x80000048  }
0xb4: {  	_ =	swait.ge [sflag:s29], $0x1  }
0xb5: {  	[sflag:s29] =	ssyncadd.s32 $0xFFFFFFFF  }
0xb6: {  	_ =	strace $0x90000048  }
0xb7: {  	_ =	sfence  }
0xb8: {  	s30 =	sld [smem:$0x0];
	_ =	sdelay $0x2  }
0xb9: {  	s31 =	sshll.u32 s1, $0xD;
	s1 =	sshrl.u32 s1, $0x2  }
0xba: {  	s3 =	sand.u32 $0x4000, s31;
	s1 =	sadd.s32 s1, s30  }
0xbb: {  	s0 =	sor.u32 s3, s0;
	s1 =	sshll.u32 s1, $0x11  }
0xbc: {  	s0 =	sor.u32 s1, s0  }
0xbd: {  	s0 =	sadd.s32 $0x8F2B, s0  }
0xbe: {  	[sflag:s0] =	ssyncadd.remote.s32 $0x1  }
0xbf: {  	_ =	sfence.sel $0xFFFF  }
0xc0: {  	[dreg:$0x0] =	wrdreg $0xFFFFFFFF;
	(pc) =	sbr.abs _section_cstart, $3  }
0xc1: {  	[dreg:$0x1] =	wrdreg $0xFFFFFFFF  }
0xc2: {  	_ =	task.clear_ibuf [dreg:s6], $0x2FFFF;
	_ =	strace $0x9FFFFFFF  }
0xc3: {  	(tm) =	ssettm $0x7FFFFFFF  }
tec
execute0_lowered:
.L_overlay_start_1:
0x0: {  	(tag) =	ssettag $0x1  }
0x1: {  	s13 =	rddreg [dreg:$0x0]  }
0x2: {  	s1 =	rddreg [dreg:$0x1]  }
0x3: {  	s2 =	rddreg [dreg:$0x2]  }
0x4: {  	s0 =	rddreg [dreg:$0x3]  }
0x5: {  	s4 =	srdreg.scid;
	s3 =	simm.s32 $0x0;
	s16 =	stileid.u32  }
0x6: {  	s18 =	simm.s32 $0x200;
	s7 =	sand.u32 $0x1, s4;
	[smem:$0x7FF] =	sst s3  }
0x7: {  	s30 =	sshll.u32 s16, $0x9;
	s6 =	sadd.s32 $0x400, s13;
	s9 =	sshll.u32 s16, $0xD  }
0x8: {  	s17 =	sshll.u32 s16, $0x6;
	s12 =	sadd.s32 $0x10000, s1;
	p0 =	sne.s32 s16, $0x0  }
0x9: {  	s16 =	simm.s32 $0x10200;
	s5 =	sshll.u32 s7, $0x8;
	_ =	strace $0x80000047  }
0xa: {  	s8 =	sshll.u32 s7, $0xA;
	s7 =	ssub.s32 $0x2, s7;
	v0 =	vmov s17;
	s17 =	simm.s32 $0x1  }
0xb: {  	s4 =	sor.u32 s5, s30;
	s5 =	sadd.s32 $0x2600, s13;
	s14 =	sadd.s32 s8, s13  }
0xc: {  	s31 =	sshrl.u32 s7, $0x1;
	s11 =	sadd.s32 s4, s13;
	s4 =	sadd.s32 $0x2A00, s13  }
0xd: {  	s15 =	ssub.s32 s7, s31;
	s7 =	sadd.s32 s9, s1;
	s13 =	sadd.s32 $0x440, s13  }
0xe: {  	s14 =	sadd.s32 $0x4A00, s14;
	s8 =	sadd.s32 $0x600, s11;
	s9 =	sadd.s32 $0x640, s11  }
0xf: {  	s10 =	sadd.s32 $0x680, s11;
	s11 =	sadd.s32 $0x6C0, s11;
	s15 =	smax.u32 s15, $0x1  }
.LBB2_1:
0x10: {  	[tilespmem:s16], [sflag:$0x1] =	stream.linear.gather [hbm4b:s5+s3], $0x2000, $0x38;
	[tilespmem:$0x14400] =	vst v63  }
0x11: {  	_ =	swait.ge [sflag:s17], $0x2000  }
0x12: {  	[sflag:s17] =	ssyncset.done $0x0  }
0x13: {  	[sflag:s17] =	ssyncadd.s32 $0xFFFFE000  }
0x14: {  	[spmem:s7] =	stream.linear.scatter [tilespmem:s16], [sflag:$0x1], $0x2000, $0x38;
	[tilespmem:$0x14400] =	vst v63  }
0x15: {  	_ =	swait.ge [sflag:s17], $0x2000  }
0x16: {  	[sflag:s17] =	ssyncset.done $0x0  }
0x17: {  	s20 =	simm.s32 @!p0 $0x10200;
	s19 =	simm.s32 @!p0 $0x1;
	[sflag:s17] =	ssyncadd.s32 $0xFFFFE000  }
0x18: {  	[spmem:s2] =	stream.linear.scatter @!p0 [tilespmem:s20], [sflag:$0x1], $0x2000, $0x38;
	[tilespmem:$0x14400] =	vst v63  }
0x19: {  	_ =	swait.ge @!p0 [sflag:s19], $0x2000  }
0x1a: {  	[sflag:s19] =	ssyncset.done @!p0 $0x0  }
0x1b: {  	[sflag:s19] =	ssyncadd.s32 @!p0 $0xFFFFE000  }
0x1c: {  	[tilespmem:s18], [sflag:$0x1] =	stream.linear.gather [hbm4b:s4+s3], $0x10000, $0x38;
	[tilespmem:$0x14400] =	vst v63  }
0x1d: {  	_ =	swait.ge [sflag:s17], $0x10000  }
0x1e: {  	[sflag:s17] =	ssyncset.done $0x0  }
0x1f: {  	[sflag:s17] =	ssyncadd.s32 $0xFFFF0000  }
0x20: {  	[bflag:$0x0] =	sbarrier.arrive $0xFFFF  }
0x21: {  	[tilespmem:s3], [sflag:$0x1] =	stream.linear.gather [hbm4b:s8+s3], $0x200, $0x38;
	[tilespmem:$0x14400] =	vst v63  }
0x22: {  	_ =	swait.ge [sflag:s17], $0x200  }
0x23: {  	[sflag:s17] =	ssyncset.done $0x0  }
0x24: {  	[sflag:s17] =	ssyncadd.s32 $0xFFFFFE00  }
0x25: {  	v1 =	vld [tilespmem:$0x0]  }
0x26: {  	v2 =	vld [tilespmem:$0x10]  }
0x27: {  	v3 =	vld [tilespmem:$0x20]  }
0x28: {  	v4 =	vld [tilespmem:$0x30]  }
0x29: {  	v5 =	vld [tilespmem:$0x40]  }
0x2a: {  	v6 =	vld [tilespmem:$0x50];
	v1 =	vadd.s32 v0, v1  }
0x2b: {  	[tilespmem:$0x0] =	vst v1;
	v1 =	vadd.s32 v0, v2;
	v2 =	vld [tilespmem:$0x60]  }
0x2c: {  	[tilespmem:$0x10] =	vst v1;
	v1 =	vadd.s32 v0, v3;
	v3 =	vld [tilespmem:$0x70]  }
0x2d: {  	v50 =	vld [tilespmem:$0x80];
	[tilespmem:$0x20] =	vst v1;
	v1 =	vadd.s32 v0, v4  }
0x2e: {  	v51 =	vld [tilespmem:$0x90];
	[tilespmem:$0x30] =	vst v1;
	v1 =	vadd.s32 v0, v5  }
0x2f: {  	v52 =	vld [tilespmem:$0xA0];
	[tilespmem:$0x40] =	vst v1;
	v1 =	vadd.s32 v0, v6  }
0x30: {  	[tilespmem:$0x50] =	vst v1;
	v1 =	vadd.s32 v0, v2;
	v2 =	vld [tilespmem:$0xB0]  }
0x31: {  	[tilespmem:$0x60] =	vst v1;
	v1 =	vadd.s32 v0, v3;
	v3 =	vld [tilespmem:$0xC0]  }
0x32: {  	v53 =	vld [tilespmem:$0xD0];
	[tilespmem:$0x70] =	vst v1;
	v1 =	vadd.s32 v0, v50  }
0x33: {  	v54 =	vld [tilespmem:$0xE0];
	[tilespmem:$0x80] =	vst v1;
	v1 =	vadd.s32 v0, v51  }
0x34: {  	v55 =	vld [tilespmem:$0xF0];
	[tilespmem:$0x90] =	vst v1;
	v1 =	vadd.s32 v0, v52  }
0x35: {  	[tilespmem:$0xA0] =	vst v1;
	v1 =	vadd.s32 v0, v2;
	v2 =	vld [tilespmem:$0x100]  }
0x36: {  	[tilespmem:$0xB0] =	vst v1;
	v1 =	vadd.s32 v0, v3;
	v3 =	vld [tilespmem:$0x110]  }
0x37: {  	v56 =	vld [tilespmem:$0x120];
	[tilespmem:$0xC0] =	vst v1;
	v1 =	vadd.s32 v0, v53  }
0x38: {  	v57 =	vld [tilespmem:$0x130];
	[tilespmem:$0xD0] =	vst v1;
	v1 =	vadd.s32 v0, v54  }
0x39: {  	v58 =	vld [tilespmem:$0x140];
	[tilespmem:$0xE0] =	vst v1;
	v1 =	vadd.s32 v0, v55  }
0x3a: {  	[tilespmem:$0xF0] =	vst v1;
	v1 =	vadd.s32 v0, v2;
	v2 =	vld [tilespmem:$0x150]  }
0x3b: {  	[tilespmem:$0x100] =	vst v1;
	v1 =	vadd.s32 v0, v3;
	v3 =	vld [tilespmem:$0x160]  }
0x3c: {  	v59 =	vld [tilespmem:$0x170];
	[tilespmem:$0x110] =	vst v1;
	v1 =	vadd.s32 v0, v56  }
0x3d: {  	v60 =	vld [tilespmem:$0x180];
	[tilespmem:$0x120] =	vst v1;
	v1 =	vadd.s32 v0, v57  }
0x3e: {  	v61 =	vld [tilespmem:$0x190];
	[tilespmem:$0x130] =	vst v1;
	v1 =	vadd.s32 v0, v58  }
0x3f: {  	[tilespmem:$0x140] =	vst v1;
	v1 =	vadd.s32 v0, v2;
	v2 =	vld [tilespmem:$0x1A0]  }
0x40: {  	[tilespmem:$0x150] =	vst v1;
	v1 =	vadd.s32 v0, v3;
	v3 =	vld [tilespmem:$0x1B0]  }
0x41: {  	v62 =	vld [tilespmem:$0x1C0];
	[tilespmem:$0x160] =	vst v1;
	v1 =	vadd.s32 v0, v59  }
0x42: {  	v63 =	vld [tilespmem:$0x1D0];
	[tilespmem:$0x170] =	vst v1;
	v1 =	vadd.s32 v0, v60  }
0x43: {  	v9 =	vld [tilespmem:$0x1E0];
	[tilespmem:$0x180] =	vst v1;
	v1 =	vadd.s32 v0, v61  }
0x44: {  	[tilespmem:$0x190] =	vst v1;
	v1 =	vadd.s32 v0, v2;
	v2 =	vld [tilespmem:$0x1F0]  }
0x45: {  	[tilespmem:$0x1A0] =	vst v1;
	v1 =	vadd.s32 v0, v3  }
0x46: {  	[tilespmem:$0x1B0] =	vst v1;
	v1 =	vadd.s32 v0, v62  }
0x47: {  	[tilespmem:$0x1C0] =	vst v1;
	v1 =	vadd.s32 v0, v63  }
0x48: {  	[tilespmem:$0x1D0] =	vst v1;
	v1 =	vadd.s32 v0, v9  }
0x49: {  	[tilespmem:$0x1E0] =	vst v1;
	v1 =	vadd.s32 v0, v2  }
0x4a: {  	[tilespmem:$0x1F0] =	vst v1  }
0x4b: {  	[spmem:s1] =	stream.indirect.scatter.add.f32 [tilespmem:s18], [sflag:$0x1], $0x80, s3, s18, $0xb8;
	[tilespmem:$0x14400] =	vst v63  }
0x4c: {  	_ =	swait.ge [sflag:s17], $0x10000  }
0x4d: {  	[sflag:s17] =	ssyncset.done $0x0  }
0x4e: {  	[sflag:s17] =	ssyncadd.s32 $0xFFFF0000  }
0x4f: {  	[tilespmem:s3], [sflag:$0x1] =	stream.linear.gather [hbm4b:s9+s3], $0x200, $0x38;
	[tilespmem:$0x14400] =	vst v63  }
0x50: {  	_ =	swait.ge [sflag:s17], $0x200  }
0x51: {  	[sflag:s17] =	ssyncset.done $0x0  }
0x52: {  	[sflag:s17] =	ssyncadd.s32 $0xFFFFFE00  }
0x53: {  	v1 =	vld [tilespmem:$0x0]  }
0x54: {  	v2 =	vld [tilespmem:$0x10]  }
0x55: {  	v3 =	vld [tilespmem:$0x20]  }
0x56: {  	v10 =	vld [tilespmem:$0x30]  }
0x57: {  	v11 =	vld [tilespmem:$0x40]  }
0x58: {  	v12 =	vld [tilespmem:$0x50];
	v1 =	vadd.s32 v0, v1  }
0x59: {  	[tilespmem:$0x0] =	vst v1;
	v1 =	vadd.s32 v0, v2;
	v2 =	vld [tilespmem:$0x60]  }
0x5a: {  	[tilespmem:$0x10] =	vst v1;
	v1 =	vadd.s32 v0, v3;
	v3 =	vld [tilespmem:$0x70]  }
0x5b: {  	v13 =	vld [tilespmem:$0x80];
	[tilespmem:$0x20] =	vst v1;
	v1 =	vadd.s32 v0, v10  }
0x5c: {  	v14 =	vld [tilespmem:$0x90];
	[tilespmem:$0x30] =	vst v1;
	v1 =	vadd.s32 v0, v11  }
0x5d: {  	v15 =	vld [tilespmem:$0xA0];
	[tilespmem:$0x40] =	vst v1;
	v1 =	vadd.s32 v0, v12  }
0x5e: {  	[tilespmem:$0x50] =	vst v1;
	v1 =	vadd.s32 v0, v2;
	v2 =	vld [tilespmem:$0xB0]  }
0x5f: {  	[tilespmem:$0x60] =	vst v1;
	v1 =	vadd.s32 v0, v3;
	v3 =	vld [tilespmem:$0xC0]  }
0x60: {  	v16 =	vld [tilespmem:$0xD0];
	[tilespmem:$0x70] =	vst v1;
	v1 =	vadd.s32 v0, v13  }
0x61: {  	v17 =	vld [tilespmem:$0xE0];
	[tilespmem:$0x80] =	vst v1;
	v1 =	vadd.s32 v0, v14  }
0x62: {  	v18 =	vld [tilespmem:$0xF0];
	[tilespmem:$0x90] =	vst v1;
	v1 =	vadd.s32 v0, v15  }
0x63: {  	[tilespmem:$0xA0] =	vst v1;
	v1 =	vadd.s32 v0, v2;
	v2 =	vld [tilespmem:$0x100]  }
0x64: {  	[tilespmem:$0xB0] =	vst v1;
	v1 =	vadd.s32 v0, v3;
	v3 =	vld [tilespmem:$0x110]  }
0x65: {  	v19 =	vld [tilespmem:$0x120];
	[tilespmem:$0xC0] =	vst v1;
	v1 =	vadd.s32 v0, v16  }
0x66: {  	v20 =	vld [tilespmem:$0x130];
	[tilespmem:$0xD0] =	vst v1;
	v1 =	vadd.s32 v0, v17  }
0x67: {  	v21 =	vld [tilespmem:$0x140];
	[tilespmem:$0xE0] =	vst v1;
	v1 =	vadd.s32 v0, v18  }
0x68: {  	[tilespmem:$0xF0] =	vst v1;
	v1 =	vadd.s32 v0, v2;
	v2 =	vld [tilespmem:$0x150]  }
0x69: {  	[tilespmem:$0x100] =	vst v1;
	v1 =	vadd.s32 v0, v3;
	v3 =	vld [tilespmem:$0x160]  }
0x6a: {  	v22 =	vld [tilespmem:$0x170];
	[tilespmem:$0x110] =	vst v1;
	v1 =	vadd.s32 v0, v19  }
0x6b: {  	v23 =	vld [tilespmem:$0x180];
	[tilespmem:$0x120] =	vst v1;
	v1 =	vadd.s32 v0, v20  }
0x6c: {  	v24 =	vld [tilespmem:$0x190];
	[tilespmem:$0x130] =	vst v1;
	v1 =	vadd.s32 v0, v21  }
0x6d: {  	[tilespmem:$0x140] =	vst v1;
	v1 =	vadd.s32 v0, v2;
	v2 =	vld [tilespmem:$0x1A0]  }
0x6e: {  	[tilespmem:$0x150] =	vst v1;
	v1 =	vadd.s32 v0, v3;
	v3 =	vld [tilespmem:$0x1B0]  }
0x6f: {  	v25 =	vld [tilespmem:$0x1C0];
	[tilespmem:$0x160] =	vst v1;
	v1 =	vadd.s32 v0, v22  }
0x70: {  	v26 =	vld [tilespmem:$0x1D0];
	[tilespmem:$0x170] =	vst v1;
	v1 =	vadd.s32 v0, v23  }
0x71: {  	v27 =	vld [tilespmem:$0x1E0];
	[tilespmem:$0x180] =	vst v1;
	v1 =	vadd.s32 v0, v24  }
0x72: {  	[tilespmem:$0x190] =	vst v1;
	v1 =	vadd.s32 v0, v2;
	v2 =	vld [tilespmem:$0x1F0]  }
0x73: {  	[tilespmem:$0x1A0] =	vst v1;
	v1 =	vadd.s32 v0, v3  }
0x74: {  	[tilespmem:$0x1B0] =	vst v1;
	v1 =	vadd.s32 v0, v25  }
0x75: {  	[tilespmem:$0x1C0] =	vst v1;
	v1 =	vadd.s32 v0, v26  }
0x76: {  	[tilespmem:$0x1D0] =	vst v1;
	v1 =	vadd.s32 v0, v27  }
0x77: {  	[tilespmem:$0x1E0] =	vst v1;
	v1 =	vadd.s32 v0, v2  }
0x78: {  	[tilespmem:$0x1F0] =	vst v1  }
0x79: {  	[spmem:s1] =	stream.indirect.scatter.add.f32 [tilespmem:s18], [sflag:$0x1], $0x80, s3, s18, $0xb8;
	[tilespmem:$0x14400] =	vst v63  }
0x7a: {  	_ =	swait.ge [sflag:s17], $0x10000  }
0x7b: {  	[sflag:s17] =	ssyncset.done $0x0  }
0x7c: {  	[sflag:s17] =	ssyncadd.s32 $0xFFFF0000  }
0x7d: {  	[tilespmem:s3], [sflag:$0x1] =	stream.linear.gather [hbm4b:s10+s3], $0x200, $0x38;
	[tilespmem:$0x14400] =	vst v63  }
0x7e: {  	_ =	swait.ge [sflag:s17], $0x200  }
0x7f: {  	[sflag:s17] =	ssyncset.done $0x0  }
0x80: {  	[sflag:s17] =	ssyncadd.s32 $0xFFFFFE00  }
0x81: {  	v1 =	vld [tilespmem:$0x0]  }
0x82: {  	v2 =	vld [tilespmem:$0x10]  }
0x83: {  	v3 =	vld [tilespmem:$0x20]  }
0x84: {  	v28 =	vld [tilespmem:$0x30]  }
0x85: {  	v29 =	vld [tilespmem:$0x40]  }
0x86: {  	v30 =	vld [tilespmem:$0x50];
	v1 =	vadd.s32 v0, v1  }
0x87: {  	[tilespmem:$0x0] =	vst v1;
	v1 =	vadd.s32 v0, v2;
	v2 =	vld [tilespmem:$0x60]  }
0x88: {  	[tilespmem:$0x10] =	vst v1;
	v1 =	vadd.s32 v0, v3;
	v3 =	vld [tilespmem:$0x70]  }
0x89: {  	v31 =	vld [tilespmem:$0x80];
	[tilespmem:$0x20] =	vst v1;
	v1 =	vadd.s32 v0, v28  }
0x8a: {  	v32 =	vld [tilespmem:$0x90];
	[tilespmem:$0x30] =	vst v1;
	v1 =	vadd.s32 v0, v29  }
0x8b: {  	v33 =	vld [tilespmem:$0xA0];
	[tilespmem:$0x40] =	vst v1;
	v1 =	vadd.s32 v0, v30  }
0x8c: {  	[tilespmem:$0x50] =	vst v1;
	v1 =	vadd.s32 v0, v2;
	v2 =	vld [tilespmem:$0xB0]  }
0x8d: {  	[tilespmem:$0x60] =	vst v1;
	v1 =	vadd.s32 v0, v3;
	v3 =	vld [tilespmem:$0xC0]  }
0x8e: {  	v34 =	vld [tilespmem:$0xD0];
	[tilespmem:$0x70] =	vst v1;
	v1 =	vadd.s32 v0, v31  }
0x8f: {  	v35 =	vld [tilespmem:$0xE0];
	[tilespmem:$0x80] =	vst v1;
	v1 =	vadd.s32 v0, v32  }
0x90: {  	v36 =	vld [tilespmem:$0xF0];
	[tilespmem:$0x90] =	vst v1;
	v1 =	vadd.s32 v0, v33  }
0x91: {  	[tilespmem:$0xA0] =	vst v1;
	v1 =	vadd.s32 v0, v2;
	v2 =	vld [tilespmem:$0x100]  }
0x92: {  	[tilespmem:$0xB0] =	vst v1;
	v1 =	vadd.s32 v0, v3;
	v3 =	vld [tilespmem:$0x110]  }
0x93: {  	v37 =	vld [tilespmem:$0x120];
	[tilespmem:$0xC0] =	vst v1;
	v1 =	vadd.s32 v0, v34  }
0x94: {  	v38 =	vld [tilespmem:$0x130];
	[tilespmem:$0xD0] =	vst v1;
	v1 =	vadd.s32 v0, v35  }
0x95: {  	v39 =	vld [tilespmem:$0x140];
	[tilespmem:$0xE0] =	vst v1;
	v1 =	vadd.s32 v0, v36  }
0x96: {  	[tilespmem:$0xF0] =	vst v1;
	v1 =	vadd.s32 v0, v2;
	v2 =	vld [tilespmem:$0x150]  }
0x97: {  	[tilespmem:$0x100] =	vst v1;
	v1 =	vadd.s32 v0, v3;
	v3 =	vld [tilespmem:$0x160]  }
0x98: {  	v40 =	vld [tilespmem:$0x170];
	[tilespmem:$0x110] =	vst v1;
	v1 =	vadd.s32 v0, v37  }
0x99: {  	v41 =	vld [tilespmem:$0x180];
	[tilespmem:$0x120] =	vst v1;
	v1 =	vadd.s32 v0, v38  }
0x9a: {  	v42 =	vld [tilespmem:$0x190];
	[tilespmem:$0x130] =	vst v1;
	v1 =	vadd.s32 v0, v39  }
0x9b: {  	[tilespmem:$0x140] =	vst v1;
	v1 =	vadd.s32 v0, v2;
	v2 =	vld [tilespmem:$0x1A0]  }
0x9c: {  	[tilespmem:$0x150] =	vst v1;
	v1 =	vadd.s32 v0, v3;
	v3 =	vld [tilespmem:$0x1B0]  }
0x9d: {  	v43 =	vld [tilespmem:$0x1C0];
	[tilespmem:$0x160] =	vst v1;
	v1 =	vadd.s32 v0, v40  }
0x9e: {  	v44 =	vld [tilespmem:$0x1D0];
	[tilespmem:$0x170] =	vst v1;
	v1 =	vadd.s32 v0, v41  }
0x9f: {  	v45 =	vld [tilespmem:$0x1E0];
	[tilespmem:$0x180] =	vst v1;
	v1 =	vadd.s32 v0, v42  }
0xa0: {  	[tilespmem:$0x190] =	vst v1;
	v1 =	vadd.s32 v0, v2;
	v2 =	vld [tilespmem:$0x1F0]  }
0xa1: {  	[tilespmem:$0x1A0] =	vst v1;
	v1 =	vadd.s32 v0, v3  }
0xa2: {  	[tilespmem:$0x1B0] =	vst v1;
	v1 =	vadd.s32 v0, v43  }
0xa3: {  	[tilespmem:$0x1C0] =	vst v1;
	v1 =	vadd.s32 v0, v44  }
0xa4: {  	[tilespmem:$0x1D0] =	vst v1;
	v1 =	vadd.s32 v0, v45  }
0xa5: {  	[tilespmem:$0x1E0] =	vst v1;
	v1 =	vadd.s32 v0, v2  }
0xa6: {  	[tilespmem:$0x1F0] =	vst v1  }
0xa7: {  	[spmem:s1] =	stream.indirect.scatter.add.f32 [tilespmem:s18], [sflag:$0x1], $0x80, s3, s18, $0xb8;
	[tilespmem:$0x14400] =	vst v63  }
0xa8: {  	_ =	swait.ge [sflag:s17], $0x10000  }
0xa9: {  	[sflag:s17] =	ssyncset.done $0x0  }
0xaa: {  	[sflag:s17] =	ssyncadd.s32 $0xFFFF0000  }
0xab: {  	[tilespmem:s3], [sflag:$0x1] =	stream.linear.gather [hbm4b:s11+s3], $0x200, $0x38;
	[tilespmem:$0x14400] =	vst v63  }
0xac: {  	_ =	swait.ge [sflag:s17], $0x200  }
0xad: {  	[sflag:s17] =	ssyncset.done $0x0  }
0xae: {  	[sflag:s17] =	ssyncadd.s32 $0xFFFFFE00  }
0xaf: {  	v1 =	vld [tilespmem:$0x0]  }
0xb0: {  	v2 =	vld [tilespmem:$0x10]  }
0xb1: {  	v3 =	vld [tilespmem:$0x20]  }
0xb2: {  	v46 =	vld [tilespmem:$0x30]  }
0xb3: {  	v47 =	vld [tilespmem:$0x40]  }
0xb4: {  	v48 =	vld [tilespmem:$0x50];
	v1 =	vadd.s32 v0, v1  }
0xb5: {  	[tilespmem:$0x0] =	vst v1;
	v1 =	vadd.s32 v0, v2;
	v2 =	vld [tilespmem:$0x60]  }
0xb6: {  	[tilespmem:$0x10] =	vst v1;
	v1 =	vadd.s32 v0, v3;
	v3 =	vld [tilespmem:$0x70]  }
0xb7: {  	v49 =	vld [tilespmem:$0x80];
	[tilespmem:$0x20] =	vst v1;
	v1 =	vadd.s32 v0, v46  }
0xb8: {  	v50 =	vld [tilespmem:$0x90];
	[tilespmem:$0x30] =	vst v1;
	v1 =	vadd.s32 v0, v47  }
0xb9: {  	v51 =	vld [tilespmem:$0xA0];
	[tilespmem:$0x40] =	vst v1;
	v1 =	vadd.s32 v0, v48  }
0xba: {  	[tilespmem:$0x50] =	vst v1;
	v1 =	vadd.s32 v0, v2;
	v2 =	vld [tilespmem:$0xB0]  }
0xbb: {  	[tilespmem:$0x60] =	vst v1;
	v1 =	vadd.s32 v0, v3;
	v3 =	vld [tilespmem:$0xC0]  }
0xbc: {  	v52 =	vld [tilespmem:$0xD0];
	[tilespmem:$0x70] =	vst v1;
	v1 =	vadd.s32 v0, v49  }
0xbd: {  	v53 =	vld [tilespmem:$0xE0];
	[tilespmem:$0x80] =	vst v1;
	v1 =	vadd.s32 v0, v50  }
0xbe: {  	v54 =	vld [tilespmem:$0xF0];
	[tilespmem:$0x90] =	vst v1;
	v1 =	vadd.s32 v0, v51  }
0xbf: {  	[tilespmem:$0xA0] =	vst v1;
	v1 =	vadd.s32 v0, v2;
	v2 =	vld [tilespmem:$0x100]  }
0xc0: {  	[tilespmem:$0xB0] =	vst v1;
	v1 =	vadd.s32 v0, v3;
	v3 =	vld [tilespmem:$0x110]  }
0xc1: {  	v55 =	vld [tilespmem:$0x120];
	[tilespmem:$0xC0] =	vst v1;
	v1 =	vadd.s32 v0, v52  }
0xc2: {  	v56 =	vld [tilespmem:$0x130];
	[tilespmem:$0xD0] =	vst v1;
	v1 =	vadd.s32 v0, v53  }
0xc3: {  	v57 =	vld [tilespmem:$0x140];
	[tilespmem:$0xE0] =	vst v1;
	v1 =	vadd.s32 v0, v54  }
0xc4: {  	[tilespmem:$0xF0] =	vst v1;
	v1 =	vadd.s32 v0, v2;
	v2 =	vld [tilespmem:$0x150]  }
0xc5: {  	[tilespmem:$0x100] =	vst v1;
	v1 =	vadd.s32 v0, v3;
	v3 =	vld [tilespmem:$0x160]  }
0xc6: {  	v58 =	vld [tilespmem:$0x170];
	[tilespmem:$0x110] =	vst v1;
	v1 =	vadd.s32 v0, v55  }
0xc7: {  	v59 =	vld [tilespmem:$0x180];
	[tilespmem:$0x120] =	vst v1;
	v1 =	vadd.s32 v0, v56  }
0xc8: {  	v60 =	vld [tilespmem:$0x190];
	[tilespmem:$0x130] =	vst v1;
	v1 =	vadd.s32 v0, v57  }
0xc9: {  	[tilespmem:$0x140] =	vst v1;
	v1 =	vadd.s32 v0, v2;
	v2 =	vld [tilespmem:$0x1A0]  }
0xca: {  	[tilespmem:$0x150] =	vst v1;
	v1 =	vadd.s32 v0, v3;
	v3 =	vld [tilespmem:$0x1B0]  }
0xcb: {  	v61 =	vld [tilespmem:$0x1C0];
	[tilespmem:$0x160] =	vst v1;
	v1 =	vadd.s32 v0, v58  }
0xcc: {  	v62 =	vld [tilespmem:$0x1D0];
	[tilespmem:$0x170] =	vst v1;
	v1 =	vadd.s32 v0, v59  }
0xcd: {  	v63 =	vld [tilespmem:$0x1E0];
	[tilespmem:$0x180] =	vst v1;
	v1 =	vadd.s32 v0, v60  }
0xce: {  	[tilespmem:$0x190] =	vst v1;
	v1 =	vadd.s32 v0, v2;
	v2 =	vld [tilespmem:$0x1F0]  }
0xcf: {  	[tilespmem:$0x1A0] =	vst v1;
	v1 =	vadd.s32 v0, v3  }
0xd0: {  	[tilespmem:$0x1B0] =	vst v1;
	v1 =	vadd.s32 v0, v61  }
0xd1: {  	[tilespmem:$0x1C0] =	vst v1;
	v1 =	vadd.s32 v0, v62  }
0xd2: {  	[tilespmem:$0x1D0] =	vst v1;
	v1 =	vadd.s32 v0, v63  }
0xd3: {  	[tilespmem:$0x1E0] =	vst v1;
	v1 =	vadd.s32 v0, v2  }
0xd4: {  	[tilespmem:$0x1F0] =	vst v1  }
0xd5: {  	[spmem:s1] =	stream.indirect.scatter.add.f32 [tilespmem:s18], [sflag:$0x1], $0x80, s3, s18, $0xb8;
	[tilespmem:$0x14400] =	vst v63  }
0xd6: {  	_ =	swait.ge [sflag:s17], $0x10000  }
0xd7: {  	[sflag:s17] =	ssyncset.done $0x0  }
0xd8: {  	[sflag:s17] =	ssyncadd.s32 $0xFFFF0000  }
0xd9: {  	s21 =	simm.s32 @!p0 $0x200;
	[bflag:$0x0] =	sbarrier.arrive $0xFFFF  }
0xda: {  	[tilespmem:s21], [sflag:$0x1] =	stream.linear.gather @!p0 [spmem:s1], $0x10000, $0x38;
	[tilespmem:$0x14400] =	vst v63  }
0xdb: {  	_ =	swait.ge @!p0 [sflag:s19], $0x10000  }
0xdc: {  	[sflag:s19] =	ssyncset.done @!p0 $0x0  }
0xdd: {  	s22 =	simm.s32 @!p0 $0x0;
	[sflag:s19] =	ssyncadd.s32 @!p0 $0xFFFF0000  }
0xde: {  	[tilespmem:s22], [sflag:$0x1] =	stream.linear.gather @!p0 [hbm4b:s6+s22], $0x200, $0x38;
	[tilespmem:$0x14400] =	vst v63  }
0xdf: {  	_ =	swait.ge @!p0 [sflag:s19], $0x200  }
0xe0: {  	[sflag:s19] =	ssyncset.done @!p0 $0x0  }
0xe1: {  	[sflag:s19] =	ssyncadd.s32 @!p0 $0xFFFFFE00  }
0xe2: {  	[spmem:s2] =	stream.indirect.scatter.add.f32 @!p0 [tilespmem:s21], [sflag:$0x1], $0x80, s22, s21, $0xb8;
	[tilespmem:$0x14400] =	vst v63  }
0xe3: {  	_ =	swait.ge @!p0 [sflag:s19], $0x10000  }
0xe4: {  	[sflag:s19] =	ssyncset.done @!p0 $0x0  }
0xe5: {  	[sflag:s19] =	ssyncadd.s32 @!p0 $0xFFFF0000  }
0xe6: {  	[tilespmem:s21], [sflag:$0x1] =	stream.linear.gather @!p0 [spmem:s12], $0x10000, $0x38;
	[tilespmem:$0x14400] =	vst v63  }
0xe7: {  	_ =	swait.ge @!p0 [sflag:s19], $0x10000  }
0xe8: {  	[sflag:s19] =	ssyncset.done @!p0 $0x0  }
0xe9: {  	[sflag:s19] =	ssyncadd.s32 @!p0 $0xFFFF0000  }
0xea: {  	[tilespmem:s22], [sflag:$0x1] =	stream.linear.gather @!p0 [hbm4b:s13+s22], $0x200, $0x38;
	[tilespmem:$0x14400] =	vst v63  }
0xeb: {  	_ =	swait.ge @!p0 [sflag:s19], $0x200  }
0xec: {  	[sflag:s19] =	ssyncset.done @!p0 $0x0  }
0xed: {  	[sflag:s19] =	ssyncadd.s32 @!p0 $0xFFFFFE00  }
0xee: {  	[spmem:s2] =	stream.indirect.scatter.add.f32 @!p0 [tilespmem:s21], [sflag:$0x1], $0x80, s22, s21, $0xb8;
	[tilespmem:$0x14400] =	vst v63  }
0xef: {  	_ =	swait.ge @!p0 [sflag:s19], $0x10000  }
0xf0: {  	[sflag:s19] =	ssyncset.done @!p0 $0x0  }
0xf1: {  	[sflag:s19] =	ssyncadd.s32 @!p0 $0xFFFF0000  }
0xf2: {  	[tilespmem:s20], [sflag:$0x1] =	stream.linear.gather @!p0 [spmem:s2], $0x2000, $0x38;
	[tilespmem:$0x14400] =	vst v63  }
0xf3: {  	s15 =	sadd.s32 $0xFFFFFFFF, s15;
	_ =	swait.ge @!p0 [sflag:s19], $0x2000  }
0xf4: {  	p1 =	sne.s32 s15, $0x0;
	[sflag:s19] =	ssyncset.done @!p0 $0x0  }
.Ltmp0:
0xf5: {  	[sflag:s19] =	ssyncadd.s32 @!p0 $0xFFFFE000;
	(pc) =	sbr.rel @p1 .LBB2_1-.Ltmp0, $4  }
0xf6: {  	[hbm4b:s14+s22] =	stream.linear.scatter @!p0 [tilespmem:s20], [sflag:$0x1], $0x2000, $0x38;
	[tilespmem:$0x14400] =	vst v63  }
0xf7: {  	_ =	swait.ge @!p0 [sflag:s19], $0x2000  }
0xf8: {  	[sflag:s19] =	ssyncset.done @!p0 $0x0  }
0xf9: {  	[sflag:s19] =	ssyncadd.s32 @!p0 $0xFFFFE000  }
0xfa: {  	_ =	sfence.sel $0x180000  }
0xfb: {  	[bflag:$0x0] =	sbarrier.arrive $0xFFFF  }
0xfc: {  	_ =	strace $0x90000047  }
0xfd: {  	s0 =	sadd.s32 @!p0 $0x100000, s0;
	[bflag:$0x2] =	sbarrier.arrive $0xFFFF  }
0xfe: {  	[sflag:s0] =	ssyncadd.tile.s32 @!p0 $0x1;
	_ =	shalt  }
.Lfunc_end2:
_tile_overlayer_lowered:
.L_overlay_start_2:
0xff: {  	(tag) =	ssettag $0x2  }
0x100: {  	s0 =	rddreg [dreg:$0x0];
	s2 =	stileid.u32  }
0x101: {  	s1 =	rddreg [dreg:$0x1];
	p0 =	sne.s32 s2, $0x0  }
0x102: {  	s3 =	rddreg [dreg:$0x2];
	[bflag:$0x3] =	sbarrier.arrive $0xFFFF;
	s2 =	simm.s32 @!p0 $0x1C01  }
0x103: {  	[timem:s3], [sflag:s2] =	dma.local @!p0 [hbm:s0], s1  }
0x104: {  	s0 =	simm.s32 @!p0 $0x1  }
0x105: {  	_ =	swait.ge @!p0 [sflag:s0], s1  }
0x106: {  	s1 =	ssub.s32 @!p0 $0x0, s1;
	[sflag:s0] =	ssyncset.done @!p0 $0x0  }
0x107: {  	[sflag:s0] =	ssyncadd.s32 @!p0 s1  }
0x108: {  	[bflag:$0x3] =	sbarrier.arrive $0xFFFF  }
0x109: {  	_ =	shalt  }

</sc_bundles>
